<compile_context>
chip_gen: v7x
topology: tpu7x:2x2x1
jax: 0.10.2.dev20260603
libtpu: 0.0.44.dev20260713+nightly
codegen_flags: <defaults>
</compile_context>

<pallas_src>
import functools

import jax
import jax.numpy as jnp
from jax import lax
from jax.experimental import pallas as pl
from jax.experimental.pallas import tpu as pltpu
from jax.experimental.pallas import tpu_sc as plsc

N = 100000
E = 6400000
D = 8
W = 2048
NWIN = E // W
NC, NS, L = 2, 16, 16
NWORK = NC * NS
IG = W // L
FULL = NWIN // NWORK
EXTRA = NWIN - FULL * NWORK
ZR = 1000
XR = 10000
XC = 2000

_mesh = plsc.VectorSubcoreMesh(
    core_axis_name="c", subcore_axis_name="s", num_cores=NC, num_subcores=NS
)


def _sc_body(diff_hbm, idx_hbm, part_hbm, de_hbm,
             dx_v, dy_v, dz_v, ic_v, jc_v, ex_v, ey_v, ez_v,
             pos_v, neg_v, idx_i, idx_j, zbuf, ebuf, fx_v, facc,
             sem_in, sem_sc, sem_de):
    cid = lax.axis_index("c")
    sid = lax.axis_index("s")
    wid = sid * NC + cid
    iot = lax.iota(jnp.int32, L)
    zero16 = jnp.zeros((L,), jnp.float32)
    c0 = iot * 0
    c1 = c0 + 1
    c2 = c0 + 2

    def _zb(p, carry):
        fp = p * L + iot
        plsc.store_scatter(zbuf, [fp // D, fp % D], zero16)
        return carry

    lax.fori_loop(0, (ZR * D) // L, _zb, 0)

    def _zv(p, carry):
        fp = p * L + iot
        plsc.store_scatter(pos_v, [fp // D, fp % D], zero16)
        plsc.store_scatter(neg_v, [fp // D, fp % D], zero16)
        return carry

    lax.fori_loop(0, (W * D) // L, _zv, 0)

    @pl.when(sid < 10)
    def _zero_facc():
        for k in range(XR // ZR):
            pltpu.sync_copy(
                zbuf,
                facc.at[pl.ds(sid * XR + k * ZR, ZR), :],
            )
    plsc.subcore_barrier()

    nwin_me = FULL + jnp.where(wid < EXTRA, 1, 0)

    def _mk_in(base):
        return [
            pltpu.make_async_copy(diff_hbm.at[0, pl.ds(base, W)], dx_v, sem_in),
            pltpu.make_async_copy(diff_hbm.at[1, pl.ds(base, W)], dy_v, sem_in),
            pltpu.make_async_copy(diff_hbm.at[2, pl.ds(base, W)], dz_v, sem_in),
            pltpu.make_async_copy(idx_hbm.at[0, pl.ds(base, W)], ic_v, sem_in),
            pltpu.make_async_copy(idx_hbm.at[1, pl.ds(base, W)], jc_v, sem_in),
        ]

    for d in _mk_in(wid * W):
        d.start()

    def _win(t, carry):
        win = wid + t * NWORK
        base = win * W
        for d in _mk_in(base):
            d.wait()

        def _sg(g, carry2):
            s = pl.ds(g * L, L)
            r = g * L + iot
            vx = dx_v[s]
            vy = dy_v[s]
            vz = dz_v[s]
            v2x = vx + vx
            v2y = vy + vy
            v2z = vz + vz
            ex_v[s] = v2x
            ey_v[s] = v2y
            ez_v[s] = v2z
            plsc.store_scatter(pos_v, [r, c0], v2x)
            plsc.store_scatter(pos_v, [r, c1], v2y)
            plsc.store_scatter(pos_v, [r, c2], v2z)
            plsc.store_scatter(neg_v, [r, c0], -v2x)
            plsc.store_scatter(neg_v, [r, c1], -v2y)
            plsc.store_scatter(neg_v, [r, c2], -v2z)
            idx_i[0, s] = ic_v[s]
            idx_j[0, s] = jc_v[s]
            return carry2

        lax.fori_loop(0, IG, _sg, 0)

        descs = [
            pltpu.async_copy(pos_v, facc.at[idx_i.at[0]], sem_sc, add=True),
            pltpu.async_copy(neg_v, facc.at[idx_j.at[0]], sem_sc, add=True),
            pltpu.async_copy(ex_v, de_hbm.at[0, pl.ds(base, W)], sem_de),
            pltpu.async_copy(ey_v, de_hbm.at[1, pl.ds(base, W)], sem_de),
            pltpu.async_copy(ez_v, de_hbm.at[2, pl.ds(base, W)], sem_de),
        ]

        @pl.when(t + 1 < nwin_me)
        def _pf():
            for d in _mk_in((wid + (t + 1) * NWORK) * W):
                d.start()

        for d in descs:
            d.wait()
        return carry

    lax.fori_loop(0, nwin_me, _win, 0)

    plsc.subcore_barrier()

    @pl.when(sid < 10)
    def _extract():
        for k in range(XR // XC):
            pltpu.sync_copy(
                facc.at[pl.ds(sid * XR + k * XC, XC), :], ebuf)
            for comp in range(3):
                cc = iot * 0 + comp

                def _xg(g, carry3, cc=cc):
                    r = g * L + iot
                    v = plsc.load_gather(ebuf, [r, cc])
                    fx_v[pl.ds(g * L, L)] = v
                    return carry3

                lax.fori_loop(0, XC // L, _xg, 0)
                pltpu.sync_copy(
                    fx_v,
                    part_hbm.at[cid, comp, pl.ds(sid * XR + k * XC, XC)])


_sc_kernel = functools.partial(
    pl.kernel,
    out_type=(
        jax.ShapeDtypeStruct((NC, 3, N), jnp.float32),
        jax.ShapeDtypeStruct((3, E), jnp.float32),
    ),
    mesh=_mesh,
    compiler_params=pltpu.CompilerParams(
        needs_layout_passes=False, use_tc_tiling_on_sc=False),
    scratch_types=(
        pltpu.VMEM((W,), jnp.float32),
        pltpu.VMEM((W,), jnp.float32),
        pltpu.VMEM((W,), jnp.float32),
        pltpu.VMEM((W,), jnp.int32),
        pltpu.VMEM((W,), jnp.int32),
        pltpu.VMEM((W,), jnp.float32),
        pltpu.VMEM((W,), jnp.float32),
        pltpu.VMEM((W,), jnp.float32),
        pltpu.VMEM((W, D), jnp.float32),
        pltpu.VMEM((W, D), jnp.float32),
        pltpu.VMEM((1, W), jnp.int32),
        pltpu.VMEM((1, W), jnp.int32),
        pltpu.VMEM((ZR, D), jnp.float32),
        pltpu.VMEM((XC, D), jnp.float32),
        pltpu.VMEM((XC,), jnp.float32),
        pltpu.VMEM_SHARED((N, D), jnp.float32),
        pltpu.SemaphoreType.DMA,
        pltpu.SemaphoreType.DMA,
        pltpu.SemaphoreType.DMA,
    ),
)(_sc_body)


def _combine_body(p_ref, o_ref):
    o_ref[...] = p_ref[0] + p_ref[1]


_combine_call = pl.pallas_call(
    _combine_body,
    out_shape=jax.ShapeDtypeStruct((3, N), jnp.float32),
)


def kernel(edge_diff, edge_idx, n_atoms):
    del n_atoms
    part_t, de_t = _sc_kernel(edge_diff.T, edge_idx.T)
    forces_t = _combine_call(part_t)
    return forces_t.T, de_t.T

# --- scband reference (transcript-rebuilt; emitter-appended) ---
"""Pipeline reference for scband-gradient-output-12850542149773 (READ-ONLY COPY).

The authoritative reference and input builder live on the scoring server;
editing this copy changes nothing except your own understanding.
"""

import jax, jax.numpy as jnp
import numpy as np


def setup_inputs(seed: int = 0) -> dict:
    key = jax.random.key(seed)
    k1, k2 = jax.random.split(key)
    E = 6400000
    N = 100000
    edge_diff = jax.random.normal(k1, (E, 3), dtype=jnp.float32)
    edge_idx = jax.random.randint(k2, (E, 2), 0, N)
    return {"edge_diff": edge_diff, "edge_idx": edge_idx, "n_atoms": N}


def reference(edge_diff, edge_idx, n_atoms):
    # Surrogate differentiable energy attached to edge_diff (mirrors the torch
    # module, which receives an energy tensor with an autograd graph through
    # edge_diff). Energy = sum_e ||edge_diff_e||^2.
    def _energy(ed):
        return jnp.sum(jnp.sum(ed * ed, axis=-1))

    energy, vjp_fn = jax.vjp(_energy, edge_diff)
    # grad_outputs = ones_like(energy)
    (dE_ddiff,) = vjp_fn(jnp.ones_like(energy))

    forces_dim = 100000
    idx = edge_idx + n_atoms * 0
    i_forces = jnp.zeros((forces_dim, 3), dtype=edge_diff.dtype).at[idx[:, 0]].add(dE_ddiff)
    j_forces = jnp.zeros((forces_dim, 3), dtype=edge_diff.dtype).at[idx[:, 1]].add(-dE_ddiff)
    forces = i_forces + j_forces
    # compute_edge_forces=True -> also return edge forces (dE_ddiff)
    return forces, dE_ddiff

if __name__ == "__main__":
    import jax
    _d = setup_inputs()
    print(jax.jit(kernel)(*tuple(_d.values())))

</pallas_src>

<mosaic_0001>
#map = affine_map<(d0, d1) -> (0, 0)>
#map1 = affine_map<(d0, d1) -> (0, 0, 0)>
module attributes {stable_mosaic.version = 14 : i64} {
  func.func @_sc_body(%arg0: i32, %arg1: i32, %arg2: memref<3x6400000xf32, #tpu.memory_space<hbm>>, %arg3: memref<2x6400000xi32, #tpu.memory_space<hbm>>, %arg4: memref<2x3x100000xf32, #tpu.memory_space<hbm>>, %arg5: memref<3x6400000xf32, #tpu.memory_space<hbm>>, %arg6: memref<2048xf32, #tpu.memory_space<vmem>>, %arg7: memref<2048xf32, #tpu.memory_space<vmem>>, %arg8: memref<2048xf32, #tpu.memory_space<vmem>>, %arg9: memref<2048xi32, #tpu.memory_space<vmem>>, %arg10: memref<2048xi32, #tpu.memory_space<vmem>>, %arg11: memref<2048xf32, #tpu.memory_space<vmem>>, %arg12: memref<2048xf32, #tpu.memory_space<vmem>>, %arg13: memref<2048xf32, #tpu.memory_space<vmem>>, %arg14: memref<2048x8xf32, #tpu.memory_space<vmem>>, %arg15: memref<2048x8xf32, #tpu.memory_space<vmem>>, %arg16: memref<1x2048xi32, #tpu.memory_space<vmem>>, %arg17: memref<1x2048xi32, #tpu.memory_space<vmem>>, %arg18: memref<1000x8xf32, #tpu.memory_space<vmem>>, %arg19: memref<2000x8xf32, #tpu.memory_space<vmem>>, %arg20: memref<2000xf32, #tpu.memory_space<vmem>>, %arg21: memref<100000x8xf32, #tpu.memory_space<vmem_shared>>, %arg22: memref<!tpu.dma_semaphore, #tpu.memory_space<semaphore_mem>>, %arg23: memref<!tpu.dma_semaphore, #tpu.memory_space<semaphore_mem>>, %arg24: memref<!tpu.dma_semaphore, #tpu.memory_space<semaphore_mem>>) attributes {dimension_semantics = [#tpu.dimension_semantics<core_parallel>, #tpu.dimension_semantics<subcore_parallel>], iteration_bounds = array<i64: 2, 16>, scalar_prefetch = 0 : i64, scratch_operands = 19 : i64, tpu.core_type = #tpu.core_type<sc_vector_subcore>, window_params = [{transform_indices = #map}, {transform_indices = #map}, {transform_indices = #map1}, {transform_indices = #map}]} {
    %mul3A = arith.constant 2 : i32
    %mul3A_0 = arith.muli %arg1, %mul3A : i32
    %add3A = arith.addi %mul3A_0, %arg0 : i32
    %iota3A = tpu.iota {dimensions = array<i32: 0>} : vector<16xi32>
    %broadcast_in_dim3A = arith.constant 0.000000e+00 : f32
    %broadcast_in_dim3A_1 = vector.broadcast %broadcast_in_dim3A : f32 to vector<16xf32>
    %mul3A_2 = arith.constant 0 : i32
    %mul3A_3 = vector.broadcast %mul3A_2 : i32 to vector<16xi32>
    %mul3A_4 = arith.muli %iota3A, %mul3A_3 : vector<16xi32>
    %add3A_5 = arith.constant 1 : i32
    %add3A_6 = vector.broadcast %add3A_5 : i32 to vector<16xi32>
    %add3A_7 = arith.addi %mul3A_4, %add3A_6 : vector<16xi32>
    %add3A_8 = arith.constant 2 : i32
    %add3A_9 = vector.broadcast %add3A_8 : i32 to vector<16xi32>
    %add3A_10 = arith.addi %mul3A_4, %add3A_9 : vector<16xi32>
    %scan3A = arith.constant 0 : i32
    %scan3A_11 = arith.constant 0 : i32
    %scan3A_12 = arith.constant 500 : i32
    %scan3A_13 = arith.addi %scan3A_11, %scan3A_12 : i32
    %scan3A_14 = arith.constant 1 : i32
    scf.for %scan3A_70 = %scan3A_11 to %scan3A_13 step %scan3A_14  : i32 {
      %mul3A_71 = arith.constant 16 : i32
      %mul3A_72 = arith.muli %scan3A_70, %mul3A_71 : i32
      %add3A_73 = vector.broadcast %mul3A_72 : i32 to vector<16xi32>
      %add3A_74 = arith.addi %add3A_73, %iota3A : vector<16xi32>
      %jit3A_75 = arith.constant 8 : i32
      %div3A = vector.broadcast %jit3A_75 : i32 to vector<16xi32>
      %div3A_76 = arith.divsi %add3A_74, %div3A : vector<16xi32>
      %sign3A = arith.constant 0 : i32
      %sign3A_77 = vector.broadcast %sign3A : i32 to vector<16xi32>
      %sign3A_78 = arith.cmpi sgt, %add3A_74, %sign3A_77 : vector<16xi32>
      %sign3A_79 = arith.extui %sign3A_78 : vector<16xi1> to vector<16xi32>
      %sign3A_80 = arith.constant 0 : i32
      %sign3A_81 = vector.broadcast %sign3A_80 : i32 to vector<16xi32>
      %sign3A_82 = arith.cmpi slt, %add3A_74, %sign3A_81 : vector<16xi32>
      %sign3A_83 = arith.extui %sign3A_82 : vector<16xi1> to vector<16xi32>
      %sign3A_84 = arith.subi %sign3A_79, %sign3A_83 : vector<16xi32>
      %sign3A_85 = arith.constant 0 : i32
      %sign3A_86 = arith.cmpi sgt, %jit3A_75, %sign3A_85 : i32
      %sign3A_87 = arith.extui %sign3A_86 : i1 to i32
      %sign3A_88 = arith.constant 0 : i32
      %sign3A_89 = arith.cmpi slt, %jit3A_75, %sign3A_88 : i32
      %sign3A_90 = arith.extui %sign3A_89 : i1 to i32
      %sign3A_91 = arith.subi %sign3A_87, %sign3A_90 : i32
      %ne3A = vector.broadcast %sign3A_91 : i32 to vector<16xi32>
      %ne3A_92 = arith.cmpi ne, %sign3A_84, %ne3A : vector<16xi32>
      %rem3A = vector.broadcast %jit3A_75 : i32 to vector<16xi32>
      %rem3A_93 = arith.remsi %add3A_74, %rem3A : vector<16xi32>
      %ne3A_94 = arith.constant 0 : i32
      %ne3A_95 = vector.broadcast %ne3A_94 : i32 to vector<16xi32>
      %ne3A_96 = arith.cmpi ne, %rem3A_93, %ne3A_95 : vector<16xi32>
      %and3A = arith.andi %ne3A_92, %ne3A_96 : vector<16xi1>
      %sub3A = arith.constant 1 : i32
      %sub3A_97 = vector.broadcast %sub3A : i32 to vector<16xi32>
      %sub3A_98 = arith.subi %div3A_76, %sub3A_97 : vector<16xi32>
      %select_n3A_99 = arith.select %and3A, %sub3A_98, %div3A_76 : vector<16xi1>, vector<16xi32>
      %jit3A_100 = arith.constant 8 : i32
      %eq3A = arith.constant 0 : i32
      %eq3A_101 = arith.cmpi eq, %jit3A_100, %eq3A : i32
      %jit3A_102 = arith.constant 1 : i32
      %select_n3A_103 = arith.select %eq3A_101, %jit3A_102, %jit3A_100 : i32
      %rem3A_104 = vector.broadcast %select_n3A_103 : i32 to vector<16xi32>
      %rem3A_105 = arith.remsi %add3A_74, %rem3A_104 : vector<16xi32>
      %ne3A_106 = arith.constant 0 : i32
      %ne3A_107 = vector.broadcast %ne3A_106 : i32 to vector<16xi32>
      %ne3A_108 = arith.cmpi ne, %rem3A_105, %ne3A_107 : vector<16xi32>
      %lt3A_109 = arith.constant 0 : i32
      %lt3A_110 = vector.broadcast %lt3A_109 : i32 to vector<16xi32>
      %lt3A_111 = arith.cmpi slt, %rem3A_105, %lt3A_110 : vector<16xi32>
      %lt3A_112 = arith.constant 0 : i32
      %lt3A_113 = arith.cmpi slt, %select_n3A_103, %lt3A_112 : i32
      %ne3A_114 = vector.broadcast %lt3A_113 : i1 to vector<16xi1>
      %ne3A_115 = vector.broadcast %ne3A_114 : vector<16xi1> to vector<16xi1>
      %ne3A_116 = arith.xori %lt3A_111, %ne3A_115 : vector<16xi1>
      %and3A_117 = arith.andi %ne3A_116, %ne3A_108 : vector<16xi1>
      %add3A_118 = vector.broadcast %select_n3A_103 : i32 to vector<16xi32>
      %add3A_119 = arith.addi %rem3A_105, %add3A_118 : vector<16xi32>
      %select_n3A_120 = arith.select %and3A_117, %add3A_119, %rem3A_105 : vector<16xi1>, vector<16xi32>
      tpu.vector_store_idx %arg18[%select_n3A_99, %select_n3A_120], %broadcast_in_dim3A_1 : memref<1000x8xf32, #tpu.memory_space<vmem>>[vector<16xi32>, vector<16xi32>], vector<16xf32>,
    }
    %scan3A_15 = arith.constant 500 : i32
    %scan3A_16 = arith.constant 0 : i32
    %scan3A_17 = arith.constant 0 : i32
    %scan3A_18 = arith.constant 1024 : i32
    %scan3A_19 = arith.addi %scan3A_17, %scan3A_18 : i32
    %scan3A_20 = arith.constant 1 : i32
    scf.for %scan3A_70 = %scan3A_17 to %scan3A_19 step %scan3A_20  : i32 {
      %mul3A_71 = arith.constant 16 : i32
      %mul3A_72 = arith.muli %scan3A_70, %mul3A_71 : i32
      %add3A_73 = vector.broadcast %mul3A_72 : i32 to vector<16xi32>
      %add3A_74 = arith.addi %add3A_73, %iota3A : vector<16xi32>
      %jit3A_75 = arith.constant 8 : i32
      %div3A = vector.broadcast %jit3A_75 : i32 to vector<16xi32>
      %div3A_76 = arith.divsi %add3A_74, %div3A : vector<16xi32>
      %sign3A = arith.constant 0 : i32
      %sign3A_77 = vector.broadcast %sign3A : i32 to vector<16xi32>
      %sign3A_78 = arith.cmpi sgt, %add3A_74, %sign3A_77 : vector<16xi32>
      %sign3A_79 = arith.extui %sign3A_78 : vector<16xi1> to vector<16xi32>
      %sign3A_80 = arith.constant 0 : i32
      %sign3A_81 = vector.broadcast %sign3A_80 : i32 to vector<16xi32>
      %sign3A_82 = arith.cmpi slt, %add3A_74, %sign3A_81 : vector<16xi32>
      %sign3A_83 = arith.extui %sign3A_82 : vector<16xi1> to vector<16xi32>
      %sign3A_84 = arith.subi %sign3A_79, %sign3A_83 : vector<16xi32>
      %sign3A_85 = arith.constant 0 : i32
      %sign3A_86 = arith.cmpi sgt, %jit3A_75, %sign3A_85 : i32
      %sign3A_87 = arith.extui %sign3A_86 : i1 to i32
      %sign3A_88 = arith.constant 0 : i32
      %sign3A_89 = arith.cmpi slt, %jit3A_75, %sign3A_88 : i32
      %sign3A_90 = arith.extui %sign3A_89 : i1 to i32
      %sign3A_91 = arith.subi %sign3A_87, %sign3A_90 : i32
      %ne3A = vector.broadcast %sign3A_91 : i32 to vector<16xi32>
      %ne3A_92 = arith.cmpi ne, %sign3A_84, %ne3A : vector<16xi32>
      %rem3A = vector.broadcast %jit3A_75 : i32 to vector<16xi32>
      %rem3A_93 = arith.remsi %add3A_74, %rem3A : vector<16xi32>
      %ne3A_94 = arith.constant 0 : i32
      %ne3A_95 = vector.broadcast %ne3A_94 : i32 to vector<16xi32>
      %ne3A_96 = arith.cmpi ne, %rem3A_93, %ne3A_95 : vector<16xi32>
      %and3A = arith.andi %ne3A_92, %ne3A_96 : vector<16xi1>
      %sub3A = arith.constant 1 : i32
      %sub3A_97 = vector.broadcast %sub3A : i32 to vector<16xi32>
      %sub3A_98 = arith.subi %div3A_76, %sub3A_97 : vector<16xi32>
      %select_n3A_99 = arith.select %and3A, %sub3A_98, %div3A_76 : vector<16xi1>, vector<16xi32>
      %jit3A_100 = arith.constant 8 : i32
      %eq3A = arith.constant 0 : i32
      %eq3A_101 = arith.cmpi eq, %jit3A_100, %eq3A : i32
      %jit3A_102 = arith.constant 1 : i32
      %select_n3A_103 = arith.select %eq3A_101, %jit3A_102, %jit3A_100 : i32
      %rem3A_104 = vector.broadcast %select_n3A_103 : i32 to vector<16xi32>
      %rem3A_105 = arith.remsi %add3A_74, %rem3A_104 : vector<16xi32>
      %ne3A_106 = arith.constant 0 : i32
      %ne3A_107 = vector.broadcast %ne3A_106 : i32 to vector<16xi32>
      %ne3A_108 = arith.cmpi ne, %rem3A_105, %ne3A_107 : vector<16xi32>
      %lt3A_109 = arith.constant 0 : i32
      %lt3A_110 = vector.broadcast %lt3A_109 : i32 to vector<16xi32>
      %lt3A_111 = arith.cmpi slt, %rem3A_105, %lt3A_110 : vector<16xi32>
      %lt3A_112 = arith.constant 0 : i32
      %lt3A_113 = arith.cmpi slt, %select_n3A_103, %lt3A_112 : i32
      %ne3A_114 = vector.broadcast %lt3A_113 : i1 to vector<16xi1>
      %ne3A_115 = vector.broadcast %ne3A_114 : vector<16xi1> to vector<16xi1>
      %ne3A_116 = arith.xori %lt3A_111, %ne3A_115 : vector<16xi1>
      %and3A_117 = arith.andi %ne3A_116, %ne3A_108 : vector<16xi1>
      %add3A_118 = vector.broadcast %select_n3A_103 : i32 to vector<16xi32>
      %add3A_119 = arith.addi %rem3A_105, %add3A_118 : vector<16xi32>
      %select_n3A_120 = arith.select %and3A_117, %add3A_119, %rem3A_105 : vector<16xi1>, vector<16xi32>
      tpu.vector_store_idx %arg14[%select_n3A_99, %select_n3A_120], %broadcast_in_dim3A_1 : memref<2048x8xf32, #tpu.memory_space<vmem>>[vector<16xi32>, vector<16xi32>], vector<16xf32>,
      %jit3A_121 = arith.constant 8 : i32
      %div3A_122 = vector.broadcast %jit3A_121 : i32 to vector<16xi32>
      %div3A_123 = arith.divsi %add3A_74, %div3A_122 : vector<16xi32>
      %sign3A_124 = arith.constant 0 : i32
      %sign3A_125 = vector.broadcast %sign3A_124 : i32 to vector<16xi32>
      %sign3A_126 = arith.cmpi sgt, %add3A_74, %sign3A_125 : vector<16xi32>
      %sign3A_127 = arith.extui %sign3A_126 : vector<16xi1> to vector<16xi32>
      %sign3A_128 = arith.constant 0 : i32
      %sign3A_129 = vector.broadcast %sign3A_128 : i32 to vector<16xi32>
      %sign3A_130 = arith.cmpi slt, %add3A_74, %sign3A_129 : vector<16xi32>
      %sign3A_131 = arith.extui %sign3A_130 : vector<16xi1> to vector<16xi32>
      %sign3A_132 = arith.subi %sign3A_127, %sign3A_131 : vector<16xi32>
      %sign3A_133 = arith.constant 0 : i32
      %sign3A_134 = arith.cmpi sgt, %jit3A_121, %sign3A_133 : i32
      %sign3A_135 = arith.extui %sign3A_134 : i1 to i32
      %sign3A_136 = arith.constant 0 : i32
      %sign3A_137 = arith.cmpi slt, %jit3A_121, %sign3A_136 : i32
      %sign3A_138 = arith.extui %sign3A_137 : i1 to i32
      %sign3A_139 = arith.subi %sign3A_135, %sign3A_138 : i32
      %ne3A_140 = vector.broadcast %sign3A_139 : i32 to vector<16xi32>
      %ne3A_141 = arith.cmpi ne, %sign3A_132, %ne3A_140 : vector<16xi32>
      %rem3A_142 = vector.broadcast %jit3A_121 : i32 to vector<16xi32>
      %rem3A_143 = arith.remsi %add3A_74, %rem3A_142 : vector<16xi32>
      %ne3A_144 = arith.constant 0 : i32
      %ne3A_145 = vector.broadcast %ne3A_144 : i32 to vector<16xi32>
      %ne3A_146 = arith.cmpi ne, %rem3A_143, %ne3A_145 : vector<16xi32>
      %and3A_147 = arith.andi %ne3A_141, %ne3A_146 : vector<16xi1>
      %sub3A_148 = arith.constant 1 : i32
      %sub3A_149 = vector.broadcast %sub3A_148 : i32 to vector<16xi32>
      %sub3A_150 = arith.subi %div3A_123, %sub3A_149 : vector<16xi32>
      %select_n3A_151 = arith.select %and3A_147, %sub3A_150, %div3A_123 : vector<16xi1>, vector<16xi32>
      %jit3A_152 = arith.constant 8 : i32
      %eq3A_153 = arith.constant 0 : i32
      %eq3A_154 = arith.cmpi eq, %jit3A_152, %eq3A_153 : i32
      %jit3A_155 = arith.constant 1 : i32
      %select_n3A_156 = arith.select %eq3A_154, %jit3A_155, %jit3A_152 : i32
      %rem3A_157 = vector.broadcast %select_n3A_156 : i32 to vector<16xi32>
      %rem3A_158 = arith.remsi %add3A_74, %rem3A_157 : vector<16xi32>
      %ne3A_159 = arith.constant 0 : i32
      %ne3A_160 = vector.broadcast %ne3A_159 : i32 to vector<16xi32>
      %ne3A_161 = arith.cmpi ne, %rem3A_158, %ne3A_160 : vector<16xi32>
      %lt3A_162 = arith.constant 0 : i32
      %lt3A_163 = vector.broadcast %lt3A_162 : i32 to vector<16xi32>
      %lt3A_164 = arith.cmpi slt, %rem3A_158, %lt3A_163 : vector<16xi32>
      %lt3A_165 = arith.constant 0 : i32
      %lt3A_166 = arith.cmpi slt, %select_n3A_156, %lt3A_165 : i32
      %ne3A_167 = vector.broadcast %lt3A_166 : i1 to vector<16xi1>
      %ne3A_168 = vector.broadcast %ne3A_167 : vector<16xi1> to vector<16xi1>
      %ne3A_169 = arith.xori %lt3A_164, %ne3A_168 : vector<16xi1>
      %and3A_170 = arith.andi %ne3A_169, %ne3A_161 : vector<16xi1>
      %add3A_171 = vector.broadcast %select_n3A_156 : i32 to vector<16xi32>
      %add3A_172 = arith.addi %rem3A_158, %add3A_171 : vector<16xi32>
      %select_n3A_173 = arith.select %and3A_170, %add3A_172, %rem3A_158 : vector<16xi1>, vector<16xi32>
      tpu.vector_store_idx %arg15[%select_n3A_151, %select_n3A_173], %broadcast_in_dim3A_1 : memref<2048x8xf32, #tpu.memory_space<vmem>>[vector<16xi32>, vector<16xi32>], vector<16xf32>,
    }
    %scan3A_21 = arith.constant 1024 : i32
    %lt3A = arith.constant 10 : i32
    %lt3A_22 = arith.cmpi slt, %arg1, %lt3A : i32
    %convert_element_type3A = arith.extui %lt3A_22 : i1 to i32
    %cond3A = arith.constant 0 : i32
    %cond3A_23 = arith.cmpi ne, %convert_element_type3A, %cond3A : i32
    scf.if %cond3A_23 {
      %mul3A_70 = arith.constant 10000 : i32
      %mul3A_71 = arith.muli %arg1, %mul3A_70 : i32
      %add3A_72 = arith.constant 0 : i32
      %add3A_73 = arith.addi %mul3A_71, %add3A_72 : i32
      "tpu.region"() ({
        %run_scoped3A = tpu.sem_alloc : memref<!tpu.dma_semaphore, #tpu.memory_space<semaphore_mem>>
        %dma_start3A_110 = arith.constant 0 : i32
        %dma_start3A_111 = tpu.memref_slice %arg21[%add3A_73, %dma_start3A_110] : memref<100000x8xf32, #tpu.memory_space<vmem_shared>> -> memref<1000x8xf32, #tpu.memory_space<vmem_shared>>
        %dma_start3A_112 = arith.constant 0 : i32
        %dma_start3A_113 = tpu.memref_slice %arg21[%add3A_73, %dma_start3A_112] : memref<100000x8xf32, #tpu.memory_space<vmem_shared>> -> memref<1000x8xf32, #tpu.memory_space<vmem_shared>>
        tpu.enqueue_dma source(%arg18 : memref<1000x8xf32, #tpu.memory_space<vmem>>) target(%dma_start3A_113 : memref<1000x8xf32, #tpu.memory_space<vmem_shared>>) target_semaphore(%run_scoped3A : memref<!tpu.dma_semaphore, #tpu.memory_space<semaphore_mem>>)
        %dma_wait3A = arith.constant 0 : i32
        %dma_wait3A_114 = tpu.memref_slice %arg21[%add3A_73, %dma_wait3A] : memref<100000x8xf32, #tpu.memory_space<vmem_shared>> -> memref<1000x8xf32, #tpu.memory_space<vmem_shared>>
        %dma_wait3A_115 = arith.constant 0 : i32
        %dma_wait3A_116 = tpu.memref_slice %arg21[%add3A_73, %dma_wait3A_115] : memref<100000x8xf32, #tpu.memory_space<vmem_shared>> -> memref<1000x8xf32, #tpu.memory_space<vmem_shared>>
        tpu.wait_dma2 semaphore(%run_scoped3A : memref<!tpu.dma_semaphore, #tpu.memory_space<semaphore_mem>>) src(%arg18 : memref<1000x8xf32, #tpu.memory_space<vmem>>) dst(%dma_wait3A_116 : memref<1000x8xf32, #tpu.memory_space<vmem_shared>>)
        tpu.yield
      }) : () -> ()
      %mul3A_74 = arith.constant 10000 : i32
      %mul3A_75 = arith.muli %arg1, %mul3A_74 : i32
      %add3A_76 = arith.constant 1000 : i32
      %add3A_77 = arith.addi %mul3A_75, %add3A_76 : i32
      "tpu.region"() ({
        %run_scoped3A = tpu.sem_alloc : memref<!tpu.dma_semaphore, #tpu.memory_space<semaphore_mem>>
        %dma_start3A_110 = arith.constant 0 : i32
        %dma_start3A_111 = tpu.memref_slice %arg21[%add3A_77, %dma_start3A_110] : memref<100000x8xf32, #tpu.memory_space<vmem_shared>> -> memref<1000x8xf32, #tpu.memory_space<vmem_shared>>
        %dma_start3A_112 = arith.constant 0 : i32
        %dma_start3A_113 = tpu.memref_slice %arg21[%add3A_77, %dma_start3A_112] : memref<100000x8xf32, #tpu.memory_space<vmem_shared>> -> memref<1000x8xf32, #tpu.memory_space<vmem_shared>>
        tpu.enqueue_dma source(%arg18 : memref<1000x8xf32, #tpu.memory_space<vmem>>) target(%dma_start3A_113 : memref<1000x8xf32, #tpu.memory_space<vmem_shared>>) target_semaphore(%run_scoped3A : memref<!tpu.dma_semaphore, #tpu.memory_space<semaphore_mem>>)
        %dma_wait3A = arith.constant 0 : i32
        %dma_wait3A_114 = tpu.memref_slice %arg21[%add3A_77, %dma_wait3A] : memref<100000x8xf32, #tpu.memory_space<vmem_shared>> -> memref<1000x8xf32, #tpu.memory_space<vmem_shared>>
        %dma_wait3A_115 = arith.constant 0 : i32
        %dma_wait3A_116 = tpu.memref_slice %arg21[%add3A_77, %dma_wait3A_115] : memref<100000x8xf32, #tpu.memory_space<vmem_shared>> -> memref<1000x8xf32, #tpu.memory_space<vmem_shared>>
        tpu.wait_dma2 semaphore(%run_scoped3A : memref<!tpu.dma_semaphore, #tpu.memory_space<semaphore_mem>>) src(%arg18 : memref<1000x8xf32, #tpu.memory_space<vmem>>) dst(%dma_wait3A_116 : memref<1000x8xf32, #tpu.memory_space<vmem_shared>>)
        tpu.yield
      }) : () -> ()
      %mul3A_78 = arith.constant 10000 : i32
      %mul3A_79 = arith.muli %arg1, %mul3A_78 : i32
      %add3A_80 = arith.constant 2000 : i32
      %add3A_81 = arith.addi %mul3A_79, %add3A_80 : i32
      "tpu.region"() ({
        %run_scoped3A = tpu.sem_alloc : memref<!tpu.dma_semaphore, #tpu.memory_space<semaphore_mem>>
        %dma_start3A_110 = arith.constant 0 : i32
        %dma_start3A_111 = tpu.memref_slice %arg21[%add3A_81, %dma_start3A_110] : memref<100000x8xf32, #tpu.memory_space<vmem_shared>> -> memref<1000x8xf32, #tpu.memory_space<vmem_shared>>
        %dma_start3A_112 = arith.constant 0 : i32
        %dma_start3A_113 = tpu.memref_slice %arg21[%add3A_81, %dma_start3A_112] : memref<100000x8xf32, #tpu.memory_space<vmem_shared>> -> memref<1000x8xf32, #tpu.memory_space<vmem_shared>>
        tpu.enqueue_dma source(%arg18 : memref<1000x8xf32, #tpu.memory_space<vmem>>) target(%dma_start3A_113 : memref<1000x8xf32, #tpu.memory_space<vmem_shared>>) target_semaphore(%run_scoped3A : memref<!tpu.dma_semaphore, #tpu.memory_space<semaphore_mem>>)
        %dma_wait3A = arith.constant 0 : i32
        %dma_wait3A_114 = tpu.memref_slice %arg21[%add3A_81, %dma_wait3A] : memref<100000x8xf32, #tpu.memory_space<vmem_shared>> -> memref<1000x8xf32, #tpu.memory_space<vmem_shared>>
        %dma_wait3A_115 = arith.constant 0 : i32
        %dma_wait3A_116 = tpu.memref_slice %arg21[%add3A_81, %dma_wait3A_115] : memref<100000x8xf32, #tpu.memory_space<vmem_shared>> -> memref<1000x8xf32, #tpu.memory_space<vmem_shared>>
        tpu.wait_dma2 semaphore(%run_scoped3A : memref<!tpu.dma_semaphore, #tpu.memory_space<semaphore_mem>>) src(%arg18 : memref<1000x8xf32, #tpu.memory_space<vmem>>) dst(%dma_wait3A_116 : memref<1000x8xf32, #tpu.memory_space<vmem_shared>>)
        tpu.yield
      }) : () -> ()
      %mul3A_82 = arith.constant 10000 : i32
      %mul3A_83 = arith.muli %arg1, %mul3A_82 : i32
      %add3A_84 = arith.constant 3000 : i32
      %add3A_85 = arith.addi %mul3A_83, %add3A_84 : i32
      "tpu.region"() ({
        %run_scoped3A = tpu.sem_alloc : memref<!tpu.dma_semaphore, #tpu.memory_space<semaphore_mem>>
        %dma_start3A_110 = arith.constant 0 : i32
        %dma_start3A_111 = tpu.memref_slice %arg21[%add3A_85, %dma_start3A_110] : memref<100000x8xf32, #tpu.memory_space<vmem_shared>> -> memref<1000x8xf32, #tpu.memory_space<vmem_shared>>
        %dma_start3A_112 = arith.constant 0 : i32
        %dma_start3A_113 = tpu.memref_slice %arg21[%add3A_85, %dma_start3A_112] : memref<100000x8xf32, #tpu.memory_space<vmem_shared>> -> memref<1000x8xf32, #tpu.memory_space<vmem_shared>>
        tpu.enqueue_dma source(%arg18 : memref<1000x8xf32, #tpu.memory_space<vmem>>) target(%dma_start3A_113 : memref<1000x8xf32, #tpu.memory_space<vmem_shared>>) target_semaphore(%run_scoped3A : memref<!tpu.dma_semaphore, #tpu.memory_space<semaphore_mem>>)
        %dma_wait3A = arith.constant 0 : i32
        %dma_wait3A_114 = tpu.memref_slice %arg21[%add3A_85, %dma_wait3A] : memref<100000x8xf32, #tpu.memory_space<vmem_shared>> -> memref<1000x8xf32, #tpu.memory_space<vmem_shared>>
        %dma_wait3A_115 = arith.constant 0 : i32
        %dma_wait3A_116 = tpu.memref_slice %arg21[%add3A_85, %dma_wait3A_115] : memref<100000x8xf32, #tpu.memory_space<vmem_shared>> -> memref<1000x8xf32, #tpu.memory_space<vmem_shared>>
        tpu.wait_dma2 semaphore(%run_scoped3A : memref<!tpu.dma_semaphore, #tpu.memory_space<semaphore_mem>>) src(%arg18 : memref<1000x8xf32, #tpu.memory_space<vmem>>) dst(%dma_wait3A_116 : memref<1000x8xf32, #tpu.memory_space<vmem_shared>>)
        tpu.yield
      }) : () -> ()
      %mul3A_86 = arith.constant 10000 : i32
      %mul3A_87 = arith.muli %arg1, %mul3A_86 : i32
      %add3A_88 = arith.constant 4000 : i32
      %add3A_89 = arith.addi %mul3A_87, %add3A_88 : i32
      "tpu.region"() ({
        %run_scoped3A = tpu.sem_alloc : memref<!tpu.dma_semaphore, #tpu.memory_space<semaphore_mem>>
        %dma_start3A_110 = arith.constant 0 : i32
        %dma_start3A_111 = tpu.memref_slice %arg21[%add3A_89, %dma_start3A_110] : memref<100000x8xf32, #tpu.memory_space<vmem_shared>> -> memref<1000x8xf32, #tpu.memory_space<vmem_shared>>
        %dma_start3A_112 = arith.constant 0 : i32
        %dma_start3A_113 = tpu.memref_slice %arg21[%add3A_89, %dma_start3A_112] : memref<100000x8xf32, #tpu.memory_space<vmem_shared>> -> memref<1000x8xf32, #tpu.memory_space<vmem_shared>>
        tpu.enqueue_dma source(%arg18 : memref<1000x8xf32, #tpu.memory_space<vmem>>) target(%dma_start3A_113 : memref<1000x8xf32, #tpu.memory_space<vmem_shared>>) target_semaphore(%run_scoped3A : memref<!tpu.dma_semaphore, #tpu.memory_space<semaphore_mem>>)
        %dma_wait3A = arith.constant 0 : i32
        %dma_wait3A_114 = tpu.memref_slice %arg21[%add3A_89, %dma_wait3A] : memref<100000x8xf32, #tpu.memory_space<vmem_shared>> -> memref<1000x8xf32, #tpu.memory_space<vmem_shared>>
        %dma_wait3A_115 = arith.constant 0 : i32
        %dma_wait3A_116 = tpu.memref_slice %arg21[%add3A_89, %dma_wait3A_115] : memref<100000x8xf32, #tpu.memory_space<vmem_shared>> -> memref<1000x8xf32, #tpu.memory_space<vmem_shared>>
        tpu.wait_dma2 semaphore(%run_scoped3A : memref<!tpu.dma_semaphore, #tpu.memory_space<semaphore_mem>>) src(%arg18 : memref<1000x8xf32, #tpu.memory_space<vmem>>) dst(%dma_wait3A_116 : memref<1000x8xf32, #tpu.memory_space<vmem_shared>>)
        tpu.yield
      }) : () -> ()
      %mul3A_90 = arith.constant 10000 : i32
      %mul3A_91 = arith.muli %arg1, %mul3A_90 : i32
      %add3A_92 = arith.constant 5000 : i32
      %add3A_93 = arith.addi %mul3A_91, %add3A_92 : i32
      "tpu.region"() ({
        %run_scoped3A = tpu.sem_alloc : memref<!tpu.dma_semaphore, #tpu.memory_space<semaphore_mem>>
        %dma_start3A_110 = arith.constant 0 : i32
        %dma_start3A_111 = tpu.memref_slice %arg21[%add3A_93, %dma_start3A_110] : memref<100000x8xf32, #tpu.memory_space<vmem_shared>> -> memref<1000x8xf32, #tpu.memory_space<vmem_shared>>
        %dma_start3A_112 = arith.constant 0 : i32
        %dma_start3A_113 = tpu.memref_slice %arg21[%add3A_93, %dma_start3A_112] : memref<100000x8xf32, #tpu.memory_space<vmem_shared>> -> memref<1000x8xf32, #tpu.memory_space<vmem_shared>>
        tpu.enqueue_dma source(%arg18 : memref<1000x8xf32, #tpu.memory_space<vmem>>) target(%dma_start3A_113 : memref<1000x8xf32, #tpu.memory_space<vmem_shared>>) target_semaphore(%run_scoped3A : memref<!tpu.dma_semaphore, #tpu.memory_space<semaphore_mem>>)
        %dma_wait3A = arith.constant 0 : i32
        %dma_wait3A_114 = tpu.memref_slice %arg21[%add3A_93, %dma_wait3A] : memref<100000x8xf32, #tpu.memory_space<vmem_shared>> -> memref<1000x8xf32, #tpu.memory_space<vmem_shared>>
        %dma_wait3A_115 = arith.constant 0 : i32
        %dma_wait3A_116 = tpu.memref_slice %arg21[%add3A_93, %dma_wait3A_115] : memref<100000x8xf32, #tpu.memory_space<vmem_shared>> -> memref<1000x8xf32, #tpu.memory_space<vmem_shared>>
        tpu.wait_dma2 semaphore(%run_scoped3A : memref<!tpu.dma_semaphore, #tpu.memory_space<semaphore_mem>>) src(%arg18 : memref<1000x8xf32, #tpu.memory_space<vmem>>) dst(%dma_wait3A_116 : memref<1000x8xf32, #tpu.memory_space<vmem_shared>>)
        tpu.yield
      }) : () -> ()
      %mul3A_94 = arith.constant 10000 : i32
      %mul3A_95 = arith.muli %arg1, %mul3A_94 : i32
      %add3A_96 = arith.constant 6000 : i32
      %add3A_97 = arith.addi %mul3A_95, %add3A_96 : i32
      "tpu.region"() ({
        %run_scoped3A = tpu.sem_alloc : memref<!tpu.dma_semaphore, #tpu.memory_space<semaphore_mem>>
        %dma_start3A_110 = arith.constant 0 : i32
        %dma_start3A_111 = tpu.memref_slice %arg21[%add3A_97, %dma_start3A_110] : memref<100000x8xf32, #tpu.memory_space<vmem_shared>> -> memref<1000x8xf32, #tpu.memory_space<vmem_shared>>
        %dma_start3A_112 = arith.constant 0 : i32
        %dma_start3A_113 = tpu.memref_slice %arg21[%add3A_97, %dma_start3A_112] : memref<100000x8xf32, #tpu.memory_space<vmem_shared>> -> memref<1000x8xf32, #tpu.memory_space<vmem_shared>>
        tpu.enqueue_dma source(%arg18 : memref<1000x8xf32, #tpu.memory_space<vmem>>) target(%dma_start3A_113 : memref<1000x8xf32, #tpu.memory_space<vmem_shared>>) target_semaphore(%run_scoped3A : memref<!tpu.dma_semaphore, #tpu.memory_space<semaphore_mem>>)
        %dma_wait3A = arith.constant 0 : i32
        %dma_wait3A_114 = tpu.memref_slice %arg21[%add3A_97, %dma_wait3A] : memref<100000x8xf32, #tpu.memory_space<vmem_shared>> -> memref<1000x8xf32, #tpu.memory_space<vmem_shared>>
        %dma_wait3A_115 = arith.constant 0 : i32
        %dma_wait3A_116 = tpu.memref_slice %arg21[%add3A_97, %dma_wait3A_115] : memref<100000x8xf32, #tpu.memory_space<vmem_shared>> -> memref<1000x8xf32, #tpu.memory_space<vmem_shared>>
        tpu.wait_dma2 semaphore(%run_scoped3A : memref<!tpu.dma_semaphore, #tpu.memory_space<semaphore_mem>>) src(%arg18 : memref<1000x8xf32, #tpu.memory_space<vmem>>) dst(%dma_wait3A_116 : memref<1000x8xf32, #tpu.memory_space<vmem_shared>>)
        tpu.yield
      }) : () -> ()
      %mul3A_98 = arith.constant 10000 : i32
      %mul3A_99 = arith.muli %arg1, %mul3A_98 : i32
      %add3A_100 = arith.constant 7000 : i32
      %add3A_101 = arith.addi %mul3A_99, %add3A_100 : i32
      "tpu.region"() ({
        %run_scoped3A = tpu.sem_alloc : memref<!tpu.dma_semaphore, #tpu.memory_space<semaphore_mem>>
        %dma_start3A_110 = arith.constant 0 : i32
        %dma_start3A_111 = tpu.memref_slice %arg21[%add3A_101, %dma_start3A_110] : memref<100000x8xf32, #tpu.memory_space<vmem_shared>> -> memref<1000x8xf32, #tpu.memory_space<vmem_shared>>
        %dma_start3A_112 = arith.constant 0 : i32
        %dma_start3A_113 = tpu.memref_slice %arg21[%add3A_101, %dma_start3A_112] : memref<100000x8xf32, #tpu.memory_space<vmem_shared>> -> memref<1000x8xf32, #tpu.memory_space<vmem_shared>>
        tpu.enqueue_dma source(%arg18 : memref<1000x8xf32, #tpu.memory_space<vmem>>) target(%dma_start3A_113 : memref<1000x8xf32, #tpu.memory_space<vmem_shared>>) target_semaphore(%run_scoped3A : memref<!tpu.dma_semaphore, #tpu.memory_space<semaphore_mem>>)
        %dma_wait3A = arith.constant 0 : i32
        %dma_wait3A_114 = tpu.memref_slice %arg21[%add3A_101, %dma_wait3A] : memref<100000x8xf32, #tpu.memory_space<vmem_shared>> -> memref<1000x8xf32, #tpu.memory_space<vmem_shared>>
        %dma_wait3A_115 = arith.constant 0 : i32
        %dma_wait3A_116 = tpu.memref_slice %arg21[%add3A_101, %dma_wait3A_115] : memref<100000x8xf32, #tpu.memory_space<vmem_shared>> -> memref<1000x8xf32, #tpu.memory_space<vmem_shared>>
        tpu.wait_dma2 semaphore(%run_scoped3A : memref<!tpu.dma_semaphore, #tpu.memory_space<semaphore_mem>>) src(%arg18 : memref<1000x8xf32, #tpu.memory_space<vmem>>) dst(%dma_wait3A_116 : memref<1000x8xf32, #tpu.memory_space<vmem_shared>>)
        tpu.yield
      }) : () -> ()
      %mul3A_102 = arith.constant 10000 : i32
      %mul3A_103 = arith.muli %arg1, %mul3A_102 : i32
      %add3A_104 = arith.constant 8000 : i32
      %add3A_105 = arith.addi %mul3A_103, %add3A_104 : i32
      "tpu.region"() ({
        %run_scoped3A = tpu.sem_alloc : memref<!tpu.dma_semaphore, #tpu.memory_space<semaphore_mem>>
        %dma_start3A_110 = arith.constant 0 : i32
        %dma_start3A_111 = tpu.memref_slice %arg21[%add3A_105, %dma_start3A_110] : memref<100000x8xf32, #tpu.memory_space<vmem_shared>> -> memref<1000x8xf32, #tpu.memory_space<vmem_shared>>
        %dma_start3A_112 = arith.constant 0 : i32
        %dma_start3A_113 = tpu.memref_slice %arg21[%add3A_105, %dma_start3A_112] : memref<100000x8xf32, #tpu.memory_space<vmem_shared>> -> memref<1000x8xf32, #tpu.memory_space<vmem_shared>>
        tpu.enqueue_dma source(%arg18 : memref<1000x8xf32, #tpu.memory_space<vmem>>) target(%dma_start3A_113 : memref<1000x8xf32, #tpu.memory_space<vmem_shared>>) target_semaphore(%run_scoped3A : memref<!tpu.dma_semaphore, #tpu.memory_space<semaphore_mem>>)
        %dma_wait3A = arith.constant 0 : i32
        %dma_wait3A_114 = tpu.memref_slice %arg21[%add3A_105, %dma_wait3A] : memref<100000x8xf32, #tpu.memory_space<vmem_shared>> -> memref<1000x8xf32, #tpu.memory_space<vmem_shared>>
        %dma_wait3A_115 = arith.constant 0 : i32
        %dma_wait3A_116 = tpu.memref_slice %arg21[%add3A_105, %dma_wait3A_115] : memref<100000x8xf32, #tpu.memory_space<vmem_shared>> -> memref<1000x8xf32, #tpu.memory_space<vmem_shared>>
        tpu.wait_dma2 semaphore(%run_scoped3A : memref<!tpu.dma_semaphore, #tpu.memory_space<semaphore_mem>>) src(%arg18 : memref<1000x8xf32, #tpu.memory_space<vmem>>) dst(%dma_wait3A_116 : memref<1000x8xf32, #tpu.memory_space<vmem_shared>>)
        tpu.yield
      }) : () -> ()
      %mul3A_106 = arith.constant 10000 : i32
      %mul3A_107 = arith.muli %arg1, %mul3A_106 : i32
      %add3A_108 = arith.constant 9000 : i32
      %add3A_109 = arith.addi %mul3A_107, %add3A_108 : i32
      "tpu.region"() ({
        %run_scoped3A = tpu.sem_alloc : memref<!tpu.dma_semaphore, #tpu.memory_space<semaphore_mem>>
        %dma_start3A_110 = arith.constant 0 : i32
        %dma_start3A_111 = tpu.memref_slice %arg21[%add3A_109, %dma_start3A_110] : memref<100000x8xf32, #tpu.memory_space<vmem_shared>> -> memref<1000x8xf32, #tpu.memory_space<vmem_shared>>
        %dma_start3A_112 = arith.constant 0 : i32
        %dma_start3A_113 = tpu.memref_slice %arg21[%add3A_109, %dma_start3A_112] : memref<100000x8xf32, #tpu.memory_space<vmem_shared>> -> memref<1000x8xf32, #tpu.memory_space<vmem_shared>>
        tpu.enqueue_dma source(%arg18 : memref<1000x8xf32, #tpu.memory_space<vmem>>) target(%dma_start3A_113 : memref<1000x8xf32, #tpu.memory_space<vmem_shared>>) target_semaphore(%run_scoped3A : memref<!tpu.dma_semaphore, #tpu.memory_space<semaphore_mem>>)
        %dma_wait3A = arith.constant 0 : i32
        %dma_wait3A_114 = tpu.memref_slice %arg21[%add3A_109, %dma_wait3A] : memref<100000x8xf32, #tpu.memory_space<vmem_shared>> -> memref<1000x8xf32, #tpu.memory_space<vmem_shared>>
        %dma_wait3A_115 = arith.constant 0 : i32
        %dma_wait3A_116 = tpu.memref_slice %arg21[%add3A_109, %dma_wait3A_115] : memref<100000x8xf32, #tpu.memory_space<vmem_shared>> -> memref<1000x8xf32, #tpu.memory_space<vmem_shared>>
        tpu.wait_dma2 semaphore(%run_scoped3A : memref<!tpu.dma_semaphore, #tpu.memory_space<semaphore_mem>>) src(%arg18 : memref<1000x8xf32, #tpu.memory_space<vmem>>) dst(%dma_wait3A_116 : memref<1000x8xf32, #tpu.memory_space<vmem_shared>>)
        tpu.yield
      }) : () -> ()
    } else {
    }
    %barrier3A = arith.constant 0 : index
    tpu.barrier barrier_id(%barrier3A)
    %lt3A_24 = arith.constant 21 : i32
    %lt3A_25 = arith.cmpi slt, %add3A, %lt3A_24 : i32
    %jit3A = arith.constant 1 : i32
    %jit3A_26 = arith.constant 0 : i32
    %select_n3A = arith.select %lt3A_25, %jit3A, %jit3A_26 : i32
    %add3A_27 = arith.constant 97 : i32
    %add3A_28 = arith.addi %add3A_27, %select_n3A : i32
    %mul3A_29 = arith.constant 2048 : i32
    %mul3A_30 = arith.muli %add3A, %mul3A_29 : i32
    %dma_start3A = arith.constant 0 : i32
    %dma_start3A_31 = tpu.memref_slice %arg2[%dma_start3A, %mul3A_30] : memref<3x6400000xf32, #tpu.memory_space<hbm>> -> memref<1x2048xf32, #tpu.memory_space<hbm>>
    %dma_start3A_32 = tpu.memref_squeeze %dma_start3A_31 : memref<1x2048xf32, #tpu.memory_space<hbm>> -> memref<2048xf32, #tpu.memory_space<hbm>>
    %dma_start3A_33 = tpu.memref_slice %arg2[%dma_start3A, %mul3A_30] : memref<3x6400000xf32, #tpu.memory_space<hbm>> -> memref<1x2048xf32, #tpu.memory_space<hbm>>
    %dma_start3A_34 = tpu.memref_squeeze %dma_start3A_33 : memref<1x2048xf32, #tpu.memory_space<hbm>> -> memref<2048xf32, #tpu.memory_space<hbm>>
    tpu.enqueue_dma source(%dma_start3A_34 : memref<2048xf32, #tpu.memory_space<hbm>>) target(%arg6 : memref<2048xf32, #tpu.memory_space<vmem>>) target_semaphore(%arg22 : memref<!tpu.dma_semaphore, #tpu.memory_space<semaphore_mem>>)
    %dma_start3A_35 = arith.constant 1 : i32
    %dma_start3A_36 = tpu.memref_slice %arg2[%dma_start3A_35, %mul3A_30] : memref<3x6400000xf32, #tpu.memory_space<hbm>> -> memref<1x2048xf32, #tpu.memory_space<hbm>>
    %dma_start3A_37 = tpu.memref_squeeze %dma_start3A_36 : memref<1x2048xf32, #tpu.memory_space<hbm>> -> memref<2048xf32, #tpu.memory_space<hbm>>
    %dma_start3A_38 = tpu.memref_slice %arg2[%dma_start3A_35, %mul3A_30] : memref<3x6400000xf32, #tpu.memory_space<hbm>> -> memref<1x2048xf32, #tpu.memory_space<hbm>>
    %dma_start3A_39 = tpu.memref_squeeze %dma_start3A_38 : memref<1x2048xf32, #tpu.memory_space<hbm>> -> memref<2048xf32, #tpu.memory_space<hbm>>
    tpu.enqueue_dma source(%dma_start3A_39 : memref<2048xf32, #tpu.memory_space<hbm>>) target(%arg7 : memref<2048xf32, #tpu.memory_space<vmem>>) target_semaphore(%arg22 : memref<!tpu.dma_semaphore, #tpu.memory_space<semaphore_mem>>)
    %dma_start3A_40 = arith.constant 2 : i32
    %dma_start3A_41 = tpu.memref_slice %arg2[%dma_start3A_40, %mul3A_30] : memref<3x6400000xf32, #tpu.memory_space<hbm>> -> memref<1x2048xf32, #tpu.memory_space<hbm>>
    %dma_start3A_42 = tpu.memref_squeeze %dma_start3A_41 : memref<1x2048xf32, #tpu.memory_space<hbm>> -> memref<2048xf32, #tpu.memory_space<hbm>>
    %dma_start3A_43 = tpu.memref_slice %arg2[%dma_start3A_40, %mul3A_30] : memref<3x6400000xf32, #tpu.memory_space<hbm>> -> memref<1x2048xf32, #tpu.memory_space<hbm>>
    %dma_start3A_44 = tpu.memref_squeeze %dma_start3A_43 : memref<1x2048xf32, #tpu.memory_space<hbm>> -> memref<2048xf32, #tpu.memory_space<hbm>>
    tpu.enqueue_dma source(%dma_start3A_44 : memref<2048xf32, #tpu.memory_space<hbm>>) target(%arg8 : memref<2048xf32, #tpu.memory_space<vmem>>) target_semaphore(%arg22 : memref<!tpu.dma_semaphore, #tpu.memory_space<semaphore_mem>>)
    %dma_start3A_45 = arith.constant 0 : i32
    %dma_start3A_46 = tpu.memref_slice %arg3[%dma_start3A_45, %mul3A_30] : memref<2x6400000xi32, #tpu.memory_space<hbm>> -> memref<1x2048xi32, #tpu.memory_space<hbm>>
    %dma_start3A_47 = tpu.memref_squeeze %dma_start3A_46 : memref<1x2048xi32, #tpu.memory_space<hbm>> -> memref<2048xi32, #tpu.memory_space<hbm>>
    %dma_start3A_48 = tpu.memref_slice %arg3[%dma_start3A_45, %mul3A_30] : memref<2x6400000xi32, #tpu.memory_space<hbm>> -> memref<1x2048xi32, #tpu.memory_space<hbm>>
    %dma_start3A_49 = tpu.memref_squeeze %dma_start3A_48 : memref<1x2048xi32, #tpu.memory_space<hbm>> -> memref<2048xi32, #tpu.memory_space<hbm>>
    tpu.enqueue_dma source(%dma_start3A_49 : memref<2048xi32, #tpu.memory_space<hbm>>) target(%arg9 : memref<2048xi32, #tpu.memory_space<vmem>>) target_semaphore(%arg22 : memref<!tpu.dma_semaphore, #tpu.memory_space<semaphore_mem>>)
    %dma_start3A_50 = arith.constant 1 : i32
    %dma_start3A_51 = tpu.memref_slice %arg3[%dma_start3A_50, %mul3A_30] : memref<2x6400000xi32, #tpu.memory_space<hbm>> -> memref<1x2048xi32, #tpu.memory_space<hbm>>
    %dma_start3A_52 = tpu.memref_squeeze %dma_start3A_51 : memref<1x2048xi32, #tpu.memory_space<hbm>> -> memref<2048xi32, #tpu.memory_space<hbm>>
    %dma_start3A_53 = tpu.memref_slice %arg3[%dma_start3A_50, %mul3A_30] : memref<2x6400000xi32, #tpu.memory_space<hbm>> -> memref<1x2048xi32, #tpu.memory_space<hbm>>
    %dma_start3A_54 = tpu.memref_squeeze %dma_start3A_53 : memref<1x2048xi32, #tpu.memory_space<hbm>> -> memref<2048xi32, #tpu.memory_space<hbm>>
    tpu.enqueue_dma source(%dma_start3A_54 : memref<2048xi32, #tpu.memory_space<hbm>>) target(%arg10 : memref<2048xi32, #tpu.memory_space<vmem>>) target_semaphore(%arg22 : memref<!tpu.dma_semaphore, #tpu.memory_space<semaphore_mem>>)
    %while3A = arith.constant 0 : i32
    %while3A_55 = arith.constant 0 : i32
    %while3A_56 = arith.subi %add3A_28, %while3A_55 : i32
    %while3A_57 = arith.addi %while3A_55, %while3A_56 : i32
    %while3A_58 = arith.constant 1 : i32
    %while3A_59 = arith.divsi %while3A_56, %while3A_58 : i32
    %while3A_60 = arith.muli %while3A_59, %while3A_58 : i32
    %while3A_61 = arith.addi %while3A_55, %while3A_60 : i32
    %while3A_62 = arith.constant 1 : i32
    scf.for %while3A_70 = %while3A_55 to %while3A_61 step %while3A_62  : i32 {
      %mul3A_71 = arith.constant 32 : i32
      %mul3A_72 = arith.muli %while3A_70, %mul3A_71 : i32
      %add3A_73 = arith.addi %add3A, %mul3A_72 : i32
      %mul3A_74 = arith.constant 2048 : i32
      %mul3A_75 = arith.muli %add3A_73, %mul3A_74 : i32
      %dma_wait3A = arith.constant 0 : i32
      %dma_wait3A_76 = tpu.memref_slice %arg2[%dma_wait3A, %mul3A_75] : memref<3x6400000xf32, #tpu.memory_space<hbm>> -> memref<1x2048xf32, #tpu.memory_space<hbm>>
      %dma_wait3A_77 = tpu.memref_squeeze %dma_wait3A_76 : memref<1x2048xf32, #tpu.memory_space<hbm>> -> memref<2048xf32, #tpu.memory_space<hbm>>
      %dma_wait3A_78 = tpu.memref_slice %arg2[%dma_wait3A, %mul3A_75] : memref<3x6400000xf32, #tpu.memory_space<hbm>> -> memref<1x2048xf32, #tpu.memory_space<hbm>>
      %dma_wait3A_79 = tpu.memref_squeeze %dma_wait3A_78 : memref<1x2048xf32, #tpu.memory_space<hbm>> -> memref<2048xf32, #tpu.memory_space<hbm>>
      tpu.wait_dma2 semaphore(%arg22 : memref<!tpu.dma_semaphore, #tpu.memory_space<semaphore_mem>>) src(%dma_wait3A_79 : memref<2048xf32, #tpu.memory_space<hbm>>) dst(%arg6 : memref<2048xf32, #tpu.memory_space<vmem>>)
      %dma_wait3A_80 = arith.constant 1 : i32
      %dma_wait3A_81 = tpu.memref_slice %arg2[%dma_wait3A_80, %mul3A_75] : memref<3x6400000xf32, #tpu.memory_space<hbm>> -> memref<1x2048xf32, #tpu.memory_space<hbm>>
      %dma_wait3A_82 = tpu.memref_squeeze %dma_wait3A_81 : memref<1x2048xf32, #tpu.memory_space<hbm>> -> memref<2048xf32, #tpu.memory_space<hbm>>
      %dma_wait3A_83 = tpu.memref_slice %arg2[%dma_wait3A_80, %mul3A_75] : memref<3x6400000xf32, #tpu.memory_space<hbm>> -> memref<1x2048xf32, #tpu.memory_space<hbm>>
      %dma_wait3A_84 = tpu.memref_squeeze %dma_wait3A_83 : memref<1x2048xf32, #tpu.memory_space<hbm>> -> memref<2048xf32, #tpu.memory_space<hbm>>
      tpu.wait_dma2 semaphore(%arg22 : memref<!tpu.dma_semaphore, #tpu.memory_space<semaphore_mem>>) src(%dma_wait3A_84 : memref<2048xf32, #tpu.memory_space<hbm>>) dst(%arg7 : memref<2048xf32, #tpu.memory_space<vmem>>)
      %dma_wait3A_85 = arith.constant 2 : i32
      %dma_wait3A_86 = tpu.memref_slice %arg2[%dma_wait3A_85, %mul3A_75] : memref<3x6400000xf32, #tpu.memory_space<hbm>> -> memref<1x2048xf32, #tpu.memory_space<hbm>>
      %dma_wait3A_87 = tpu.memref_squeeze %dma_wait3A_86 : memref<1x2048xf32, #tpu.memory_space<hbm>> -> memref<2048xf32, #tpu.memory_space<hbm>>
      %dma_wait3A_88 = tpu.memref_slice %arg2[%dma_wait3A_85, %mul3A_75] : memref<3x6400000xf32, #tpu.memory_space<hbm>> -> memref<1x2048xf32, #tpu.memory_space<hbm>>
      %dma_wait3A_89 = tpu.memref_squeeze %dma_wait3A_88 : memref<1x2048xf32, #tpu.memory_space<hbm>> -> memref<2048xf32, #tpu.memory_space<hbm>>
      tpu.wait_dma2 semaphore(%arg22 : memref<!tpu.dma_semaphore, #tpu.memory_space<semaphore_mem>>) src(%dma_wait3A_89 : memref<2048xf32, #tpu.memory_space<hbm>>) dst(%arg8 : memref<2048xf32, #tpu.memory_space<vmem>>)
      %dma_wait3A_90 = arith.constant 0 : i32
      %dma_wait3A_91 = tpu.memref_slice %arg3[%dma_wait3A_90, %mul3A_75] : memref<2x6400000xi32, #tpu.memory_space<hbm>> -> memref<1x2048xi32, #tpu.memory_space<hbm>>
      %dma_wait3A_92 = tpu.memref_squeeze %dma_wait3A_91 : memref<1x2048xi32, #tpu.memory_space<hbm>> -> memref<2048xi32, #tpu.memory_space<hbm>>
      %dma_wait3A_93 = tpu.memref_slice %arg3[%dma_wait3A_90, %mul3A_75] : memref<2x6400000xi32, #tpu.memory_space<hbm>> -> memref<1x2048xi32, #tpu.memory_space<hbm>>
      %dma_wait3A_94 = tpu.memref_squeeze %dma_wait3A_93 : memref<1x2048xi32, #tpu.memory_space<hbm>> -> memref<2048xi32, #tpu.memory_space<hbm>>
      tpu.wait_dma2 semaphore(%arg22 : memref<!tpu.dma_semaphore, #tpu.memory_space<semaphore_mem>>) src(%dma_wait3A_94 : memref<2048xi32, #tpu.memory_space<hbm>>) dst(%arg9 : memref<2048xi32, #tpu.memory_space<vmem>>)
      %dma_wait3A_95 = arith.constant 1 : i32
      %dma_wait3A_96 = tpu.memref_slice %arg3[%dma_wait3A_95, %mul3A_75] : memref<2x6400000xi32, #tpu.memory_space<hbm>> -> memref<1x2048xi32, #tpu.memory_space<hbm>>
      %dma_wait3A_97 = tpu.memref_squeeze %dma_wait3A_96 : memref<1x2048xi32, #tpu.memory_space<hbm>> -> memref<2048xi32, #tpu.memory_space<hbm>>
      %dma_wait3A_98 = tpu.memref_slice %arg3[%dma_wait3A_95, %mul3A_75] : memref<2x6400000xi32, #tpu.memory_space<hbm>> -> memref<1x2048xi32, #tpu.memory_space<hbm>>
      %dma_wait3A_99 = tpu.memref_squeeze %dma_wait3A_98 : memref<1x2048xi32, #tpu.memory_space<hbm>> -> memref<2048xi32, #tpu.memory_space<hbm>>
      tpu.wait_dma2 semaphore(%arg22 : memref<!tpu.dma_semaphore, #tpu.memory_space<semaphore_mem>>) src(%dma_wait3A_99 : memref<2048xi32, #tpu.memory_space<hbm>>) dst(%arg10 : memref<2048xi32, #tpu.memory_space<vmem>>)
      %scan3A_100 = arith.constant 0 : i32
      %scan3A_101 = arith.constant 0 : i32
      %scan3A_102 = arith.constant 128 : i32
      %scan3A_103 = arith.addi %scan3A_101, %scan3A_102 : i32
      %scan3A_104 = arith.constant 1 : i32
      scf.for %scan3A_170 = %scan3A_101 to %scan3A_103 step %scan3A_104  : i32 {
        %mul3A_171 = arith.constant 16 : i32
        %mul3A_172 = arith.muli %scan3A_170, %mul3A_171 : i32
        %mul3A_173 = arith.constant 16 : i32
        %mul3A_174 = arith.muli %scan3A_170, %mul3A_173 : i32
        %add3A_175 = vector.broadcast %mul3A_174 : i32 to vector<16xi32>
        %add3A_176 = arith.addi %add3A_175, %iota3A : vector<16xi32>
        %get3A = arith.index_cast %mul3A_172 : i32 to index
        %get3A_177 = tpu.vector_load %arg6[%get3A] {strides = array<i32>} : memref<2048xf32, #tpu.memory_space<vmem>>, vector<16xf32>,
        %get3A_178 = arith.index_cast %mul3A_172 : i32 to index
        %get3A_179 = tpu.vector_load %arg7[%get3A_178] {strides = array<i32>} : memref<2048xf32, #tpu.memory_space<vmem>>, vector<16xf32>,
        %get3A_180 = arith.index_cast %mul3A_172 : i32 to index
        %get3A_181 = tpu.vector_load %arg8[%get3A_180] {strides = array<i32>} : memref<2048xf32, #tpu.memory_space<vmem>>, vector<16xf32>,
        %add3A_182 = arith.addf %get3A_177, %get3A_177 : vector<16xf32>
        %add3A_183 = arith.addf %get3A_179, %get3A_179 : vector<16xf32>
        %add3A_184 = arith.addf %get3A_181, %get3A_181 : vector<16xf32>
        %swap3A = arith.index_cast %mul3A_172 : i32 to index
        %swap3A_185 = tpu.vector_load %arg11[%swap3A] {strides = array<i32>} : memref<2048xf32, #tpu.memory_space<vmem>>, vector<16xf32>,
        tpu.vector_store %arg11[%swap3A], %add3A_182 {strides = array<i32>} : memref<2048xf32, #tpu.memory_space<vmem>>, vector<16xf32>,
        %swap3A_186 = arith.index_cast %mul3A_172 : i32 to index
        %swap3A_187 = tpu.vector_load %arg12[%swap3A_186] {strides = array<i32>} : memref<2048xf32, #tpu.memory_space<vmem>>, vector<16xf32>,
        tpu.vector_store %arg12[%swap3A_186], %add3A_183 {strides = array<i32>} : memref<2048xf32, #tpu.memory_space<vmem>>, vector<16xf32>,
        %swap3A_188 = arith.index_cast %mul3A_172 : i32 to index
        %swap3A_189 = tpu.vector_load %arg13[%swap3A_188] {strides = array<i32>} : memref<2048xf32, #tpu.memory_space<vmem>>, vector<16xf32>,
        tpu.vector_store %arg13[%swap3A_188], %add3A_184 {strides = array<i32>} : memref<2048xf32, #tpu.memory_space<vmem>>, vector<16xf32>,
        tpu.vector_store_idx %arg14[%add3A_176, %mul3A_4], %add3A_182 : memref<2048x8xf32, #tpu.memory_space<vmem>>[vector<16xi32>, vector<16xi32>], vector<16xf32>,
        tpu.vector_store_idx %arg14[%add3A_176, %add3A_7], %add3A_183 : memref<2048x8xf32, #tpu.memory_space<vmem>>[vector<16xi32>, vector<16xi32>], vector<16xf32>,
        tpu.vector_store_idx %arg14[%add3A_176, %add3A_10], %add3A_184 : memref<2048x8xf32, #tpu.memory_space<vmem>>[vector<16xi32>, vector<16xi32>], vector<16xf32>,
        %neg3A = arith.constant 0.000000e+00 : f32
        %neg3A_190 = vector.broadcast %neg3A : f32 to vector<16xf32>
        %neg3A_191 = arith.subf %neg3A_190, %add3A_182 : vector<16xf32>
        tpu.vector_store_idx %arg15[%add3A_176, %mul3A_4], %neg3A_191 : memref<2048x8xf32, #tpu.memory_space<vmem>>[vector<16xi32>, vector<16xi32>], vector<16xf32>,
        %neg3A_192 = arith.constant 0.000000e+00 : f32
        %neg3A_193 = vector.broadcast %neg3A_192 : f32 to vector<16xf32>
        %neg3A_194 = arith.subf %neg3A_193, %add3A_183 : vector<16xf32>
        tpu.vector_store_idx %arg15[%add3A_176, %add3A_7], %neg3A_194 : memref<2048x8xf32, #tpu.memory_space<vmem>>[vector<16xi32>, vector<16xi32>], vector<16xf32>,
        %neg3A_195 = arith.constant 0.000000e+00 : f32
        %neg3A_196 = vector.broadcast %neg3A_195 : f32 to vector<16xf32>
        %neg3A_197 = arith.subf %neg3A_196, %add3A_184 : vector<16xf32>
        tpu.vector_store_idx %arg15[%add3A_176, %add3A_10], %neg3A_197 : memref<2048x8xf32, #tpu.memory_space<vmem>>[vector<16xi32>, vector<16xi32>], vector<16xf32>,
        %get3A_198 = arith.index_cast %mul3A_172 : i32 to index
        %get3A_199 = tpu.vector_load %arg9[%get3A_198] {strides = array<i32>} : memref<2048xi32, #tpu.memory_space<vmem>>, vector<16xi32>,
        %swap3A_200 = arith.constant 0 : i32
        %swap3A_201 = arith.index_cast %swap3A_200 : i32 to index
        %swap3A_202 = arith.index_cast %mul3A_172 : i32 to index
        %swap3A_203 = tpu.vector_load %arg16[%swap3A_201, %swap3A_202] {strides = array<i32>} : memref<1x2048xi32, #tpu.memory_space<vmem>>, vector<16xi32>,
        tpu.vector_store %arg16[%swap3A_201, %swap3A_202], %get3A_199 {strides = array<i32>} : memref<1x2048xi32, #tpu.memory_space<vmem>>, vector<16xi32>,
        %get3A_204 = arith.index_cast %mul3A_172 : i32 to index
        %get3A_205 = tpu.vector_load %arg10[%get3A_204] {strides = array<i32>} : memref<2048xi32, #tpu.memory_space<vmem>>, vector<16xi32>,
        %swap3A_206 = arith.constant 0 : i32
        %swap3A_207 = arith.index_cast %swap3A_206 : i32 to index
        %swap3A_208 = arith.index_cast %mul3A_172 : i32 to index
        %swap3A_209 = tpu.vector_load %arg17[%swap3A_207, %swap3A_208] {strides = array<i32>} : memref<1x2048xi32, #tpu.memory_space<vmem>>, vector<16xi32>,
        tpu.vector_store %arg17[%swap3A_207, %swap3A_208], %get3A_205 {strides = array<i32>} : memref<1x2048xi32, #tpu.memory_space<vmem>>, vector<16xi32>,
      }
      %scan3A_105 = arith.constant 128 : i32
      %dma_start3A_106 = arith.constant 0 : i32
      %dma_start3A_107 = arith.constant 0 : i32
      %dma_start3A_108 = tpu.memref_slice %arg16[%dma_start3A_106, %dma_start3A_107] : memref<1x2048xi32, #tpu.memory_space<vmem>> -> memref<1x2048xi32, #tpu.memory_space<vmem>>
      %dma_start3A_109 = tpu.memref_squeeze %dma_start3A_108 : memref<1x2048xi32, #tpu.memory_space<vmem>> -> memref<2048xi32, #tpu.memory_space<vmem>>
      %dma_start3A_110 = arith.constant 0 : i32
      %dma_start3A_111 = arith.constant 0 : i32
      %dma_start3A_112 = tpu.memref_slice %arg21[%dma_start3A_110, %dma_start3A_111] : memref<100000x8xf32, #tpu.memory_space<vmem_shared>> -> memref<100000x8xf32, #tpu.memory_space<vmem_shared>>
      tpu.enqueue_indirect_dma source(%arg14 : memref<2048x8xf32, #tpu.memory_space<vmem>>) target(%dma_start3A_112 : memref<100000x8xf32, #tpu.memory_space<vmem_shared>>) offsets(%dma_start3A_109 : memref<2048xi32, #tpu.memory_space<vmem>>) semaphore(%arg23 : memref<!tpu.dma_semaphore, #tpu.memory_space<semaphore_mem>>) {add = true}
      %dma_start3A_113 = arith.constant 0 : i32
      %dma_start3A_114 = arith.constant 0 : i32
      %dma_start3A_115 = tpu.memref_slice %arg17[%dma_start3A_113, %dma_start3A_114] : memref<1x2048xi32, #tpu.memory_space<vmem>> -> memref<1x2048xi32, #tpu.memory_space<vmem>>
      %dma_start3A_116 = tpu.memref_squeeze %dma_start3A_115 : memref<1x2048xi32, #tpu.memory_space<vmem>> -> memref<2048xi32, #tpu.memory_space<vmem>>
      %dma_start3A_117 = arith.constant 0 : i32
      %dma_start3A_118 = arith.constant 0 : i32
      %dma_start3A_119 = tpu.memref_slice %arg21[%dma_start3A_117, %dma_start3A_118] : memref<100000x8xf32, #tpu.memory_space<vmem_shared>> -> memref<100000x8xf32, #tpu.memory_space<vmem_shared>>
      tpu.enqueue_indirect_dma source(%arg15 : memref<2048x8xf32, #tpu.memory_space<vmem>>) target(%dma_start3A_119 : memref<100000x8xf32, #tpu.memory_space<vmem_shared>>) offsets(%dma_start3A_116 : memref<2048xi32, #tpu.memory_space<vmem>>) semaphore(%arg23 : memref<!tpu.dma_semaphore, #tpu.memory_space<semaphore_mem>>) {add = true}
      %dma_start3A_120 = arith.constant 0 : i32
      %dma_start3A_121 = tpu.memref_slice %arg5[%dma_start3A_120, %mul3A_75] : memref<3x6400000xf32, #tpu.memory_space<hbm>> -> memref<1x2048xf32, #tpu.memory_space<hbm>>
      %dma_start3A_122 = tpu.memref_squeeze %dma_start3A_121 : memref<1x2048xf32, #tpu.memory_space<hbm>> -> memref<2048xf32, #tpu.memory_space<hbm>>
      %dma_start3A_123 = tpu.memref_slice %arg5[%dma_start3A_120, %mul3A_75] : memref<3x6400000xf32, #tpu.memory_space<hbm>> -> memref<1x2048xf32, #tpu.memory_space<hbm>>
      %dma_start3A_124 = tpu.memref_squeeze %dma_start3A_123 : memref<1x2048xf32, #tpu.memory_space<hbm>> -> memref<2048xf32, #tpu.memory_space<hbm>>
      tpu.enqueue_dma source(%arg11 : memref<2048xf32, #tpu.memory_space<vmem>>) target(%dma_start3A_124 : memref<2048xf32, #tpu.memory_space<hbm>>) target_semaphore(%arg24 : memref<!tpu.dma_semaphore, #tpu.memory_space<semaphore_mem>>)
      %dma_start3A_125 = arith.constant 1 : i32
      %dma_start3A_126 = tpu.memref_slice %arg5[%dma_start3A_125, %mul3A_75] : memref<3x6400000xf32, #tpu.memory_space<hbm>> -> memref<1x2048xf32, #tpu.memory_space<hbm>>
      %dma_start3A_127 = tpu.memref_squeeze %dma_start3A_126 : memref<1x2048xf32, #tpu.memory_space<hbm>> -> memref<2048xf32, #tpu.memory_space<hbm>>
      %dma_start3A_128 = tpu.memref_slice %arg5[%dma_start3A_125, %mul3A_75] : memref<3x6400000xf32, #tpu.memory_space<hbm>> -> memref<1x2048xf32, #tpu.memory_space<hbm>>
      %dma_start3A_129 = tpu.memref_squeeze %dma_start3A_128 : memref<1x2048xf32, #tpu.memory_space<hbm>> -> memref<2048xf32, #tpu.memory_space<hbm>>
      tpu.enqueue_dma source(%arg12 : memref<2048xf32, #tpu.memory_space<vmem>>) target(%dma_start3A_129 : memref<2048xf32, #tpu.memory_space<hbm>>) target_semaphore(%arg24 : memref<!tpu.dma_semaphore, #tpu.memory_space<semaphore_mem>>)
      %dma_start3A_130 = arith.constant 2 : i32
      %dma_start3A_131 = tpu.memref_slice %arg5[%dma_start3A_130, %mul3A_75] : memref<3x6400000xf32, #tpu.memory_space<hbm>> -> memref<1x2048xf32, #tpu.memory_space<hbm>>
      %dma_start3A_132 = tpu.memref_squeeze %dma_start3A_131 : memref<1x2048xf32, #tpu.memory_space<hbm>> -> memref<2048xf32, #tpu.memory_space<hbm>>
      %dma_start3A_133 = tpu.memref_slice %arg5[%dma_start3A_130, %mul3A_75] : memref<3x6400000xf32, #tpu.memory_space<hbm>> -> memref<1x2048xf32, #tpu.memory_space<hbm>>
      %dma_start3A_134 = tpu.memref_squeeze %dma_start3A_133 : memref<1x2048xf32, #tpu.memory_space<hbm>> -> memref<2048xf32, #tpu.memory_space<hbm>>
      tpu.enqueue_dma source(%arg13 : memref<2048xf32, #tpu.memory_space<vmem>>) target(%dma_start3A_134 : memref<2048xf32, #tpu.memory_space<hbm>>) target_semaphore(%arg24 : memref<!tpu.dma_semaphore, #tpu.memory_space<semaphore_mem>>)
      %add3A_135 = arith.constant 1 : i32
      %add3A_136 = arith.addi %while3A_70, %add3A_135 : i32
      %lt3A_137 = arith.cmpi slt, %add3A_136, %add3A_28 : i32
      %convert_element_type3A_138 = arith.extui %lt3A_137 : i1 to i32
      %cond3A_139 = arith.constant 0 : i32
      %cond3A_140 = arith.cmpi ne, %convert_element_type3A_138, %cond3A_139 : i32
      scf.if %cond3A_140 {
        %add3A_170 = arith.constant 1 : i32
        %add3A_171 = arith.addi %while3A_70, %add3A_170 : i32
        %mul3A_172 = arith.constant 32 : i32
        %mul3A_173 = arith.muli %add3A_171, %mul3A_172 : i32
        %add3A_174 = arith.addi %add3A, %mul3A_173 : i32
        %mul3A_175 = arith.constant 2048 : i32
        %mul3A_176 = arith.muli %add3A_174, %mul3A_175 : i32
        %dma_start3A_177 = arith.constant 0 : i32
        %dma_start3A_178 = tpu.memref_slice %arg2[%dma_start3A_177, %mul3A_176] : memref<3x6400000xf32, #tpu.memory_space<hbm>> -> memref<1x2048xf32, #tpu.memory_space<hbm>>
        %dma_start3A_179 = tpu.memref_squeeze %dma_start3A_178 : memref<1x2048xf32, #tpu.memory_space<hbm>> -> memref<2048xf32, #tpu.memory_space<hbm>>
        %dma_start3A_180 = tpu.memref_slice %arg2[%dma_start3A_177, %mul3A_176] : memref<3x6400000xf32, #tpu.memory_space<hbm>> -> memref<1x2048xf32, #tpu.memory_space<hbm>>
        %dma_start3A_181 = tpu.memref_squeeze %dma_start3A_180 : memref<1x2048xf32, #tpu.memory_space<hbm>> -> memref<2048xf32, #tpu.memory_space<hbm>>
        tpu.enqueue_dma source(%dma_start3A_181 : memref<2048xf32, #tpu.memory_space<hbm>>) target(%arg6 : memref<2048xf32, #tpu.memory_space<vmem>>) target_semaphore(%arg22 : memref<!tpu.dma_semaphore, #tpu.memory_space<semaphore_mem>>)
        %dma_start3A_182 = arith.constant 1 : i32
        %dma_start3A_183 = tpu.memref_slice %arg2[%dma_start3A_182, %mul3A_176] : memref<3x6400000xf32, #tpu.memory_space<hbm>> -> memref<1x2048xf32, #tpu.memory_space<hbm>>
        %dma_start3A_184 = tpu.memref_squeeze %dma_start3A_183 : memref<1x2048xf32, #tpu.memory_space<hbm>> -> memref<2048xf32, #tpu.memory_space<hbm>>
        %dma_start3A_185 = tpu.memref_slice %arg2[%dma_start3A_182, %mul3A_176] : memref<3x6400000xf32, #tpu.memory_space<hbm>> -> memref<1x2048xf32, #tpu.memory_space<hbm>>
        %dma_start3A_186 = tpu.memref_squeeze %dma_start3A_185 : memref<1x2048xf32, #tpu.memory_space<hbm>> -> memref<2048xf32, #tpu.memory_space<hbm>>
        tpu.enqueue_dma source(%dma_start3A_186 : memref<2048xf32, #tpu.memory_space<hbm>>) target(%arg7 : memref<2048xf32, #tpu.memory_space<vmem>>) target_semaphore(%arg22 : memref<!tpu.dma_semaphore, #tpu.memory_space<semaphore_mem>>)
        %dma_start3A_187 = arith.constant 2 : i32
        %dma_start3A_188 = tpu.memref_slice %arg2[%dma_start3A_187, %mul3A_176] : memref<3x6400000xf32, #tpu.memory_space<hbm>> -> memref<1x2048xf32, #tpu.memory_space<hbm>>
        %dma_start3A_189 = tpu.memref_squeeze %dma_start3A_188 : memref<1x2048xf32, #tpu.memory_space<hbm>> -> memref<2048xf32, #tpu.memory_space<hbm>>
        %dma_start3A_190 = tpu.memref_slice %arg2[%dma_start3A_187, %mul3A_176] : memref<3x6400000xf32, #tpu.memory_space<hbm>> -> memref<1x2048xf32, #tpu.memory_space<hbm>>
        %dma_start3A_191 = tpu.memref_squeeze %dma_start3A_190 : memref<1x2048xf32, #tpu.memory_space<hbm>> -> memref<2048xf32, #tpu.memory_space<hbm>>
        tpu.enqueue_dma source(%dma_start3A_191 : memref<2048xf32, #tpu.memory_space<hbm>>) target(%arg8 : memref<2048xf32, #tpu.memory_space<vmem>>) target_semaphore(%arg22 : memref<!tpu.dma_semaphore, #tpu.memory_space<semaphore_mem>>)
        %dma_start3A_192 = arith.constant 0 : i32
        %dma_start3A_193 = tpu.memref_slice %arg3[%dma_start3A_192, %mul3A_176] : memref<2x6400000xi32, #tpu.memory_space<hbm>> -> memref<1x2048xi32, #tpu.memory_space<hbm>>
        %dma_start3A_194 = tpu.memref_squeeze %dma_start3A_193 : memref<1x2048xi32, #tpu.memory_space<hbm>> -> memref<2048xi32, #tpu.memory_space<hbm>>
        %dma_start3A_195 = tpu.memref_slice %arg3[%dma_start3A_192, %mul3A_176] : memref<2x6400000xi32, #tpu.memory_space<hbm>> -> memref<1x2048xi32, #tpu.memory_space<hbm>>
        %dma_start3A_196 = tpu.memref_squeeze %dma_start3A_195 : memref<1x2048xi32, #tpu.memory_space<hbm>> -> memref<2048xi32, #tpu.memory_space<hbm>>
        tpu.enqueue_dma source(%dma_start3A_196 : memref<2048xi32, #tpu.memory_space<hbm>>) target(%arg9 : memref<2048xi32, #tpu.memory_space<vmem>>) target_semaphore(%arg22 : memref<!tpu.dma_semaphore, #tpu.memory_space<semaphore_mem>>)
        %dma_start3A_197 = arith.constant 1 : i32
        %dma_start3A_198 = tpu.memref_slice %arg3[%dma_start3A_197, %mul3A_176] : memref<2x6400000xi32, #tpu.memory_space<hbm>> -> memref<1x2048xi32, #tpu.memory_space<hbm>>
        %dma_start3A_199 = tpu.memref_squeeze %dma_start3A_198 : memref<1x2048xi32, #tpu.memory_space<hbm>> -> memref<2048xi32, #tpu.memory_space<hbm>>
        %dma_start3A_200 = tpu.memref_slice %arg3[%dma_start3A_197, %mul3A_176] : memref<2x6400000xi32, #tpu.memory_space<hbm>> -> memref<1x2048xi32, #tpu.memory_space<hbm>>
        %dma_start3A_201 = tpu.memref_squeeze %dma_start3A_200 : memref<1x2048xi32, #tpu.memory_space<hbm>> -> memref<2048xi32, #tpu.memory_space<hbm>>
        tpu.enqueue_dma source(%dma_start3A_201 : memref<2048xi32, #tpu.memory_space<hbm>>) target(%arg10 : memref<2048xi32, #tpu.memory_space<vmem>>) target_semaphore(%arg22 : memref<!tpu.dma_semaphore, #tpu.memory_space<semaphore_mem>>)
      } else {
      }
      %dma_wait3A_141 = arith.constant 0 : i32
      %dma_wait3A_142 = arith.constant 0 : i32
      %dma_wait3A_143 = tpu.memref_slice %arg16[%dma_wait3A_141, %dma_wait3A_142] : memref<1x2048xi32, #tpu.memory_space<vmem>> -> memref<1x2048xi32, #tpu.memory_space<vmem>>
      %dma_wait3A_144 = tpu.memref_squeeze %dma_wait3A_143 : memref<1x2048xi32, #tpu.memory_space<vmem>> -> memref<2048xi32, #tpu.memory_space<vmem>>
      %dma_wait3A_145 = arith.constant 0 : i32
      %dma_wait3A_146 = arith.constant 0 : i32
      %dma_wait3A_147 = tpu.memref_slice %arg21[%dma_wait3A_145, %dma_wait3A_146] : memref<100000x8xf32, #tpu.memory_space<vmem_shared>> -> memref<100000x8xf32, #tpu.memory_space<vmem_shared>>
      tpu.wait_indirect_dma semaphore(%arg23 : memref<!tpu.dma_semaphore, #tpu.memory_space<semaphore_mem>>) src(%arg14 : memref<2048x8xf32, #tpu.memory_space<vmem>>) dst(%dma_wait3A_147 : memref<100000x8xf32, #tpu.memory_space<vmem_shared>>)
      %dma_wait3A_148 = arith.constant 0 : i32
      %dma_wait3A_149 = arith.constant 0 : i32
      %dma_wait3A_150 = tpu.memref_slice %arg17[%dma_wait3A_148, %dma_wait3A_149] : memref<1x2048xi32, #tpu.memory_space<vmem>> -> memref<1x2048xi32, #tpu.memory_space<vmem>>
      %dma_wait3A_151 = tpu.memref_squeeze %dma_wait3A_150 : memref<1x2048xi32, #tpu.memory_space<vmem>> -> memref<2048xi32, #tpu.memory_space<vmem>>
      %dma_wait3A_152 = arith.constant 0 : i32
      %dma_wait3A_153 = arith.constant 0 : i32
      %dma_wait3A_154 = tpu.memref_slice %arg21[%dma_wait3A_152, %dma_wait3A_153] : memref<100000x8xf32, #tpu.memory_space<vmem_shared>> -> memref<100000x8xf32, #tpu.memory_space<vmem_shared>>
      tpu.wait_indirect_dma semaphore(%arg23 : memref<!tpu.dma_semaphore, #tpu.memory_space<semaphore_mem>>) src(%arg15 : memref<2048x8xf32, #tpu.memory_space<vmem>>) dst(%dma_wait3A_154 : memref<100000x8xf32, #tpu.memory_space<vmem_shared>>)
      %dma_wait3A_155 = arith.constant 0 : i32
      %dma_wait3A_156 = tpu.memref_slice %arg5[%dma_wait3A_155, %mul3A_75] : memref<3x6400000xf32, #tpu.memory_space<hbm>> -> memref<1x2048xf32, #tpu.memory_space<hbm>>
      %dma_wait3A_157 = tpu.memref_squeeze %dma_wait3A_156 : memref<1x2048xf32, #tpu.memory_space<hbm>> -> memref<2048xf32, #tpu.memory_space<hbm>>
      %dma_wait3A_158 = tpu.memref_slice %arg5[%dma_wait3A_155, %mul3A_75] : memref<3x6400000xf32, #tpu.memory_space<hbm>> -> memref<1x2048xf32, #tpu.memory_space<hbm>>
      %dma_wait3A_159 = tpu.memref_squeeze %dma_wait3A_158 : memref<1x2048xf32, #tpu.memory_space<hbm>> -> memref<2048xf32, #tpu.memory_space<hbm>>
      tpu.wait_dma2 semaphore(%arg24 : memref<!tpu.dma_semaphore, #tpu.memory_space<semaphore_mem>>) src(%arg11 : memref<2048xf32, #tpu.memory_space<vmem>>) dst(%dma_wait3A_159 : memref<2048xf32, #tpu.memory_space<hbm>>)
      %dma_wait3A_160 = arith.constant 1 : i32
      %dma_wait3A_161 = tpu.memref_slice %arg5[%dma_wait3A_160, %mul3A_75] : memref<3x6400000xf32, #tpu.memory_space<hbm>> -> memref<1x2048xf32, #tpu.memory_space<hbm>>
      %dma_wait3A_162 = tpu.memref_squeeze %dma_wait3A_161 : memref<1x2048xf32, #tpu.memory_space<hbm>> -> memref<2048xf32, #tpu.memory_space<hbm>>
      %dma_wait3A_163 = tpu.memref_slice %arg5[%dma_wait3A_160, %mul3A_75] : memref<3x6400000xf32, #tpu.memory_space<hbm>> -> memref<1x2048xf32, #tpu.memory_space<hbm>>
      %dma_wait3A_164 = tpu.memref_squeeze %dma_wait3A_163 : memref<1x2048xf32, #tpu.memory_space<hbm>> -> memref<2048xf32, #tpu.memory_space<hbm>>
      tpu.wait_dma2 semaphore(%arg24 : memref<!tpu.dma_semaphore, #tpu.memory_space<semaphore_mem>>) src(%arg12 : memref<2048xf32, #tpu.memory_space<vmem>>) dst(%dma_wait3A_164 : memref<2048xf32, #tpu.memory_space<hbm>>)
      %dma_wait3A_165 = arith.constant 2 : i32
      %dma_wait3A_166 = tpu.memref_slice %arg5[%dma_wait3A_165, %mul3A_75] : memref<3x6400000xf32, #tpu.memory_space<hbm>> -> memref<1x2048xf32, #tpu.memory_space<hbm>>
      %dma_wait3A_167 = tpu.memref_squeeze %dma_wait3A_166 : memref<1x2048xf32, #tpu.memory_space<hbm>> -> memref<2048xf32, #tpu.memory_space<hbm>>
      %dma_wait3A_168 = tpu.memref_slice %arg5[%dma_wait3A_165, %mul3A_75] : memref<3x6400000xf32, #tpu.memory_space<hbm>> -> memref<1x2048xf32, #tpu.memory_space<hbm>>
      %dma_wait3A_169 = tpu.memref_squeeze %dma_wait3A_168 : memref<1x2048xf32, #tpu.memory_space<hbm>> -> memref<2048xf32, #tpu.memory_space<hbm>>
      tpu.wait_dma2 semaphore(%arg24 : memref<!tpu.dma_semaphore, #tpu.memory_space<semaphore_mem>>) src(%arg13 : memref<2048xf32, #tpu.memory_space<vmem>>) dst(%dma_wait3A_169 : memref<2048xf32, #tpu.memory_space<hbm>>)
    }
    %while3A_63 = arith.constant 1 : i32
    scf.for %while3A_70 = %while3A_61 to %while3A_57 step %while3A_63  : i32 {
      %mul3A_71 = arith.constant 32 : i32
      %mul3A_72 = arith.muli %while3A_70, %mul3A_71 : i32
      %add3A_73 = arith.addi %add3A, %mul3A_72 : i32
      %mul3A_74 = arith.constant 2048 : i32
      %mul3A_75 = arith.muli %add3A_73, %mul3A_74 : i32
      %dma_wait3A = arith.constant 0 : i32
      %dma_wait3A_76 = tpu.memref_slice %arg2[%dma_wait3A, %mul3A_75] : memref<3x6400000xf32, #tpu.memory_space<hbm>> -> memref<1x2048xf32, #tpu.memory_space<hbm>>
      %dma_wait3A_77 = tpu.memref_squeeze %dma_wait3A_76 : memref<1x2048xf32, #tpu.memory_space<hbm>> -> memref<2048xf32, #tpu.memory_space<hbm>>
      %dma_wait3A_78 = tpu.memref_slice %arg2[%dma_wait3A, %mul3A_75] : memref<3x6400000xf32, #tpu.memory_space<hbm>> -> memref<1x2048xf32, #tpu.memory_space<hbm>>
      %dma_wait3A_79 = tpu.memref_squeeze %dma_wait3A_78 : memref<1x2048xf32, #tpu.memory_space<hbm>> -> memref<2048xf32, #tpu.memory_space<hbm>>
      tpu.wait_dma2 semaphore(%arg22 : memref<!tpu.dma_semaphore, #tpu.memory_space<semaphore_mem>>) src(%dma_wait3A_79 : memref<2048xf32, #tpu.memory_space<hbm>>) dst(%arg6 : memref<2048xf32, #tpu.memory_space<vmem>>)
      %dma_wait3A_80 = arith.constant 1 : i32
      %dma_wait3A_81 = tpu.memref_slice %arg2[%dma_wait3A_80, %mul3A_75] : memref<3x6400000xf32, #tpu.memory_space<hbm>> -> memref<1x2048xf32, #tpu.memory_space<hbm>>
      %dma_wait3A_82 = tpu.memref_squeeze %dma_wait3A_81 : memref<1x2048xf32, #tpu.memory_space<hbm>> -> memref<2048xf32, #tpu.memory_space<hbm>>
      %dma_wait3A_83 = tpu.memref_slice %arg2[%dma_wait3A_80, %mul3A_75] : memref<3x6400000xf32, #tpu.memory_space<hbm>> -> memref<1x2048xf32, #tpu.memory_space<hbm>>
      %dma_wait3A_84 = tpu.memref_squeeze %dma_wait3A_83 : memref<1x2048xf32, #tpu.memory_space<hbm>> -> memref<2048xf32, #tpu.memory_space<hbm>>
      tpu.wait_dma2 semaphore(%arg22 : memref<!tpu.dma_semaphore, #tpu.memory_space<semaphore_mem>>) src(%dma_wait3A_84 : memref<2048xf32, #tpu.memory_space<hbm>>) dst(%arg7 : memref<2048xf32, #tpu.memory_space<vmem>>)
      %dma_wait3A_85 = arith.constant 2 : i32
      %dma_wait3A_86 = tpu.memref_slice %arg2[%dma_wait3A_85, %mul3A_75] : memref<3x6400000xf32, #tpu.memory_space<hbm>> -> memref<1x2048xf32, #tpu.memory_space<hbm>>
      %dma_wait3A_87 = tpu.memref_squeeze %dma_wait3A_86 : memref<1x2048xf32, #tpu.memory_space<hbm>> -> memref<2048xf32, #tpu.memory_space<hbm>>
      %dma_wait3A_88 = tpu.memref_slice %arg2[%dma_wait3A_85, %mul3A_75] : memref<3x6400000xf32, #tpu.memory_space<hbm>> -> memref<1x2048xf32, #tpu.memory_space<hbm>>
      %dma_wait3A_89 = tpu.memref_squeeze %dma_wait3A_88 : memref<1x2048xf32, #tpu.memory_space<hbm>> -> memref<2048xf32, #tpu.memory_space<hbm>>
      tpu.wait_dma2 semaphore(%arg22 : memref<!tpu.dma_semaphore, #tpu.memory_space<semaphore_mem>>) src(%dma_wait3A_89 : memref<2048xf32, #tpu.memory_space<hbm>>) dst(%arg8 : memref<2048xf32, #tpu.memory_space<vmem>>)
      %dma_wait3A_90 = arith.constant 0 : i32
      %dma_wait3A_91 = tpu.memref_slice %arg3[%dma_wait3A_90, %mul3A_75] : memref<2x6400000xi32, #tpu.memory_space<hbm>> -> memref<1x2048xi32, #tpu.memory_space<hbm>>
      %dma_wait3A_92 = tpu.memref_squeeze %dma_wait3A_91 : memref<1x2048xi32, #tpu.memory_space<hbm>> -> memref<2048xi32, #tpu.memory_space<hbm>>
      %dma_wait3A_93 = tpu.memref_slice %arg3[%dma_wait3A_90, %mul3A_75] : memref<2x6400000xi32, #tpu.memory_space<hbm>> -> memref<1x2048xi32, #tpu.memory_space<hbm>>
      %dma_wait3A_94 = tpu.memref_squeeze %dma_wait3A_93 : memref<1x2048xi32, #tpu.memory_space<hbm>> -> memref<2048xi32, #tpu.memory_space<hbm>>
      tpu.wait_dma2 semaphore(%arg22 : memref<!tpu.dma_semaphore, #tpu.memory_space<semaphore_mem>>) src(%dma_wait3A_94 : memref<2048xi32, #tpu.memory_space<hbm>>) dst(%arg9 : memref<2048xi32, #tpu.memory_space<vmem>>)
      %dma_wait3A_95 = arith.constant 1 : i32
      %dma_wait3A_96 = tpu.memref_slice %arg3[%dma_wait3A_95, %mul3A_75] : memref<2x6400000xi32, #tpu.memory_space<hbm>> -> memref<1x2048xi32, #tpu.memory_space<hbm>>
      %dma_wait3A_97 = tpu.memref_squeeze %dma_wait3A_96 : memref<1x2048xi32, #tpu.memory_space<hbm>> -> memref<2048xi32, #tpu.memory_space<hbm>>
      %dma_wait3A_98 = tpu.memref_slice %arg3[%dma_wait3A_95, %mul3A_75] : memref<2x6400000xi32, #tpu.memory_space<hbm>> -> memref<1x2048xi32, #tpu.memory_space<hbm>>
      %dma_wait3A_99 = tpu.memref_squeeze %dma_wait3A_98 : memref<1x2048xi32, #tpu.memory_space<hbm>> -> memref<2048xi32, #tpu.memory_space<hbm>>
      tpu.wait_dma2 semaphore(%arg22 : memref<!tpu.dma_semaphore, #tpu.memory_space<semaphore_mem>>) src(%dma_wait3A_99 : memref<2048xi32, #tpu.memory_space<hbm>>) dst(%arg10 : memref<2048xi32, #tpu.memory_space<vmem>>)
      %scan3A_100 = arith.constant 0 : i32
      %scan3A_101 = arith.constant 0 : i32
      %scan3A_102 = arith.constant 128 : i32
      %scan3A_103 = arith.addi %scan3A_101, %scan3A_102 : i32
      %scan3A_104 = arith.constant 1 : i32
      scf.for %scan3A_170 = %scan3A_101 to %scan3A_103 step %scan3A_104  : i32 {
        %mul3A_171 = arith.constant 16 : i32
        %mul3A_172 = arith.muli %scan3A_170, %mul3A_171 : i32
        %mul3A_173 = arith.constant 16 : i32
        %mul3A_174 = arith.muli %scan3A_170, %mul3A_173 : i32
        %add3A_175 = vector.broadcast %mul3A_174 : i32 to vector<16xi32>
        %add3A_176 = arith.addi %add3A_175, %iota3A : vector<16xi32>
        %get3A = arith.index_cast %mul3A_172 : i32 to index
        %get3A_177 = tpu.vector_load %arg6[%get3A] {strides = array<i32>} : memref<2048xf32, #tpu.memory_space<vmem>>, vector<16xf32>,
        %get3A_178 = arith.index_cast %mul3A_172 : i32 to index
        %get3A_179 = tpu.vector_load %arg7[%get3A_178] {strides = array<i32>} : memref<2048xf32, #tpu.memory_space<vmem>>, vector<16xf32>,
        %get3A_180 = arith.index_cast %mul3A_172 : i32 to index
        %get3A_181 = tpu.vector_load %arg8[%get3A_180] {strides = array<i32>} : memref<2048xf32, #tpu.memory_space<vmem>>, vector<16xf32>,
        %add3A_182 = arith.addf %get3A_177, %get3A_177 : vector<16xf32>
        %add3A_183 = arith.addf %get3A_179, %get3A_179 : vector<16xf32>
        %add3A_184 = arith.addf %get3A_181, %get3A_181 : vector<16xf32>
        %swap3A = arith.index_cast %mul3A_172 : i32 to index
        %swap3A_185 = tpu.vector_load %arg11[%swap3A] {strides = array<i32>} : memref<2048xf32, #tpu.memory_space<vmem>>, vector<16xf32>,
        tpu.vector_store %arg11[%swap3A], %add3A_182 {strides = array<i32>} : memref<2048xf32, #tpu.memory_space<vmem>>, vector<16xf32>,
        %swap3A_186 = arith.index_cast %mul3A_172 : i32 to index
        %swap3A_187 = tpu.vector_load %arg12[%swap3A_186] {strides = array<i32>} : memref<2048xf32, #tpu.memory_space<vmem>>, vector<16xf32>,
        tpu.vector_store %arg12[%swap3A_186], %add3A_183 {strides = array<i32>} : memref<2048xf32, #tpu.memory_space<vmem>>, vector<16xf32>,
        %swap3A_188 = arith.index_cast %mul3A_172 : i32 to index
        %swap3A_189 = tpu.vector_load %arg13[%swap3A_188] {strides = array<i32>} : memref<2048xf32, #tpu.memory_space<vmem>>, vector<16xf32>,
        tpu.vector_store %arg13[%swap3A_188], %add3A_184 {strides = array<i32>} : memref<2048xf32, #tpu.memory_space<vmem>>, vector<16xf32>,
        tpu.vector_store_idx %arg14[%add3A_176, %mul3A_4], %add3A_182 : memref<2048x8xf32, #tpu.memory_space<vmem>>[vector<16xi32>, vector<16xi32>], vector<16xf32>,
        tpu.vector_store_idx %arg14[%add3A_176, %add3A_7], %add3A_183 : memref<2048x8xf32, #tpu.memory_space<vmem>>[vector<16xi32>, vector<16xi32>], vector<16xf32>,
        tpu.vector_store_idx %arg14[%add3A_176, %add3A_10], %add3A_184 : memref<2048x8xf32, #tpu.memory_space<vmem>>[vector<16xi32>, vector<16xi32>], vector<16xf32>,
        %neg3A = arith.constant 0.000000e+00 : f32
        %neg3A_190 = vector.broadcast %neg3A : f32 to vector<16xf32>
        %neg3A_191 = arith.subf %neg3A_190, %add3A_182 : vector<16xf32>
        tpu.vector_store_idx %arg15[%add3A_176, %mul3A_4], %neg3A_191 : memref<2048x8xf32, #tpu.memory_space<vmem>>[vector<16xi32>, vector<16xi32>], vector<16xf32>,
        %neg3A_192 = arith.constant 0.000000e+00 : f32
        %neg3A_193 = vector.broadcast %neg3A_192 : f32 to vector<16xf32>
        %neg3A_194 = arith.subf %neg3A_193, %add3A_183 : vector<16xf32>
        tpu.vector_store_idx %arg15[%add3A_176, %add3A_7], %neg3A_194 : memref<2048x8xf32, #tpu.memory_space<vmem>>[vector<16xi32>, vector<16xi32>], vector<16xf32>,
        %neg3A_195 = arith.constant 0.000000e+00 : f32
        %neg3A_196 = vector.broadcast %neg3A_195 : f32 to vector<16xf32>
        %neg3A_197 = arith.subf %neg3A_196, %add3A_184 : vector<16xf32>
        tpu.vector_store_idx %arg15[%add3A_176, %add3A_10], %neg3A_197 : memref<2048x8xf32, #tpu.memory_space<vmem>>[vector<16xi32>, vector<16xi32>], vector<16xf32>,
        %get3A_198 = arith.index_cast %mul3A_172 : i32 to index
        %get3A_199 = tpu.vector_load %arg9[%get3A_198] {strides = array<i32>} : memref<2048xi32, #tpu.memory_space<vmem>>, vector<16xi32>,
        %swap3A_200 = arith.constant 0 : i32
        %swap3A_201 = arith.index_cast %swap3A_200 : i32 to index
        %swap3A_202 = arith.index_cast %mul3A_172 : i32 to index
        %swap3A_203 = tpu.vector_load %arg16[%swap3A_201, %swap3A_202] {strides = array<i32>} : memref<1x2048xi32, #tpu.memory_space<vmem>>, vector<16xi32>,
        tpu.vector_store %arg16[%swap3A_201, %swap3A_202], %get3A_199 {strides = array<i32>} : memref<1x2048xi32, #tpu.memory_space<vmem>>, vector<16xi32>,
        %get3A_204 = arith.index_cast %mul3A_172 : i32 to index
        %get3A_205 = tpu.vector_load %arg10[%get3A_204] {strides = array<i32>} : memref<2048xi32, #tpu.memory_space<vmem>>, vector<16xi32>,
        %swap3A_206 = arith.constant 0 : i32
        %swap3A_207 = arith.index_cast %swap3A_206 : i32 to index
        %swap3A_208 = arith.index_cast %mul3A_172 : i32 to index
        %swap3A_209 = tpu.vector_load %arg17[%swap3A_207, %swap3A_208] {strides = array<i32>} : memref<1x2048xi32, #tpu.memory_space<vmem>>, vector<16xi32>,
        tpu.vector_store %arg17[%swap3A_207, %swap3A_208], %get3A_205 {strides = array<i32>} : memref<1x2048xi32, #tpu.memory_space<vmem>>, vector<16xi32>,
      }
      %scan3A_105 = arith.constant 128 : i32
      %dma_start3A_106 = arith.constant 0 : i32
      %dma_start3A_107 = arith.constant 0 : i32
      %dma_start3A_108 = tpu.memref_slice %arg16[%dma_start3A_106, %dma_start3A_107] : memref<1x2048xi32, #tpu.memory_space<vmem>> -> memref<1x2048xi32, #tpu.memory_space<vmem>>
      %dma_start3A_109 = tpu.memref_squeeze %dma_start3A_108 : memref<1x2048xi32, #tpu.memory_space<vmem>> -> memref<2048xi32, #tpu.memory_space<vmem>>
      %dma_start3A_110 = arith.constant 0 : i32
      %dma_start3A_111 = arith.constant 0 : i32
      %dma_start3A_112 = tpu.memref_slice %arg21[%dma_start3A_110, %dma_start3A_111] : memref<100000x8xf32, #tpu.memory_space<vmem_shared>> -> memref<100000x8xf32, #tpu.memory_space<vmem_shared>>
      tpu.enqueue_indirect_dma source(%arg14 : memref<2048x8xf32, #tpu.memory_space<vmem>>) target(%dma_start3A_112 : memref<100000x8xf32, #tpu.memory_space<vmem_shared>>) offsets(%dma_start3A_109 : memref<2048xi32, #tpu.memory_space<vmem>>) semaphore(%arg23 : memref<!tpu.dma_semaphore, #tpu.memory_space<semaphore_mem>>) {add = true}
      %dma_start3A_113 = arith.constant 0 : i32
      %dma_start3A_114 = arith.constant 0 : i32
      %dma_start3A_115 = tpu.memref_slice %arg17[%dma_start3A_113, %dma_start3A_114] : memref<1x2048xi32, #tpu.memory_space<vmem>> -> memref<1x2048xi32, #tpu.memory_space<vmem>>
      %dma_start3A_116 = tpu.memref_squeeze %dma_start3A_115 : memref<1x2048xi32, #tpu.memory_space<vmem>> -> memref<2048xi32, #tpu.memory_space<vmem>>
      %dma_start3A_117 = arith.constant 0 : i32
      %dma_start3A_118 = arith.constant 0 : i32
      %dma_start3A_119 = tpu.memref_slice %arg21[%dma_start3A_117, %dma_start3A_118] : memref<100000x8xf32, #tpu.memory_space<vmem_shared>> -> memref<100000x8xf32, #tpu.memory_space<vmem_shared>>
      tpu.enqueue_indirect_dma source(%arg15 : memref<2048x8xf32, #tpu.memory_space<vmem>>) target(%dma_start3A_119 : memref<100000x8xf32, #tpu.memory_space<vmem_shared>>) offsets(%dma_start3A_116 : memref<2048xi32, #tpu.memory_space<vmem>>) semaphore(%arg23 : memref<!tpu.dma_semaphore, #tpu.memory_space<semaphore_mem>>) {add = true}
      %dma_start3A_120 = arith.constant 0 : i32
      %dma_start3A_121 = tpu.memref_slice %arg5[%dma_start3A_120, %mul3A_75] : memref<3x6400000xf32, #tpu.memory_space<hbm>> -> memref<1x2048xf32, #tpu.memory_space<hbm>>
      %dma_start3A_122 = tpu.memref_squeeze %dma_start3A_121 : memref<1x2048xf32, #tpu.memory_space<hbm>> -> memref<2048xf32, #tpu.memory_space<hbm>>
      %dma_start3A_123 = tpu.memref_slice %arg5[%dma_start3A_120, %mul3A_75] : memref<3x6400000xf32, #tpu.memory_space<hbm>> -> memref<1x2048xf32, #tpu.memory_space<hbm>>
      %dma_start3A_124 = tpu.memref_squeeze %dma_start3A_123 : memref<1x2048xf32, #tpu.memory_space<hbm>> -> memref<2048xf32, #tpu.memory_space<hbm>>
      tpu.enqueue_dma source(%arg11 : memref<2048xf32, #tpu.memory_space<vmem>>) target(%dma_start3A_124 : memref<2048xf32, #tpu.memory_space<hbm>>) target_semaphore(%arg24 : memref<!tpu.dma_semaphore, #tpu.memory_space<semaphore_mem>>)
      %dma_start3A_125 = arith.constant 1 : i32
      %dma_start3A_126 = tpu.memref_slice %arg5[%dma_start3A_125, %mul3A_75] : memref<3x6400000xf32, #tpu.memory_space<hbm>> -> memref<1x2048xf32, #tpu.memory_space<hbm>>
      %dma_start3A_127 = tpu.memref_squeeze %dma_start3A_126 : memref<1x2048xf32, #tpu.memory_space<hbm>> -> memref<2048xf32, #tpu.memory_space<hbm>>
      %dma_start3A_128 = tpu.memref_slice %arg5[%dma_start3A_125, %mul3A_75] : memref<3x6400000xf32, #tpu.memory_space<hbm>> -> memref<1x2048xf32, #tpu.memory_space<hbm>>
      %dma_start3A_129 = tpu.memref_squeeze %dma_start3A_128 : memref<1x2048xf32, #tpu.memory_space<hbm>> -> memref<2048xf32, #tpu.memory_space<hbm>>
      tpu.enqueue_dma source(%arg12 : memref<2048xf32, #tpu.memory_space<vmem>>) target(%dma_start3A_129 : memref<2048xf32, #tpu.memory_space<hbm>>) target_semaphore(%arg24 : memref<!tpu.dma_semaphore, #tpu.memory_space<semaphore_mem>>)
      %dma_start3A_130 = arith.constant 2 : i32
      %dma_start3A_131 = tpu.memref_slice %arg5[%dma_start3A_130, %mul3A_75] : memref<3x6400000xf32, #tpu.memory_space<hbm>> -> memref<1x2048xf32, #tpu.memory_space<hbm>>
      %dma_start3A_132 = tpu.memref_squeeze %dma_start3A_131 : memref<1x2048xf32, #tpu.memory_space<hbm>> -> memref<2048xf32, #tpu.memory_space<hbm>>
      %dma_start3A_133 = tpu.memref_slice %arg5[%dma_start3A_130, %mul3A_75] : memref<3x6400000xf32, #tpu.memory_space<hbm>> -> memref<1x2048xf32, #tpu.memory_space<hbm>>
      %dma_start3A_134 = tpu.memref_squeeze %dma_start3A_133 : memref<1x2048xf32, #tpu.memory_space<hbm>> -> memref<2048xf32, #tpu.memory_space<hbm>>
      tpu.enqueue_dma source(%arg13 : memref<2048xf32, #tpu.memory_space<vmem>>) target(%dma_start3A_134 : memref<2048xf32, #tpu.memory_space<hbm>>) target_semaphore(%arg24 : memref<!tpu.dma_semaphore, #tpu.memory_space<semaphore_mem>>)
      %add3A_135 = arith.constant 1 : i32
      %add3A_136 = arith.addi %while3A_70, %add3A_135 : i32
      %lt3A_137 = arith.cmpi slt, %add3A_136, %add3A_28 : i32
      %convert_element_type3A_138 = arith.extui %lt3A_137 : i1 to i32
      %cond3A_139 = arith.constant 0 : i32
      %cond3A_140 = arith.cmpi ne, %convert_element_type3A_138, %cond3A_139 : i32
      scf.if %cond3A_140 {
        %add3A_170 = arith.constant 1 : i32
        %add3A_171 = arith.addi %while3A_70, %add3A_170 : i32
        %mul3A_172 = arith.constant 32 : i32
        %mul3A_173 = arith.muli %add3A_171, %mul3A_172 : i32
        %add3A_174 = arith.addi %add3A, %mul3A_173 : i32
        %mul3A_175 = arith.constant 2048 : i32
        %mul3A_176 = arith.muli %add3A_174, %mul3A_175 : i32
        %dma_start3A_177 = arith.constant 0 : i32
        %dma_start3A_178 = tpu.memref_slice %arg2[%dma_start3A_177, %mul3A_176] : memref<3x6400000xf32, #tpu.memory_space<hbm>> -> memref<1x2048xf32, #tpu.memory_space<hbm>>
        %dma_start3A_179 = tpu.memref_squeeze %dma_start3A_178 : memref<1x2048xf32, #tpu.memory_space<hbm>> -> memref<2048xf32, #tpu.memory_space<hbm>>
        %dma_start3A_180 = tpu.memref_slice %arg2[%dma_start3A_177, %mul3A_176] : memref<3x6400000xf32, #tpu.memory_space<hbm>> -> memref<1x2048xf32, #tpu.memory_space<hbm>>
        %dma_start3A_181 = tpu.memref_squeeze %dma_start3A_180 : memref<1x2048xf32, #tpu.memory_space<hbm>> -> memref<2048xf32, #tpu.memory_space<hbm>>
        tpu.enqueue_dma source(%dma_start3A_181 : memref<2048xf32, #tpu.memory_space<hbm>>) target(%arg6 : memref<2048xf32, #tpu.memory_space<vmem>>) target_semaphore(%arg22 : memref<!tpu.dma_semaphore, #tpu.memory_space<semaphore_mem>>)
        %dma_start3A_182 = arith.constant 1 : i32
        %dma_start3A_183 = tpu.memref_slice %arg2[%dma_start3A_182, %mul3A_176] : memref<3x6400000xf32, #tpu.memory_space<hbm>> -> memref<1x2048xf32, #tpu.memory_space<hbm>>
        %dma_start3A_184 = tpu.memref_squeeze %dma_start3A_183 : memref<1x2048xf32, #tpu.memory_space<hbm>> -> memref<2048xf32, #tpu.memory_space<hbm>>
        %dma_start3A_185 = tpu.memref_slice %arg2[%dma_start3A_182, %mul3A_176] : memref<3x6400000xf32, #tpu.memory_space<hbm>> -> memref<1x2048xf32, #tpu.memory_space<hbm>>
        %dma_start3A_186 = tpu.memref_squeeze %dma_start3A_185 : memref<1x2048xf32, #tpu.memory_space<hbm>> -> memref<2048xf32, #tpu.memory_space<hbm>>
        tpu.enqueue_dma source(%dma_start3A_186 : memref<2048xf32, #tpu.memory_space<hbm>>) target(%arg7 : memref<2048xf32, #tpu.memory_space<vmem>>) target_semaphore(%arg22 : memref<!tpu.dma_semaphore, #tpu.memory_space<semaphore_mem>>)
        %dma_start3A_187 = arith.constant 2 : i32
        %dma_start3A_188 = tpu.memref_slice %arg2[%dma_start3A_187, %mul3A_176] : memref<3x6400000xf32, #tpu.memory_space<hbm>> -> memref<1x2048xf32, #tpu.memory_space<hbm>>
        %dma_start3A_189 = tpu.memref_squeeze %dma_start3A_188 : memref<1x2048xf32, #tpu.memory_space<hbm>> -> memref<2048xf32, #tpu.memory_space<hbm>>
        %dma_start3A_190 = tpu.memref_slice %arg2[%dma_start3A_187, %mul3A_176] : memref<3x6400000xf32, #tpu.memory_space<hbm>> -> memref<1x2048xf32, #tpu.memory_space<hbm>>
        %dma_start3A_191 = tpu.memref_squeeze %dma_start3A_190 : memref<1x2048xf32, #tpu.memory_space<hbm>> -> memref<2048xf32, #tpu.memory_space<hbm>>
        tpu.enqueue_dma source(%dma_start3A_191 : memref<2048xf32, #tpu.memory_space<hbm>>) target(%arg8 : memref<2048xf32, #tpu.memory_space<vmem>>) target_semaphore(%arg22 : memref<!tpu.dma_semaphore, #tpu.memory_space<semaphore_mem>>)
        %dma_start3A_192 = arith.constant 0 : i32
        %dma_start3A_193 = tpu.memref_slice %arg3[%dma_start3A_192, %mul3A_176] : memref<2x6400000xi32, #tpu.memory_space<hbm>> -> memref<1x2048xi32, #tpu.memory_space<hbm>>
        %dma_start3A_194 = tpu.memref_squeeze %dma_start3A_193 : memref<1x2048xi32, #tpu.memory_space<hbm>> -> memref<2048xi32, #tpu.memory_space<hbm>>
        %dma_start3A_195 = tpu.memref_slice %arg3[%dma_start3A_192, %mul3A_176] : memref<2x6400000xi32, #tpu.memory_space<hbm>> -> memref<1x2048xi32, #tpu.memory_space<hbm>>
        %dma_start3A_196 = tpu.memref_squeeze %dma_start3A_195 : memref<1x2048xi32, #tpu.memory_space<hbm>> -> memref<2048xi32, #tpu.memory_space<hbm>>
        tpu.enqueue_dma source(%dma_start3A_196 : memref<2048xi32, #tpu.memory_space<hbm>>) target(%arg9 : memref<2048xi32, #tpu.memory_space<vmem>>) target_semaphore(%arg22 : memref<!tpu.dma_semaphore, #tpu.memory_space<semaphore_mem>>)
        %dma_start3A_197 = arith.constant 1 : i32
        %dma_start3A_198 = tpu.memref_slice %arg3[%dma_start3A_197, %mul3A_176] : memref<2x6400000xi32, #tpu.memory_space<hbm>> -> memref<1x2048xi32, #tpu.memory_space<hbm>>
        %dma_start3A_199 = tpu.memref_squeeze %dma_start3A_198 : memref<1x2048xi32, #tpu.memory_space<hbm>> -> memref<2048xi32, #tpu.memory_space<hbm>>
        %dma_start3A_200 = tpu.memref_slice %arg3[%dma_start3A_197, %mul3A_176] : memref<2x6400000xi32, #tpu.memory_space<hbm>> -> memref<1x2048xi32, #tpu.memory_space<hbm>>
        %dma_start3A_201 = tpu.memref_squeeze %dma_start3A_200 : memref<1x2048xi32, #tpu.memory_space<hbm>> -> memref<2048xi32, #tpu.memory_space<hbm>>
        tpu.enqueue_dma source(%dma_start3A_201 : memref<2048xi32, #tpu.memory_space<hbm>>) target(%arg10 : memref<2048xi32, #tpu.memory_space<vmem>>) target_semaphore(%arg22 : memref<!tpu.dma_semaphore, #tpu.memory_space<semaphore_mem>>)
      } else {
      }
      %dma_wait3A_141 = arith.constant 0 : i32
      %dma_wait3A_142 = arith.constant 0 : i32
      %dma_wait3A_143 = tpu.memref_slice %arg16[%dma_wait3A_141, %dma_wait3A_142] : memref<1x2048xi32, #tpu.memory_space<vmem>> -> memref<1x2048xi32, #tpu.memory_space<vmem>>
      %dma_wait3A_144 = tpu.memref_squeeze %dma_wait3A_143 : memref<1x2048xi32, #tpu.memory_space<vmem>> -> memref<2048xi32, #tpu.memory_space<vmem>>
      %dma_wait3A_145 = arith.constant 0 : i32
      %dma_wait3A_146 = arith.constant 0 : i32
      %dma_wait3A_147 = tpu.memref_slice %arg21[%dma_wait3A_145, %dma_wait3A_146] : memref<100000x8xf32, #tpu.memory_space<vmem_shared>> -> memref<100000x8xf32, #tpu.memory_space<vmem_shared>>
      tpu.wait_indirect_dma semaphore(%arg23 : memref<!tpu.dma_semaphore, #tpu.memory_space<semaphore_mem>>) src(%arg14 : memref<2048x8xf32, #tpu.memory_space<vmem>>) dst(%dma_wait3A_147 : memref<100000x8xf32, #tpu.memory_space<vmem_shared>>)
      %dma_wait3A_148 = arith.constant 0 : i32
      %dma_wait3A_149 = arith.constant 0 : i32
      %dma_wait3A_150 = tpu.memref_slice %arg17[%dma_wait3A_148, %dma_wait3A_149] : memref<1x2048xi32, #tpu.memory_space<vmem>> -> memref<1x2048xi32, #tpu.memory_space<vmem>>
      %dma_wait3A_151 = tpu.memref_squeeze %dma_wait3A_150 : memref<1x2048xi32, #tpu.memory_space<vmem>> -> memref<2048xi32, #tpu.memory_space<vmem>>
      %dma_wait3A_152 = arith.constant 0 : i32
      %dma_wait3A_153 = arith.constant 0 : i32
      %dma_wait3A_154 = tpu.memref_slice %arg21[%dma_wait3A_152, %dma_wait3A_153] : memref<100000x8xf32, #tpu.memory_space<vmem_shared>> -> memref<100000x8xf32, #tpu.memory_space<vmem_shared>>
      tpu.wait_indirect_dma semaphore(%arg23 : memref<!tpu.dma_semaphore, #tpu.memory_space<semaphore_mem>>) src(%arg15 : memref<2048x8xf32, #tpu.memory_space<vmem>>) dst(%dma_wait3A_154 : memref<100000x8xf32, #tpu.memory_space<vmem_shared>>)
      %dma_wait3A_155 = arith.constant 0 : i32
      %dma_wait3A_156 = tpu.memref_slice %arg5[%dma_wait3A_155, %mul3A_75] : memref<3x6400000xf32, #tpu.memory_space<hbm>> -> memref<1x2048xf32, #tpu.memory_space<hbm>>
      %dma_wait3A_157 = tpu.memref_squeeze %dma_wait3A_156 : memref<1x2048xf32, #tpu.memory_space<hbm>> -> memref<2048xf32, #tpu.memory_space<hbm>>
      %dma_wait3A_158 = tpu.memref_slice %arg5[%dma_wait3A_155, %mul3A_75] : memref<3x6400000xf32, #tpu.memory_space<hbm>> -> memref<1x2048xf32, #tpu.memory_space<hbm>>
      %dma_wait3A_159 = tpu.memref_squeeze %dma_wait3A_158 : memref<1x2048xf32, #tpu.memory_space<hbm>> -> memref<2048xf32, #tpu.memory_space<hbm>>
      tpu.wait_dma2 semaphore(%arg24 : memref<!tpu.dma_semaphore, #tpu.memory_space<semaphore_mem>>) src(%arg11 : memref<2048xf32, #tpu.memory_space<vmem>>) dst(%dma_wait3A_159 : memref<2048xf32, #tpu.memory_space<hbm>>)
      %dma_wait3A_160 = arith.constant 1 : i32
      %dma_wait3A_161 = tpu.memref_slice %arg5[%dma_wait3A_160, %mul3A_75] : memref<3x6400000xf32, #tpu.memory_space<hbm>> -> memref<1x2048xf32, #tpu.memory_space<hbm>>
      %dma_wait3A_162 = tpu.memref_squeeze %dma_wait3A_161 : memref<1x2048xf32, #tpu.memory_space<hbm>> -> memref<2048xf32, #tpu.memory_space<hbm>>
      %dma_wait3A_163 = tpu.memref_slice %arg5[%dma_wait3A_160, %mul3A_75] : memref<3x6400000xf32, #tpu.memory_space<hbm>> -> memref<1x2048xf32, #tpu.memory_space<hbm>>
      %dma_wait3A_164 = tpu.memref_squeeze %dma_wait3A_163 : memref<1x2048xf32, #tpu.memory_space<hbm>> -> memref<2048xf32, #tpu.memory_space<hbm>>
      tpu.wait_dma2 semaphore(%arg24 : memref<!tpu.dma_semaphore, #tpu.memory_space<semaphore_mem>>) src(%arg12 : memref<2048xf32, #tpu.memory_space<vmem>>) dst(%dma_wait3A_164 : memref<2048xf32, #tpu.memory_space<hbm>>)
      %dma_wait3A_165 = arith.constant 2 : i32
      %dma_wait3A_166 = tpu.memref_slice %arg5[%dma_wait3A_165, %mul3A_75] : memref<3x6400000xf32, #tpu.memory_space<hbm>> -> memref<1x2048xf32, #tpu.memory_space<hbm>>
      %dma_wait3A_167 = tpu.memref_squeeze %dma_wait3A_166 : memref<1x2048xf32, #tpu.memory_space<hbm>> -> memref<2048xf32, #tpu.memory_space<hbm>>
      %dma_wait3A_168 = tpu.memref_slice %arg5[%dma_wait3A_165, %mul3A_75] : memref<3x6400000xf32, #tpu.memory_space<hbm>> -> memref<1x2048xf32, #tpu.memory_space<hbm>>
      %dma_wait3A_169 = tpu.memref_squeeze %dma_wait3A_168 : memref<1x2048xf32, #tpu.memory_space<hbm>> -> memref<2048xf32, #tpu.memory_space<hbm>>
      tpu.wait_dma2 semaphore(%arg24 : memref<!tpu.dma_semaphore, #tpu.memory_space<semaphore_mem>>) src(%arg13 : memref<2048xf32, #tpu.memory_space<vmem>>) dst(%dma_wait3A_169 : memref<2048xf32, #tpu.memory_space<hbm>>)
    }
    %barrier3A_64 = arith.constant 0 : index
    tpu.barrier barrier_id(%barrier3A_64)
    %lt3A_65 = arith.constant 10 : i32
    %lt3A_66 = arith.cmpi slt, %arg1, %lt3A_65 : i32
    %convert_element_type3A_67 = arith.extui %lt3A_66 : i1 to i32
    %cond3A_68 = arith.constant 0 : i32
    %cond3A_69 = arith.cmpi ne, %convert_element_type3A_67, %cond3A_68 : i32
    scf.if %cond3A_69 {
      %mul3A_70 = arith.constant 10000 : i32
      %mul3A_71 = arith.muli %arg1, %mul3A_70 : i32
      %add3A_72 = arith.constant 0 : i32
      %add3A_73 = arith.addi %mul3A_71, %add3A_72 : i32
      "tpu.region"() ({
        %run_scoped3A_344 = tpu.sem_alloc : memref<!tpu.dma_semaphore, #tpu.memory_space<semaphore_mem>>
        %dma_start3A_345 = arith.constant 0 : i32
        %dma_start3A_346 = tpu.memref_slice %arg21[%add3A_73, %dma_start3A_345] : memref<100000x8xf32, #tpu.memory_space<vmem_shared>> -> memref<2000x8xf32, #tpu.memory_space<vmem_shared>>
        %dma_start3A_347 = arith.constant 0 : i32
        %dma_start3A_348 = tpu.memref_slice %arg21[%add3A_73, %dma_start3A_347] : memref<100000x8xf32, #tpu.memory_space<vmem_shared>> -> memref<2000x8xf32, #tpu.memory_space<vmem_shared>>
        tpu.enqueue_dma source(%dma_start3A_348 : memref<2000x8xf32, #tpu.memory_space<vmem_shared>>) target(%arg19 : memref<2000x8xf32, #tpu.memory_space<vmem>>) target_semaphore(%run_scoped3A_344 : memref<!tpu.dma_semaphore, #tpu.memory_space<semaphore_mem>>)
        %dma_wait3A = arith.constant 0 : i32
        %dma_wait3A_349 = tpu.memref_slice %arg21[%add3A_73, %dma_wait3A] : memref<100000x8xf32, #tpu.memory_space<vmem_shared>> -> memref<2000x8xf32, #tpu.memory_space<vmem_shared>>
        %dma_wait3A_350 = arith.constant 0 : i32
        %dma_wait3A_351 = tpu.memref_slice %arg21[%add3A_73, %dma_wait3A_350] : memref<100000x8xf32, #tpu.memory_space<vmem_shared>> -> memref<2000x8xf32, #tpu.memory_space<vmem_shared>>
        tpu.wait_dma2 semaphore(%run_scoped3A_344 : memref<!tpu.dma_semaphore, #tpu.memory_space<semaphore_mem>>) src(%dma_wait3A_351 : memref<2000x8xf32, #tpu.memory_space<vmem_shared>>) dst(%arg19 : memref<2000x8xf32, #tpu.memory_space<vmem>>)
        tpu.yield
      }) : () -> ()
      %mul3A_74 = arith.constant 0 : i32
      %mul3A_75 = vector.broadcast %mul3A_74 : i32 to vector<16xi32>
      %mul3A_76 = arith.muli %iota3A, %mul3A_75 : vector<16xi32>
      %add3A_77 = arith.constant 0 : i32
      %add3A_78 = vector.broadcast %add3A_77 : i32 to vector<16xi32>
      %add3A_79 = arith.addi %mul3A_76, %add3A_78 : vector<16xi32>
      %scan3A_80 = arith.constant 0 : i32
      %scan3A_81 = arith.constant 0 : i32
      %scan3A_82 = arith.constant 125 : i32
      %scan3A_83 = arith.addi %scan3A_81, %scan3A_82 : i32
      %scan3A_84 = arith.constant 1 : i32
      scf.for %scan3A_344 = %scan3A_81 to %scan3A_83 step %scan3A_84  : i32 {
        %mul3A_345 = arith.constant 16 : i32
        %mul3A_346 = arith.muli %scan3A_344, %mul3A_345 : i32
        %add3A_347 = vector.broadcast %mul3A_346 : i32 to vector<16xi32>
        %add3A_348 = arith.addi %add3A_347, %iota3A : vector<16xi32>
        %gather3A = tpu.vector_load_idx %arg19[%add3A_348, %add3A_79] : memref<2000x8xf32, #tpu.memory_space<vmem>>[vector<16xi32>, vector<16xi32>], vector<16xf32>,
        %mul3A_349 = arith.constant 16 : i32
        %mul3A_350 = arith.muli %scan3A_344, %mul3A_349 : i32
        %swap3A = arith.index_cast %mul3A_350 : i32 to index
        %swap3A_351 = tpu.vector_load %arg20[%swap3A] {strides = array<i32>} : memref<2000xf32, #tpu.memory_space<vmem>>, vector<16xf32>,
        tpu.vector_store %arg20[%swap3A], %gather3A {strides = array<i32>} : memref<2000xf32, #tpu.memory_space<vmem>>, vector<16xf32>,
      }
      %scan3A_85 = arith.constant 125 : i32
      %mul3A_86 = arith.constant 10000 : i32
      %mul3A_87 = arith.muli %arg1, %mul3A_86 : i32
      %add3A_88 = arith.constant 0 : i32
      %add3A_89 = arith.addi %mul3A_87, %add3A_88 : i32
      %run_scoped3A = arith.constant 0 : i32
      "tpu.region"() ({
        %run_scoped3A_344 = tpu.sem_alloc : memref<!tpu.dma_semaphore, #tpu.memory_space<semaphore_mem>>
        %dma_start3A_345 = tpu.memref_slice %arg4[%arg0, %run_scoped3A, %add3A_89] : memref<2x3x100000xf32, #tpu.memory_space<hbm>> -> memref<1x1x2000xf32, #tpu.memory_space<hbm>>
        %dma_start3A_346 = tpu.memref_squeeze %dma_start3A_345 : memref<1x1x2000xf32, #tpu.memory_space<hbm>> -> memref<2000xf32, #tpu.memory_space<hbm>>
        %dma_start3A_347 = tpu.memref_slice %arg4[%arg0, %run_scoped3A, %add3A_89] : memref<2x3x100000xf32, #tpu.memory_space<hbm>> -> memref<1x1x2000xf32, #tpu.memory_space<hbm>>
        %dma_start3A_348 = tpu.memref_squeeze %dma_start3A_347 : memref<1x1x2000xf32, #tpu.memory_space<hbm>> -> memref<2000xf32, #tpu.memory_space<hbm>>
        tpu.enqueue_dma source(%arg20 : memref<2000xf32, #tpu.memory_space<vmem>>) target(%dma_start3A_348 : memref<2000xf32, #tpu.memory_space<hbm>>) target_semaphore(%run_scoped3A_344 : memref<!tpu.dma_semaphore, #tpu.memory_space<semaphore_mem>>)
        %dma_wait3A = tpu.memref_slice %arg4[%arg0, %run_scoped3A, %add3A_89] : memref<2x3x100000xf32, #tpu.memory_space<hbm>> -> memref<1x1x2000xf32, #tpu.memory_space<hbm>>
        %dma_wait3A_349 = tpu.memref_squeeze %dma_wait3A : memref<1x1x2000xf32, #tpu.memory_space<hbm>> -> memref<2000xf32, #tpu.memory_space<hbm>>
        %dma_wait3A_350 = tpu.memref_slice %arg4[%arg0, %run_scoped3A, %add3A_89] : memref<2x3x100000xf32, #tpu.memory_space<hbm>> -> memref<1x1x2000xf32, #tpu.memory_space<hbm>>
        %dma_wait3A_351 = tpu.memref_squeeze %dma_wait3A_350 : memref<1x1x2000xf32, #tpu.memory_space<hbm>> -> memref<2000xf32, #tpu.memory_space<hbm>>
        tpu.wait_dma2 semaphore(%run_scoped3A_344 : memref<!tpu.dma_semaphore, #tpu.memory_space<semaphore_mem>>) src(%arg20 : memref<2000xf32, #tpu.memory_space<vmem>>) dst(%dma_wait3A_351 : memref<2000xf32, #tpu.memory_space<hbm>>)
        tpu.yield
      }) : () -> ()
      %mul3A_90 = arith.constant 0 : i32
      %mul3A_91 = vector.broadcast %mul3A_90 : i32 to vector<16xi32>
      %mul3A_92 = arith.muli %iota3A, %mul3A_91 : vector<16xi32>
      %add3A_93 = arith.constant 1 : i32
      %add3A_94 = vector.broadcast %add3A_93 : i32 to vector<16xi32>
      %add3A_95 = arith.addi %mul3A_92, %add3A_94 : vector<16xi32>
      %scan3A_96 = arith.constant 0 : i32
      %scan3A_97 = arith.constant 0 : i32
      %scan3A_98 = arith.constant 125 : i32
      %scan3A_99 = arith.addi %scan3A_97, %scan3A_98 : i32
      %scan3A_100 = arith.constant 1 : i32
      scf.for %scan3A_344 = %scan3A_97 to %scan3A_99 step %scan3A_100  : i32 {
        %mul3A_345 = arith.constant 16 : i32
        %mul3A_346 = arith.muli %scan3A_344, %mul3A_345 : i32
        %add3A_347 = vector.broadcast %mul3A_346 : i32 to vector<16xi32>
        %add3A_348 = arith.addi %add3A_347, %iota3A : vector<16xi32>
        %gather3A = tpu.vector_load_idx %arg19[%add3A_348, %add3A_95] : memref<2000x8xf32, #tpu.memory_space<vmem>>[vector<16xi32>, vector<16xi32>], vector<16xf32>,
        %mul3A_349 = arith.constant 16 : i32
        %mul3A_350 = arith.muli %scan3A_344, %mul3A_349 : i32
        %swap3A = arith.index_cast %mul3A_350 : i32 to index
        %swap3A_351 = tpu.vector_load %arg20[%swap3A] {strides = array<i32>} : memref<2000xf32, #tpu.memory_space<vmem>>, vector<16xf32>,
        tpu.vector_store %arg20[%swap3A], %gather3A {strides = array<i32>} : memref<2000xf32, #tpu.memory_space<vmem>>, vector<16xf32>,
      }
      %scan3A_101 = arith.constant 125 : i32
      %mul3A_102 = arith.constant 10000 : i32
      %mul3A_103 = arith.muli %arg1, %mul3A_102 : i32
      %add3A_104 = arith.constant 0 : i32
      %add3A_105 = arith.addi %mul3A_103, %add3A_104 : i32
      %run_scoped3A_106 = arith.constant 1 : i32
      "tpu.region"() ({
        %run_scoped3A_344 = tpu.sem_alloc : memref<!tpu.dma_semaphore, #tpu.memory_space<semaphore_mem>>
        %dma_start3A_345 = tpu.memref_slice %arg4[%arg0, %run_scoped3A_106, %add3A_105] : memref<2x3x100000xf32, #tpu.memory_space<hbm>> -> memref<1x1x2000xf32, #tpu.memory_space<hbm>>
        %dma_start3A_346 = tpu.memref_squeeze %dma_start3A_345 : memref<1x1x2000xf32, #tpu.memory_space<hbm>> -> memref<2000xf32, #tpu.memory_space<hbm>>
        %dma_start3A_347 = tpu.memref_slice %arg4[%arg0, %run_scoped3A_106, %add3A_105] : memref<2x3x100000xf32, #tpu.memory_space<hbm>> -> memref<1x1x2000xf32, #tpu.memory_space<hbm>>
        %dma_start3A_348 = tpu.memref_squeeze %dma_start3A_347 : memref<1x1x2000xf32, #tpu.memory_space<hbm>> -> memref<2000xf32, #tpu.memory_space<hbm>>
        tpu.enqueue_dma source(%arg20 : memref<2000xf32, #tpu.memory_space<vmem>>) target(%dma_start3A_348 : memref<2000xf32, #tpu.memory_space<hbm>>) target_semaphore(%run_scoped3A_344 : memref<!tpu.dma_semaphore, #tpu.memory_space<semaphore_mem>>)
        %dma_wait3A = tpu.memref_slice %arg4[%arg0, %run_scoped3A_106, %add3A_105] : memref<2x3x100000xf32, #tpu.memory_space<hbm>> -> memref<1x1x2000xf32, #tpu.memory_space<hbm>>
        %dma_wait3A_349 = tpu.memref_squeeze %dma_wait3A : memref<1x1x2000xf32, #tpu.memory_space<hbm>> -> memref<2000xf32, #tpu.memory_space<hbm>>
        %dma_wait3A_350 = tpu.memref_slice %arg4[%arg0, %run_scoped3A_106, %add3A_105] : memref<2x3x100000xf32, #tpu.memory_space<hbm>> -> memref<1x1x2000xf32, #tpu.memory_space<hbm>>
        %dma_wait3A_351 = tpu.memref_squeeze %dma_wait3A_350 : memref<1x1x2000xf32, #tpu.memory_space<hbm>> -> memref<2000xf32, #tpu.memory_space<hbm>>
        tpu.wait_dma2 semaphore(%run_scoped3A_344 : memref<!tpu.dma_semaphore, #tpu.memory_space<semaphore_mem>>) src(%arg20 : memref<2000xf32, #tpu.memory_space<vmem>>) dst(%dma_wait3A_351 : memref<2000xf32, #tpu.memory_space<hbm>>)
        tpu.yield
      }) : () -> ()
      %mul3A_107 = arith.constant 0 : i32
      %mul3A_108 = vector.broadcast %mul3A_107 : i32 to vector<16xi32>
      %mul3A_109 = arith.muli %iota3A, %mul3A_108 : vector<16xi32>
      %add3A_110 = arith.constant 2 : i32
      %add3A_111 = vector.broadcast %add3A_110 : i32 to vector<16xi32>
      %add3A_112 = arith.addi %mul3A_109, %add3A_111 : vector<16xi32>
      %scan3A_113 = arith.constant 0 : i32
      %scan3A_114 = arith.constant 0 : i32
      %scan3A_115 = arith.constant 125 : i32
      %scan3A_116 = arith.addi %scan3A_114, %scan3A_115 : i32
      %scan3A_117 = arith.constant 1 : i32
      scf.for %scan3A_344 = %scan3A_114 to %scan3A_116 step %scan3A_117  : i32 {
        %mul3A_345 = arith.constant 16 : i32
        %mul3A_346 = arith.muli %scan3A_344, %mul3A_345 : i32
        %add3A_347 = vector.broadcast %mul3A_346 : i32 to vector<16xi32>
        %add3A_348 = arith.addi %add3A_347, %iota3A : vector<16xi32>
        %gather3A = tpu.vector_load_idx %arg19[%add3A_348, %add3A_112] : memref<2000x8xf32, #tpu.memory_space<vmem>>[vector<16xi32>, vector<16xi32>], vector<16xf32>,
        %mul3A_349 = arith.constant 16 : i32
        %mul3A_350 = arith.muli %scan3A_344, %mul3A_349 : i32
        %swap3A = arith.index_cast %mul3A_350 : i32 to index
        %swap3A_351 = tpu.vector_load %arg20[%swap3A] {strides = array<i32>} : memref<2000xf32, #tpu.memory_space<vmem>>, vector<16xf32>,
        tpu.vector_store %arg20[%swap3A], %gather3A {strides = array<i32>} : memref<2000xf32, #tpu.memory_space<vmem>>, vector<16xf32>,
      }
      %scan3A_118 = arith.constant 125 : i32
      %mul3A_119 = arith.constant 10000 : i32
      %mul3A_120 = arith.muli %arg1, %mul3A_119 : i32
      %add3A_121 = arith.constant 0 : i32
      %add3A_122 = arith.addi %mul3A_120, %add3A_121 : i32
      %run_scoped3A_123 = arith.constant 2 : i32
      "tpu.region"() ({
        %run_scoped3A_344 = tpu.sem_alloc : memref<!tpu.dma_semaphore, #tpu.memory_space<semaphore_mem>>
        %dma_start3A_345 = tpu.memref_slice %arg4[%arg0, %run_scoped3A_123, %add3A_122] : memref<2x3x100000xf32, #tpu.memory_space<hbm>> -> memref<1x1x2000xf32, #tpu.memory_space<hbm>>
        %dma_start3A_346 = tpu.memref_squeeze %dma_start3A_345 : memref<1x1x2000xf32, #tpu.memory_space<hbm>> -> memref<2000xf32, #tpu.memory_space<hbm>>
        %dma_start3A_347 = tpu.memref_slice %arg4[%arg0, %run_scoped3A_123, %add3A_122] : memref<2x3x100000xf32, #tpu.memory_space<hbm>> -> memref<1x1x2000xf32, #tpu.memory_space<hbm>>
        %dma_start3A_348 = tpu.memref_squeeze %dma_start3A_347 : memref<1x1x2000xf32, #tpu.memory_space<hbm>> -> memref<2000xf32, #tpu.memory_space<hbm>>
        tpu.enqueue_dma source(%arg20 : memref<2000xf32, #tpu.memory_space<vmem>>) target(%dma_start3A_348 : memref<2000xf32, #tpu.memory_space<hbm>>) target_semaphore(%run_scoped3A_344 : memref<!tpu.dma_semaphore, #tpu.memory_space<semaphore_mem>>)
        %dma_wait3A = tpu.memref_slice %arg4[%arg0, %run_scoped3A_123, %add3A_122] : memref<2x3x100000xf32, #tpu.memory_space<hbm>> -> memref<1x1x2000xf32, #tpu.memory_space<hbm>>
        %dma_wait3A_349 = tpu.memref_squeeze %dma_wait3A : memref<1x1x2000xf32, #tpu.memory_space<hbm>> -> memref<2000xf32, #tpu.memory_space<hbm>>
        %dma_wait3A_350 = tpu.memref_slice %arg4[%arg0, %run_scoped3A_123, %add3A_122] : memref<2x3x100000xf32, #tpu.memory_space<hbm>> -> memref<1x1x2000xf32, #tpu.memory_space<hbm>>
        %dma_wait3A_351 = tpu.memref_squeeze %dma_wait3A_350 : memref<1x1x2000xf32, #tpu.memory_space<hbm>> -> memref<2000xf32, #tpu.memory_space<hbm>>
        tpu.wait_dma2 semaphore(%run_scoped3A_344 : memref<!tpu.dma_semaphore, #tpu.memory_space<semaphore_mem>>) src(%arg20 : memref<2000xf32, #tpu.memory_space<vmem>>) dst(%dma_wait3A_351 : memref<2000xf32, #tpu.memory_space<hbm>>)
        tpu.yield
      }) : () -> ()
      %mul3A_124 = arith.constant 10000 : i32
      %mul3A_125 = arith.muli %arg1, %mul3A_124 : i32
      %add3A_126 = arith.constant 2000 : i32
      %add3A_127 = arith.addi %mul3A_125, %add3A_126 : i32
      "tpu.region"() ({
        %run_scoped3A_344 = tpu.sem_alloc : memref<!tpu.dma_semaphore, #tpu.memory_space<semaphore_mem>>
        %dma_start3A_345 = arith.constant 0 : i32
        %dma_start3A_346 = tpu.memref_slice %arg21[%add3A_127, %dma_start3A_345] : memref<100000x8xf32, #tpu.memory_space<vmem_shared>> -> memref<2000x8xf32, #tpu.memory_space<vmem_shared>>
        %dma_start3A_347 = arith.constant 0 : i32
        %dma_start3A_348 = tpu.memref_slice %arg21[%add3A_127, %dma_start3A_347] : memref<100000x8xf32, #tpu.memory_space<vmem_shared>> -> memref<2000x8xf32, #tpu.memory_space<vmem_shared>>
        tpu.enqueue_dma source(%dma_start3A_348 : memref<2000x8xf32, #tpu.memory_space<vmem_shared>>) target(%arg19 : memref<2000x8xf32, #tpu.memory_space<vmem>>) target_semaphore(%run_scoped3A_344 : memref<!tpu.dma_semaphore, #tpu.memory_space<semaphore_mem>>)
        %dma_wait3A = arith.constant 0 : i32
        %dma_wait3A_349 = tpu.memref_slice %arg21[%add3A_127, %dma_wait3A] : memref<100000x8xf32, #tpu.memory_space<vmem_shared>> -> memref<2000x8xf32, #tpu.memory_space<vmem_shared>>
        %dma_wait3A_350 = arith.constant 0 : i32
        %dma_wait3A_351 = tpu.memref_slice %arg21[%add3A_127, %dma_wait3A_350] : memref<100000x8xf32, #tpu.memory_space<vmem_shared>> -> memref<2000x8xf32, #tpu.memory_space<vmem_shared>>
        tpu.wait_dma2 semaphore(%run_scoped3A_344 : memref<!tpu.dma_semaphore, #tpu.memory_space<semaphore_mem>>) src(%dma_wait3A_351 : memref<2000x8xf32, #tpu.memory_space<vmem_shared>>) dst(%arg19 : memref<2000x8xf32, #tpu.memory_space<vmem>>)
        tpu.yield
      }) : () -> ()
      %mul3A_128 = arith.constant 0 : i32
      %mul3A_129 = vector.broadcast %mul3A_128 : i32 to vector<16xi32>
      %mul3A_130 = arith.muli %iota3A, %mul3A_129 : vector<16xi32>
      %add3A_131 = arith.constant 0 : i32
      %add3A_132 = vector.broadcast %add3A_131 : i32 to vector<16xi32>
      %add3A_133 = arith.addi %mul3A_130, %add3A_132 : vector<16xi32>
      %scan3A_134 = arith.constant 0 : i32
      %scan3A_135 = arith.constant 0 : i32
      %scan3A_136 = arith.constant 125 : i32
      %scan3A_137 = arith.addi %scan3A_135, %scan3A_136 : i32
      %scan3A_138 = arith.constant 1 : i32
      scf.for %scan3A_344 = %scan3A_135 to %scan3A_137 step %scan3A_138  : i32 {
        %mul3A_345 = arith.constant 16 : i32
        %mul3A_346 = arith.muli %scan3A_344, %mul3A_345 : i32
        %add3A_347 = vector.broadcast %mul3A_346 : i32 to vector<16xi32>
        %add3A_348 = arith.addi %add3A_347, %iota3A : vector<16xi32>
        %gather3A = tpu.vector_load_idx %arg19[%add3A_348, %add3A_133] : memref<2000x8xf32, #tpu.memory_space<vmem>>[vector<16xi32>, vector<16xi32>], vector<16xf32>,
        %mul3A_349 = arith.constant 16 : i32
        %mul3A_350 = arith.muli %scan3A_344, %mul3A_349 : i32
        %swap3A = arith.index_cast %mul3A_350 : i32 to index
        %swap3A_351 = tpu.vector_load %arg20[%swap3A] {strides = array<i32>} : memref<2000xf32, #tpu.memory_space<vmem>>, vector<16xf32>,
        tpu.vector_store %arg20[%swap3A], %gather3A {strides = array<i32>} : memref<2000xf32, #tpu.memory_space<vmem>>, vector<16xf32>,
      }
      %scan3A_139 = arith.constant 125 : i32
      %mul3A_140 = arith.constant 10000 : i32
      %mul3A_141 = arith.muli %arg1, %mul3A_140 : i32
      %add3A_142 = arith.constant 2000 : i32
      %add3A_143 = arith.addi %mul3A_141, %add3A_142 : i32
      %run_scoped3A_144 = arith.constant 0 : i32
      "tpu.region"() ({
        %run_scoped3A_344 = tpu.sem_alloc : memref<!tpu.dma_semaphore, #tpu.memory_space<semaphore_mem>>
        %dma_start3A_345 = tpu.memref_slice %arg4[%arg0, %run_scoped3A_144, %add3A_143] : memref<2x3x100000xf32, #tpu.memory_space<hbm>> -> memref<1x1x2000xf32, #tpu.memory_space<hbm>>
        %dma_start3A_346 = tpu.memref_squeeze %dma_start3A_345 : memref<1x1x2000xf32, #tpu.memory_space<hbm>> -> memref<2000xf32, #tpu.memory_space<hbm>>
        %dma_start3A_347 = tpu.memref_slice %arg4[%arg0, %run_scoped3A_144, %add3A_143] : memref<2x3x100000xf32, #tpu.memory_space<hbm>> -> memref<1x1x2000xf32, #tpu.memory_space<hbm>>
        %dma_start3A_348 = tpu.memref_squeeze %dma_start3A_347 : memref<1x1x2000xf32, #tpu.memory_space<hbm>> -> memref<2000xf32, #tpu.memory_space<hbm>>
        tpu.enqueue_dma source(%arg20 : memref<2000xf32, #tpu.memory_space<vmem>>) target(%dma_start3A_348 : memref<2000xf32, #tpu.memory_space<hbm>>) target_semaphore(%run_scoped3A_344 : memref<!tpu.dma_semaphore, #tpu.memory_space<semaphore_mem>>)
        %dma_wait3A = tpu.memref_slice %arg4[%arg0, %run_scoped3A_144, %add3A_143] : memref<2x3x100000xf32, #tpu.memory_space<hbm>> -> memref<1x1x2000xf32, #tpu.memory_space<hbm>>
        %dma_wait3A_349 = tpu.memref_squeeze %dma_wait3A : memref<1x1x2000xf32, #tpu.memory_space<hbm>> -> memref<2000xf32, #tpu.memory_space<hbm>>
        %dma_wait3A_350 = tpu.memref_slice %arg4[%arg0, %run_scoped3A_144, %add3A_143] : memref<2x3x100000xf32, #tpu.memory_space<hbm>> -> memref<1x1x2000xf32, #tpu.memory_space<hbm>>
        %dma_wait3A_351 = tpu.memref_squeeze %dma_wait3A_350 : memref<1x1x2000xf32, #tpu.memory_space<hbm>> -> memref<2000xf32, #tpu.memory_space<hbm>>
        tpu.wait_dma2 semaphore(%run_scoped3A_344 : memref<!tpu.dma_semaphore, #tpu.memory_space<semaphore_mem>>) src(%arg20 : memref<2000xf32, #tpu.memory_space<vmem>>) dst(%dma_wait3A_351 : memref<2000xf32, #tpu.memory_space<hbm>>)
        tpu.yield
      }) : () -> ()
      %mul3A_145 = arith.constant 0 : i32
      %mul3A_146 = vector.broadcast %mul3A_145 : i32 to vector<16xi32>
      %mul3A_147 = arith.muli %iota3A, %mul3A_146 : vector<16xi32>
      %add3A_148 = arith.constant 1 : i32
      %add3A_149 = vector.broadcast %add3A_148 : i32 to vector<16xi32>
      %add3A_150 = arith.addi %mul3A_147, %add3A_149 : vector<16xi32>
      %scan3A_151 = arith.constant 0 : i32
      %scan3A_152 = arith.constant 0 : i32
      %scan3A_153 = arith.constant 125 : i32
      %scan3A_154 = arith.addi %scan3A_152, %scan3A_153 : i32
      %scan3A_155 = arith.constant 1 : i32
      scf.for %scan3A_344 = %scan3A_152 to %scan3A_154 step %scan3A_155  : i32 {
        %mul3A_345 = arith.constant 16 : i32
        %mul3A_346 = arith.muli %scan3A_344, %mul3A_345 : i32
        %add3A_347 = vector.broadcast %mul3A_346 : i32 to vector<16xi32>
        %add3A_348 = arith.addi %add3A_347, %iota3A : vector<16xi32>
        %gather3A = tpu.vector_load_idx %arg19[%add3A_348, %add3A_150] : memref<2000x8xf32, #tpu.memory_space<vmem>>[vector<16xi32>, vector<16xi32>], vector<16xf32>,
        %mul3A_349 = arith.constant 16 : i32
        %mul3A_350 = arith.muli %scan3A_344, %mul3A_349 : i32
        %swap3A = arith.index_cast %mul3A_350 : i32 to index
        %swap3A_351 = tpu.vector_load %arg20[%swap3A] {strides = array<i32>} : memref<2000xf32, #tpu.memory_space<vmem>>, vector<16xf32>,
        tpu.vector_store %arg20[%swap3A], %gather3A {strides = array<i32>} : memref<2000xf32, #tpu.memory_space<vmem>>, vector<16xf32>,
      }
      %scan3A_156 = arith.constant 125 : i32
      %mul3A_157 = arith.constant 10000 : i32
      %mul3A_158 = arith.muli %arg1, %mul3A_157 : i32
      %add3A_159 = arith.constant 2000 : i32
      %add3A_160 = arith.addi %mul3A_158, %add3A_159 : i32
      %run_scoped3A_161 = arith.constant 1 : i32
      "tpu.region"() ({
        %run_scoped3A_344 = tpu.sem_alloc : memref<!tpu.dma_semaphore, #tpu.memory_space<semaphore_mem>>
        %dma_start3A_345 = tpu.memref_slice %arg4[%arg0, %run_scoped3A_161, %add3A_160] : memref<2x3x100000xf32, #tpu.memory_space<hbm>> -> memref<1x1x2000xf32, #tpu.memory_space<hbm>>
        %dma_start3A_346 = tpu.memref_squeeze %dma_start3A_345 : memref<1x1x2000xf32, #tpu.memory_space<hbm>> -> memref<2000xf32, #tpu.memory_space<hbm>>
        %dma_start3A_347 = tpu.memref_slice %arg4[%arg0, %run_scoped3A_161, %add3A_160] : memref<2x3x100000xf32, #tpu.memory_space<hbm>> -> memref<1x1x2000xf32, #tpu.memory_space<hbm>>
        %dma_start3A_348 = tpu.memref_squeeze %dma_start3A_347 : memref<1x1x2000xf32, #tpu.memory_space<hbm>> -> memref<2000xf32, #tpu.memory_space<hbm>>
        tpu.enqueue_dma source(%arg20 : memref<2000xf32, #tpu.memory_space<vmem>>) target(%dma_start3A_348 : memref<2000xf32, #tpu.memory_space<hbm>>) target_semaphore(%run_scoped3A_344 : memref<!tpu.dma_semaphore, #tpu.memory_space<semaphore_mem>>)
        %dma_wait3A = tpu.memref_slice %arg4[%arg0, %run_scoped3A_161, %add3A_160] : memref<2x3x100000xf32, #tpu.memory_space<hbm>> -> memref<1x1x2000xf32, #tpu.memory_space<hbm>>
        %dma_wait3A_349 = tpu.memref_squeeze %dma_wait3A : memref<1x1x2000xf32, #tpu.memory_space<hbm>> -> memref<2000xf32, #tpu.memory_space<hbm>>
        %dma_wait3A_350 = tpu.memref_slice %arg4[%arg0, %run_scoped3A_161, %add3A_160] : memref<2x3x100000xf32, #tpu.memory_space<hbm>> -> memref<1x1x2000xf32, #tpu.memory_space<hbm>>
        %dma_wait3A_351 = tpu.memref_squeeze %dma_wait3A_350 : memref<1x1x2000xf32, #tpu.memory_space<hbm>> -> memref<2000xf32, #tpu.memory_space<hbm>>
        tpu.wait_dma2 semaphore(%run_scoped3A_344 : memref<!tpu.dma_semaphore, #tpu.memory_space<semaphore_mem>>) src(%arg20 : memref<2000xf32, #tpu.memory_space<vmem>>) dst(%dma_wait3A_351 : memref<2000xf32, #tpu.memory_space<hbm>>)
        tpu.yield
      }) : () -> ()
      %mul3A_162 = arith.constant 0 : i32
      %mul3A_163 = vector.broadcast %mul3A_162 : i32 to vector<16xi32>
      %mul3A_164 = arith.muli %iota3A, %mul3A_163 : vector<16xi32>
      %add3A_165 = arith.constant 2 : i32
      %add3A_166 = vector.broadcast %add3A_165 : i32 to vector<16xi32>
      %add3A_167 = arith.addi %mul3A_164, %add3A_166 : vector<16xi32>
      %scan3A_168 = arith.constant 0 : i32
      %scan3A_169 = arith.constant 0 : i32
      %scan3A_170 = arith.constant 125 : i32
      %scan3A_171 = arith.addi %scan3A_169, %scan3A_170 : i32
      %scan3A_172 = arith.constant 1 : i32
      scf.for %scan3A_344 = %scan3A_169 to %scan3A_171 step %scan3A_172  : i32 {
        %mul3A_345 = arith.constant 16 : i32
        %mul3A_346 = arith.muli %scan3A_344, %mul3A_345 : i32
        %add3A_347 = vector.broadcast %mul3A_346 : i32 to vector<16xi32>
        %add3A_348 = arith.addi %add3A_347, %iota3A : vector<16xi32>
        %gather3A = tpu.vector_load_idx %arg19[%add3A_348, %add3A_167] : memref<2000x8xf32, #tpu.memory_space<vmem>>[vector<16xi32>, vector<16xi32>], vector<16xf32>,
        %mul3A_349 = arith.constant 16 : i32
        %mul3A_350 = arith.muli %scan3A_344, %mul3A_349 : i32
        %swap3A = arith.index_cast %mul3A_350 : i32 to index
        %swap3A_351 = tpu.vector_load %arg20[%swap3A] {strides = array<i32>} : memref<2000xf32, #tpu.memory_space<vmem>>, vector<16xf32>,
        tpu.vector_store %arg20[%swap3A], %gather3A {strides = array<i32>} : memref<2000xf32, #tpu.memory_space<vmem>>, vector<16xf32>,
      }
      %scan3A_173 = arith.constant 125 : i32
      %mul3A_174 = arith.constant 10000 : i32
      %mul3A_175 = arith.muli %arg1, %mul3A_174 : i32
      %add3A_176 = arith.constant 2000 : i32
      %add3A_177 = arith.addi %mul3A_175, %add3A_176 : i32
      %run_scoped3A_178 = arith.constant 2 : i32
      "tpu.region"() ({
        %run_scoped3A_344 = tpu.sem_alloc : memref<!tpu.dma_semaphore, #tpu.memory_space<semaphore_mem>>
        %dma_start3A_345 = tpu.memref_slice %arg4[%arg0, %run_scoped3A_178, %add3A_177] : memref<2x3x100000xf32, #tpu.memory_space<hbm>> -> memref<1x1x2000xf32, #tpu.memory_space<hbm>>
        %dma_start3A_346 = tpu.memref_squeeze %dma_start3A_345 : memref<1x1x2000xf32, #tpu.memory_space<hbm>> -> memref<2000xf32, #tpu.memory_space<hbm>>
        %dma_start3A_347 = tpu.memref_slice %arg4[%arg0, %run_scoped3A_178, %add3A_177] : memref<2x3x100000xf32, #tpu.memory_space<hbm>> -> memref<1x1x2000xf32, #tpu.memory_space<hbm>>
        %dma_start3A_348 = tpu.memref_squeeze %dma_start3A_347 : memref<1x1x2000xf32, #tpu.memory_space<hbm>> -> memref<2000xf32, #tpu.memory_space<hbm>>
        tpu.enqueue_dma source(%arg20 : memref<2000xf32, #tpu.memory_space<vmem>>) target(%dma_start3A_348 : memref<2000xf32, #tpu.memory_space<hbm>>) target_semaphore(%run_scoped3A_344 : memref<!tpu.dma_semaphore, #tpu.memory_space<semaphore_mem>>)
        %dma_wait3A = tpu.memref_slice %arg4[%arg0, %run_scoped3A_178, %add3A_177] : memref<2x3x100000xf32, #tpu.memory_space<hbm>> -> memref<1x1x2000xf32, #tpu.memory_space<hbm>>
        %dma_wait3A_349 = tpu.memref_squeeze %dma_wait3A : memref<1x1x2000xf32, #tpu.memory_space<hbm>> -> memref<2000xf32, #tpu.memory_space<hbm>>
        %dma_wait3A_350 = tpu.memref_slice %arg4[%arg0, %run_scoped3A_178, %add3A_177] : memref<2x3x100000xf32, #tpu.memory_space<hbm>> -> memref<1x1x2000xf32, #tpu.memory_space<hbm>>
        %dma_wait3A_351 = tpu.memref_squeeze %dma_wait3A_350 : memref<1x1x2000xf32, #tpu.memory_space<hbm>> -> memref<2000xf32, #tpu.memory_space<hbm>>
        tpu.wait_dma2 semaphore(%run_scoped3A_344 : memref<!tpu.dma_semaphore, #tpu.memory_space<semaphore_mem>>) src(%arg20 : memref<2000xf32, #tpu.memory_space<vmem>>) dst(%dma_wait3A_351 : memref<2000xf32, #tpu.memory_space<hbm>>)
        tpu.yield
      }) : () -> ()
      %mul3A_179 = arith.constant 10000 : i32
      %mul3A_180 = arith.muli %arg1, %mul3A_179 : i32
      %add3A_181 = arith.constant 4000 : i32
      %add3A_182 = arith.addi %mul3A_180, %add3A_181 : i32
      "tpu.region"() ({
        %run_scoped3A_344 = tpu.sem_alloc : memref<!tpu.dma_semaphore, #tpu.memory_space<semaphore_mem>>
        %dma_start3A_345 = arith.constant 0 : i32
        %dma_start3A_346 = tpu.memref_slice %arg21[%add3A_182, %dma_start3A_345] : memref<100000x8xf32, #tpu.memory_space<vmem_shared>> -> memref<2000x8xf32, #tpu.memory_space<vmem_shared>>
        %dma_start3A_347 = arith.constant 0 : i32
        %dma_start3A_348 = tpu.memref_slice %arg21[%add3A_182, %dma_start3A_347] : memref<100000x8xf32, #tpu.memory_space<vmem_shared>> -> memref<2000x8xf32, #tpu.memory_space<vmem_shared>>
        tpu.enqueue_dma source(%dma_start3A_348 : memref<2000x8xf32, #tpu.memory_space<vmem_shared>>) target(%arg19 : memref<2000x8xf32, #tpu.memory_space<vmem>>) target_semaphore(%run_scoped3A_344 : memref<!tpu.dma_semaphore, #tpu.memory_space<semaphore_mem>>)
        %dma_wait3A = arith.constant 0 : i32
        %dma_wait3A_349 = tpu.memref_slice %arg21[%add3A_182, %dma_wait3A] : memref<100000x8xf32, #tpu.memory_space<vmem_shared>> -> memref<2000x8xf32, #tpu.memory_space<vmem_shared>>
        %dma_wait3A_350 = arith.constant 0 : i32
        %dma_wait3A_351 = tpu.memref_slice %arg21[%add3A_182, %dma_wait3A_350] : memref<100000x8xf32, #tpu.memory_space<vmem_shared>> -> memref<2000x8xf32, #tpu.memory_space<vmem_shared>>
        tpu.wait_dma2 semaphore(%run_scoped3A_344 : memref<!tpu.dma_semaphore, #tpu.memory_space<semaphore_mem>>) src(%dma_wait3A_351 : memref<2000x8xf32, #tpu.memory_space<vmem_shared>>) dst(%arg19 : memref<2000x8xf32, #tpu.memory_space<vmem>>)
        tpu.yield
      }) : () -> ()
      %mul3A_183 = arith.constant 0 : i32
      %mul3A_184 = vector.broadcast %mul3A_183 : i32 to vector<16xi32>
      %mul3A_185 = arith.muli %iota3A, %mul3A_184 : vector<16xi32>
      %add3A_186 = arith.constant 0 : i32
      %add3A_187 = vector.broadcast %add3A_186 : i32 to vector<16xi32>
      %add3A_188 = arith.addi %mul3A_185, %add3A_187 : vector<16xi32>
      %scan3A_189 = arith.constant 0 : i32
      %scan3A_190 = arith.constant 0 : i32
      %scan3A_191 = arith.constant 125 : i32
      %scan3A_192 = arith.addi %scan3A_190, %scan3A_191 : i32
      %scan3A_193 = arith.constant 1 : i32
      scf.for %scan3A_344 = %scan3A_190 to %scan3A_192 step %scan3A_193  : i32 {
        %mul3A_345 = arith.constant 16 : i32
        %mul3A_346 = arith.muli %scan3A_344, %mul3A_345 : i32
        %add3A_347 = vector.broadcast %mul3A_346 : i32 to vector<16xi32>
        %add3A_348 = arith.addi %add3A_347, %iota3A : vector<16xi32>
        %gather3A = tpu.vector_load_idx %arg19[%add3A_348, %add3A_188] : memref<2000x8xf32, #tpu.memory_space<vmem>>[vector<16xi32>, vector<16xi32>], vector<16xf32>,
        %mul3A_349 = arith.constant 16 : i32
        %mul3A_350 = arith.muli %scan3A_344, %mul3A_349 : i32
        %swap3A = arith.index_cast %mul3A_350 : i32 to index
        %swap3A_351 = tpu.vector_load %arg20[%swap3A] {strides = array<i32>} : memref<2000xf32, #tpu.memory_space<vmem>>, vector<16xf32>,
        tpu.vector_store %arg20[%swap3A], %gather3A {strides = array<i32>} : memref<2000xf32, #tpu.memory_space<vmem>>, vector<16xf32>,
      }
      %scan3A_194 = arith.constant 125 : i32
      %mul3A_195 = arith.constant 10000 : i32
      %mul3A_196 = arith.muli %arg1, %mul3A_195 : i32
      %add3A_197 = arith.constant 4000 : i32
      %add3A_198 = arith.addi %mul3A_196, %add3A_197 : i32
      %run_scoped3A_199 = arith.constant 0 : i32
      "tpu.region"() ({
        %run_scoped3A_344 = tpu.sem_alloc : memref<!tpu.dma_semaphore, #tpu.memory_space<semaphore_mem>>
        %dma_start3A_345 = tpu.memref_slice %arg4[%arg0, %run_scoped3A_199, %add3A_198] : memref<2x3x100000xf32, #tpu.memory_space<hbm>> -> memref<1x1x2000xf32, #tpu.memory_space<hbm>>
        %dma_start3A_346 = tpu.memref_squeeze %dma_start3A_345 : memref<1x1x2000xf32, #tpu.memory_space<hbm>> -> memref<2000xf32, #tpu.memory_space<hbm>>
        %dma_start3A_347 = tpu.memref_slice %arg4[%arg0, %run_scoped3A_199, %add3A_198] : memref<2x3x100000xf32, #tpu.memory_space<hbm>> -> memref<1x1x2000xf32, #tpu.memory_space<hbm>>
        %dma_start3A_348 = tpu.memref_squeeze %dma_start3A_347 : memref<1x1x2000xf32, #tpu.memory_space<hbm>> -> memref<2000xf32, #tpu.memory_space<hbm>>
        tpu.enqueue_dma source(%arg20 : memref<2000xf32, #tpu.memory_space<vmem>>) target(%dma_start3A_348 : memref<2000xf32, #tpu.memory_space<hbm>>) target_semaphore(%run_scoped3A_344 : memref<!tpu.dma_semaphore, #tpu.memory_space<semaphore_mem>>)
        %dma_wait3A = tpu.memref_slice %arg4[%arg0, %run_scoped3A_199, %add3A_198] : memref<2x3x100000xf32, #tpu.memory_space<hbm>> -> memref<1x1x2000xf32, #tpu.memory_space<hbm>>
        %dma_wait3A_349 = tpu.memref_squeeze %dma_wait3A : memref<1x1x2000xf32, #tpu.memory_space<hbm>> -> memref<2000xf32, #tpu.memory_space<hbm>>
        %dma_wait3A_350 = tpu.memref_slice %arg4[%arg0, %run_scoped3A_199, %add3A_198] : memref<2x3x100000xf32, #tpu.memory_space<hbm>> -> memref<1x1x2000xf32, #tpu.memory_space<hbm>>
        %dma_wait3A_351 = tpu.memref_squeeze %dma_wait3A_350 : memref<1x1x2000xf32, #tpu.memory_space<hbm>> -> memref<2000xf32, #tpu.memory_space<hbm>>
        tpu.wait_dma2 semaphore(%run_scoped3A_344 : memref<!tpu.dma_semaphore, #tpu.memory_space<semaphore_mem>>) src(%arg20 : memref<2000xf32, #tpu.memory_space<vmem>>) dst(%dma_wait3A_351 : memref<2000xf32, #tpu.memory_space<hbm>>)
        tpu.yield
      }) : () -> ()
      %mul3A_200 = arith.constant 0 : i32
      %mul3A_201 = vector.broadcast %mul3A_200 : i32 to vector<16xi32>
      %mul3A_202 = arith.muli %iota3A, %mul3A_201 : vector<16xi32>
      %add3A_203 = arith.constant 1 : i32
      %add3A_204 = vector.broadcast %add3A_203 : i32 to vector<16xi32>
      %add3A_205 = arith.addi %mul3A_202, %add3A_204 : vector<16xi32>
      %scan3A_206 = arith.constant 0 : i32
      %scan3A_207 = arith.constant 0 : i32
      %scan3A_208 = arith.constant 125 : i32
      %scan3A_209 = arith.addi %scan3A_207, %scan3A_208 : i32
      %scan3A_210 = arith.constant 1 : i32
      scf.for %scan3A_344 = %scan3A_207 to %scan3A_209 step %scan3A_210  : i32 {
        %mul3A_345 = arith.constant 16 : i32
        %mul3A_346 = arith.muli %scan3A_344, %mul3A_345 : i32
        %add3A_347 = vector.broadcast %mul3A_346 : i32 to vector<16xi32>
        %add3A_348 = arith.addi %add3A_347, %iota3A : vector<16xi32>
        %gather3A = tpu.vector_load_idx %arg19[%add3A_348, %add3A_205] : memref<2000x8xf32, #tpu.memory_space<vmem>>[vector<16xi32>, vector<16xi32>], vector<16xf32>,
        %mul3A_349 = arith.constant 16 : i32
        %mul3A_350 = arith.muli %scan3A_344, %mul3A_349 : i32
        %swap3A = arith.index_cast %mul3A_350 : i32 to index
        %swap3A_351 = tpu.vector_load %arg20[%swap3A] {strides = array<i32>} : memref<2000xf32, #tpu.memory_space<vmem>>, vector<16xf32>,
        tpu.vector_store %arg20[%swap3A], %gather3A {strides = array<i32>} : memref<2000xf32, #tpu.memory_space<vmem>>, vector<16xf32>,
      }
      %scan3A_211 = arith.constant 125 : i32
      %mul3A_212 = arith.constant 10000 : i32
      %mul3A_213 = arith.muli %arg1, %mul3A_212 : i32
      %add3A_214 = arith.constant 4000 : i32
      %add3A_215 = arith.addi %mul3A_213, %add3A_214 : i32
      %run_scoped3A_216 = arith.constant 1 : i32
      "tpu.region"() ({
        %run_scoped3A_344 = tpu.sem_alloc : memref<!tpu.dma_semaphore, #tpu.memory_space<semaphore_mem>>
        %dma_start3A_345 = tpu.memref_slice %arg4[%arg0, %run_scoped3A_216, %add3A_215] : memref<2x3x100000xf32, #tpu.memory_space<hbm>> -> memref<1x1x2000xf32, #tpu.memory_space<hbm>>
        %dma_start3A_346 = tpu.memref_squeeze %dma_start3A_345 : memref<1x1x2000xf32, #tpu.memory_space<hbm>> -> memref<2000xf32, #tpu.memory_space<hbm>>
        %dma_start3A_347 = tpu.memref_slice %arg4[%arg0, %run_scoped3A_216, %add3A_215] : memref<2x3x100000xf32, #tpu.memory_space<hbm>> -> memref<1x1x2000xf32, #tpu.memory_space<hbm>>
        %dma_start3A_348 = tpu.memref_squeeze %dma_start3A_347 : memref<1x1x2000xf32, #tpu.memory_space<hbm>> -> memref<2000xf32, #tpu.memory_space<hbm>>
        tpu.enqueue_dma source(%arg20 : memref<2000xf32, #tpu.memory_space<vmem>>) target(%dma_start3A_348 : memref<2000xf32, #tpu.memory_space<hbm>>) target_semaphore(%run_scoped3A_344 : memref<!tpu.dma_semaphore, #tpu.memory_space<semaphore_mem>>)
        %dma_wait3A = tpu.memref_slice %arg4[%arg0, %run_scoped3A_216, %add3A_215] : memref<2x3x100000xf32, #tpu.memory_space<hbm>> -> memref<1x1x2000xf32, #tpu.memory_space<hbm>>
        %dma_wait3A_349 = tpu.memref_squeeze %dma_wait3A : memref<1x1x2000xf32, #tpu.memory_space<hbm>> -> memref<2000xf32, #tpu.memory_space<hbm>>
        %dma_wait3A_350 = tpu.memref_slice %arg4[%arg0, %run_scoped3A_216, %add3A_215] : memref<2x3x100000xf32, #tpu.memory_space<hbm>> -> memref<1x1x2000xf32, #tpu.memory_space<hbm>>
        %dma_wait3A_351 = tpu.memref_squeeze %dma_wait3A_350 : memref<1x1x2000xf32, #tpu.memory_space<hbm>> -> memref<2000xf32, #tpu.memory_space<hbm>>
        tpu.wait_dma2 semaphore(%run_scoped3A_344 : memref<!tpu.dma_semaphore, #tpu.memory_space<semaphore_mem>>) src(%arg20 : memref<2000xf32, #tpu.memory_space<vmem>>) dst(%dma_wait3A_351 : memref<2000xf32, #tpu.memory_space<hbm>>)
        tpu.yield
      }) : () -> ()
      %mul3A_217 = arith.constant 0 : i32
      %mul3A_218 = vector.broadcast %mul3A_217 : i32 to vector<16xi32>
      %mul3A_219 = arith.muli %iota3A, %mul3A_218 : vector<16xi32>
      %add3A_220 = arith.constant 2 : i32
      %add3A_221 = vector.broadcast %add3A_220 : i32 to vector<16xi32>
      %add3A_222 = arith.addi %mul3A_219, %add3A_221 : vector<16xi32>
      %scan3A_223 = arith.constant 0 : i32
      %scan3A_224 = arith.constant 0 : i32
      %scan3A_225 = arith.constant 125 : i32
      %scan3A_226 = arith.addi %scan3A_224, %scan3A_225 : i32
      %scan3A_227 = arith.constant 1 : i32
      scf.for %scan3A_344 = %scan3A_224 to %scan3A_226 step %scan3A_227  : i32 {
        %mul3A_345 = arith.constant 16 : i32
        %mul3A_346 = arith.muli %scan3A_344, %mul3A_345 : i32
        %add3A_347 = vector.broadcast %mul3A_346 : i32 to vector<16xi32>
        %add3A_348 = arith.addi %add3A_347, %iota3A : vector<16xi32>
        %gather3A = tpu.vector_load_idx %arg19[%add3A_348, %add3A_222] : memref<2000x8xf32, #tpu.memory_space<vmem>>[vector<16xi32>, vector<16xi32>], vector<16xf32>,
        %mul3A_349 = arith.constant 16 : i32
        %mul3A_350 = arith.muli %scan3A_344, %mul3A_349 : i32
        %swap3A = arith.index_cast %mul3A_350 : i32 to index
        %swap3A_351 = tpu.vector_load %arg20[%swap3A] {strides = array<i32>} : memref<2000xf32, #tpu.memory_space<vmem>>, vector<16xf32>,
        tpu.vector_store %arg20[%swap3A], %gather3A {strides = array<i32>} : memref<2000xf32, #tpu.memory_space<vmem>>, vector<16xf32>,
      }
      %scan3A_228 = arith.constant 125 : i32
      %mul3A_229 = arith.constant 10000 : i32
      %mul3A_230 = arith.muli %arg1, %mul3A_229 : i32
      %add3A_231 = arith.constant 4000 : i32
      %add3A_232 = arith.addi %mul3A_230, %add3A_231 : i32
      %run_scoped3A_233 = arith.constant 2 : i32
      "tpu.region"() ({
        %run_scoped3A_344 = tpu.sem_alloc : memref<!tpu.dma_semaphore, #tpu.memory_space<semaphore_mem>>
        %dma_start3A_345 = tpu.memref_slice %arg4[%arg0, %run_scoped3A_233, %add3A_232] : memref<2x3x100000xf32, #tpu.memory_space<hbm>> -> memref<1x1x2000xf32, #tpu.memory_space<hbm>>
        %dma_start3A_346 = tpu.memref_squeeze %dma_start3A_345 : memref<1x1x2000xf32, #tpu.memory_space<hbm>> -> memref<2000xf32, #tpu.memory_space<hbm>>
        %dma_start3A_347 = tpu.memref_slice %arg4[%arg0, %run_scoped3A_233, %add3A_232] : memref<2x3x100000xf32, #tpu.memory_space<hbm>> -> memref<1x1x2000xf32, #tpu.memory_space<hbm>>
        %dma_start3A_348 = tpu.memref_squeeze %dma_start3A_347 : memref<1x1x2000xf32, #tpu.memory_space<hbm>> -> memref<2000xf32, #tpu.memory_space<hbm>>
        tpu.enqueue_dma source(%arg20 : memref<2000xf32, #tpu.memory_space<vmem>>) target(%dma_start3A_348 : memref<2000xf32, #tpu.memory_space<hbm>>) target_semaphore(%run_scoped3A_344 : memref<!tpu.dma_semaphore, #tpu.memory_space<semaphore_mem>>)
        %dma_wait3A = tpu.memref_slice %arg4[%arg0, %run_scoped3A_233, %add3A_232] : memref<2x3x100000xf32, #tpu.memory_space<hbm>> -> memref<1x1x2000xf32, #tpu.memory_space<hbm>>
        %dma_wait3A_349 = tpu.memref_squeeze %dma_wait3A : memref<1x1x2000xf32, #tpu.memory_space<hbm>> -> memref<2000xf32, #tpu.memory_space<hbm>>
        %dma_wait3A_350 = tpu.memref_slice %arg4[%arg0, %run_scoped3A_233, %add3A_232] : memref<2x3x100000xf32, #tpu.memory_space<hbm>> -> memref<1x1x2000xf32, #tpu.memory_space<hbm>>
        %dma_wait3A_351 = tpu.memref_squeeze %dma_wait3A_350 : memref<1x1x2000xf32, #tpu.memory_space<hbm>> -> memref<2000xf32, #tpu.memory_space<hbm>>
        tpu.wait_dma2 semaphore(%run_scoped3A_344 : memref<!tpu.dma_semaphore, #tpu.memory_space<semaphore_mem>>) src(%arg20 : memref<2000xf32, #tpu.memory_space<vmem>>) dst(%dma_wait3A_351 : memref<2000xf32, #tpu.memory_space<hbm>>)
        tpu.yield
      }) : () -> ()
      %mul3A_234 = arith.constant 10000 : i32
      %mul3A_235 = arith.muli %arg1, %mul3A_234 : i32
      %add3A_236 = arith.constant 6000 : i32
      %add3A_237 = arith.addi %mul3A_235, %add3A_236 : i32
      "tpu.region"() ({
        %run_scoped3A_344 = tpu.sem_alloc : memref<!tpu.dma_semaphore, #tpu.memory_space<semaphore_mem>>
        %dma_start3A_345 = arith.constant 0 : i32
        %dma_start3A_346 = tpu.memref_slice %arg21[%add3A_237, %dma_start3A_345] : memref<100000x8xf32, #tpu.memory_space<vmem_shared>> -> memref<2000x8xf32, #tpu.memory_space<vmem_shared>>
        %dma_start3A_347 = arith.constant 0 : i32
        %dma_start3A_348 = tpu.memref_slice %arg21[%add3A_237, %dma_start3A_347] : memref<100000x8xf32, #tpu.memory_space<vmem_shared>> -> memref<2000x8xf32, #tpu.memory_space<vmem_shared>>
        tpu.enqueue_dma source(%dma_start3A_348 : memref<2000x8xf32, #tpu.memory_space<vmem_shared>>) target(%arg19 : memref<2000x8xf32, #tpu.memory_space<vmem>>) target_semaphore(%run_scoped3A_344 : memref<!tpu.dma_semaphore, #tpu.memory_space<semaphore_mem>>)
        %dma_wait3A = arith.constant 0 : i32
        %dma_wait3A_349 = tpu.memref_slice %arg21[%add3A_237, %dma_wait3A] : memref<100000x8xf32, #tpu.memory_space<vmem_shared>> -> memref<2000x8xf32, #tpu.memory_space<vmem_shared>>
        %dma_wait3A_350 = arith.constant 0 : i32
        %dma_wait3A_351 = tpu.memref_slice %arg21[%add3A_237, %dma_wait3A_350] : memref<100000x8xf32, #tpu.memory_space<vmem_shared>> -> memref<2000x8xf32, #tpu.memory_space<vmem_shared>>
        tpu.wait_dma2 semaphore(%run_scoped3A_344 : memref<!tpu.dma_semaphore, #tpu.memory_space<semaphore_mem>>) src(%dma_wait3A_351 : memref<2000x8xf32, #tpu.memory_space<vmem_shared>>) dst(%arg19 : memref<2000x8xf32, #tpu.memory_space<vmem>>)
        tpu.yield
      }) : () -> ()
      %mul3A_238 = arith.constant 0 : i32
      %mul3A_239 = vector.broadcast %mul3A_238 : i32 to vector<16xi32>
      %mul3A_240 = arith.muli %iota3A, %mul3A_239 : vector<16xi32>
      %add3A_241 = arith.constant 0 : i32
      %add3A_242 = vector.broadcast %add3A_241 : i32 to vector<16xi32>
      %add3A_243 = arith.addi %mul3A_240, %add3A_242 : vector<16xi32>
      %scan3A_244 = arith.constant 0 : i32
      %scan3A_245 = arith.constant 0 : i32
      %scan3A_246 = arith.constant 125 : i32
      %scan3A_247 = arith.addi %scan3A_245, %scan3A_246 : i32
      %scan3A_248 = arith.constant 1 : i32
      scf.for %scan3A_344 = %scan3A_245 to %scan3A_247 step %scan3A_248  : i32 {
        %mul3A_345 = arith.constant 16 : i32
        %mul3A_346 = arith.muli %scan3A_344, %mul3A_345 : i32
        %add3A_347 = vector.broadcast %mul3A_346 : i32 to vector<16xi32>
        %add3A_348 = arith.addi %add3A_347, %iota3A : vector<16xi32>
        %gather3A = tpu.vector_load_idx %arg19[%add3A_348, %add3A_243] : memref<2000x8xf32, #tpu.memory_space<vmem>>[vector<16xi32>, vector<16xi32>], vector<16xf32>,
        %mul3A_349 = arith.constant 16 : i32
        %mul3A_350 = arith.muli %scan3A_344, %mul3A_349 : i32
        %swap3A = arith.index_cast %mul3A_350 : i32 to index
        %swap3A_351 = tpu.vector_load %arg20[%swap3A] {strides = array<i32>} : memref<2000xf32, #tpu.memory_space<vmem>>, vector<16xf32>,
        tpu.vector_store %arg20[%swap3A], %gather3A {strides = array<i32>} : memref<2000xf32, #tpu.memory_space<vmem>>, vector<16xf32>,
      }
      %scan3A_249 = arith.constant 125 : i32
      %mul3A_250 = arith.constant 10000 : i32
      %mul3A_251 = arith.muli %arg1, %mul3A_250 : i32
      %add3A_252 = arith.constant 6000 : i32
      %add3A_253 = arith.addi %mul3A_251, %add3A_252 : i32
      %run_scoped3A_254 = arith.constant 0 : i32
      "tpu.region"() ({
        %run_scoped3A_344 = tpu.sem_alloc : memref<!tpu.dma_semaphore, #tpu.memory_space<semaphore_mem>>
        %dma_start3A_345 = tpu.memref_slice %arg4[%arg0, %run_scoped3A_254, %add3A_253] : memref<2x3x100000xf32, #tpu.memory_space<hbm>> -> memref<1x1x2000xf32, #tpu.memory_space<hbm>>
        %dma_start3A_346 = tpu.memref_squeeze %dma_start3A_345 : memref<1x1x2000xf32, #tpu.memory_space<hbm>> -> memref<2000xf32, #tpu.memory_space<hbm>>
        %dma_start3A_347 = tpu.memref_slice %arg4[%arg0, %run_scoped3A_254, %add3A_253] : memref<2x3x100000xf32, #tpu.memory_space<hbm>> -> memref<1x1x2000xf32, #tpu.memory_space<hbm>>
        %dma_start3A_348 = tpu.memref_squeeze %dma_start3A_347 : memref<1x1x2000xf32, #tpu.memory_space<hbm>> -> memref<2000xf32, #tpu.memory_space<hbm>>
        tpu.enqueue_dma source(%arg20 : memref<2000xf32, #tpu.memory_space<vmem>>) target(%dma_start3A_348 : memref<2000xf32, #tpu.memory_space<hbm>>) target_semaphore(%run_scoped3A_344 : memref<!tpu.dma_semaphore, #tpu.memory_space<semaphore_mem>>)
        %dma_wait3A = tpu.memref_slice %arg4[%arg0, %run_scoped3A_254, %add3A_253] : memref<2x3x100000xf32, #tpu.memory_space<hbm>> -> memref<1x1x2000xf32, #tpu.memory_space<hbm>>
        %dma_wait3A_349 = tpu.memref_squeeze %dma_wait3A : memref<1x1x2000xf32, #tpu.memory_space<hbm>> -> memref<2000xf32, #tpu.memory_space<hbm>>
        %dma_wait3A_350 = tpu.memref_slice %arg4[%arg0, %run_scoped3A_254, %add3A_253] : memref<2x3x100000xf32, #tpu.memory_space<hbm>> -> memref<1x1x2000xf32, #tpu.memory_space<hbm>>
        %dma_wait3A_351 = tpu.memref_squeeze %dma_wait3A_350 : memref<1x1x2000xf32, #tpu.memory_space<hbm>> -> memref<2000xf32, #tpu.memory_space<hbm>>
        tpu.wait_dma2 semaphore(%run_scoped3A_344 : memref<!tpu.dma_semaphore, #tpu.memory_space<semaphore_mem>>) src(%arg20 : memref<2000xf32, #tpu.memory_space<vmem>>) dst(%dma_wait3A_351 : memref<2000xf32, #tpu.memory_space<hbm>>)
        tpu.yield
      }) : () -> ()
      %mul3A_255 = arith.constant 0 : i32
      %mul3A_256 = vector.broadcast %mul3A_255 : i32 to vector<16xi32>
      %mul3A_257 = arith.muli %iota3A, %mul3A_256 : vector<16xi32>
      %add3A_258 = arith.constant 1 : i32
      %add3A_259 = vector.broadcast %add3A_258 : i32 to vector<16xi32>
      %add3A_260 = arith.addi %mul3A_257, %add3A_259 : vector<16xi32>
      %scan3A_261 = arith.constant 0 : i32
      %scan3A_262 = arith.constant 0 : i32
      %scan3A_263 = arith.constant 125 : i32
      %scan3A_264 = arith.addi %scan3A_262, %scan3A_263 : i32
      %scan3A_265 = arith.constant 1 : i32
      scf.for %scan3A_344 = %scan3A_262 to %scan3A_264 step %scan3A_265  : i32 {
        %mul3A_345 = arith.constant 16 : i32
        %mul3A_346 = arith.muli %scan3A_344, %mul3A_345 : i32
        %add3A_347 = vector.broadcast %mul3A_346 : i32 to vector<16xi32>
        %add3A_348 = arith.addi %add3A_347, %iota3A : vector<16xi32>
        %gather3A = tpu.vector_load_idx %arg19[%add3A_348, %add3A_260] : memref<2000x8xf32, #tpu.memory_space<vmem>>[vector<16xi32>, vector<16xi32>], vector<16xf32>,
        %mul3A_349 = arith.constant 16 : i32
        %mul3A_350 = arith.muli %scan3A_344, %mul3A_349 : i32
        %swap3A = arith.index_cast %mul3A_350 : i32 to index
        %swap3A_351 = tpu.vector_load %arg20[%swap3A] {strides = array<i32>} : memref<2000xf32, #tpu.memory_space<vmem>>, vector<16xf32>,
        tpu.vector_store %arg20[%swap3A], %gather3A {strides = array<i32>} : memref<2000xf32, #tpu.memory_space<vmem>>, vector<16xf32>,
      }
      %scan3A_266 = arith.constant 125 : i32
      %mul3A_267 = arith.constant 10000 : i32
      %mul3A_268 = arith.muli %arg1, %mul3A_267 : i32
      %add3A_269 = arith.constant 6000 : i32
      %add3A_270 = arith.addi %mul3A_268, %add3A_269 : i32
      %run_scoped3A_271 = arith.constant 1 : i32
      "tpu.region"() ({
        %run_scoped3A_344 = tpu.sem_alloc : memref<!tpu.dma_semaphore, #tpu.memory_space<semaphore_mem>>
        %dma_start3A_345 = tpu.memref_slice %arg4[%arg0, %run_scoped3A_271, %add3A_270] : memref<2x3x100000xf32, #tpu.memory_space<hbm>> -> memref<1x1x2000xf32, #tpu.memory_space<hbm>>
        %dma_start3A_346 = tpu.memref_squeeze %dma_start3A_345 : memref<1x1x2000xf32, #tpu.memory_space<hbm>> -> memref<2000xf32, #tpu.memory_space<hbm>>
        %dma_start3A_347 = tpu.memref_slice %arg4[%arg0, %run_scoped3A_271, %add3A_270] : memref<2x3x100000xf32, #tpu.memory_space<hbm>> -> memref<1x1x2000xf32, #tpu.memory_space<hbm>>
        %dma_start3A_348 = tpu.memref_squeeze %dma_start3A_347 : memref<1x1x2000xf32, #tpu.memory_space<hbm>> -> memref<2000xf32, #tpu.memory_space<hbm>>
        tpu.enqueue_dma source(%arg20 : memref<2000xf32, #tpu.memory_space<vmem>>) target(%dma_start3A_348 : memref<2000xf32, #tpu.memory_space<hbm>>) target_semaphore(%run_scoped3A_344 : memref<!tpu.dma_semaphore, #tpu.memory_space<semaphore_mem>>)
        %dma_wait3A = tpu.memref_slice %arg4[%arg0, %run_scoped3A_271, %add3A_270] : memref<2x3x100000xf32, #tpu.memory_space<hbm>> -> memref<1x1x2000xf32, #tpu.memory_space<hbm>>
        %dma_wait3A_349 = tpu.memref_squeeze %dma_wait3A : memref<1x1x2000xf32, #tpu.memory_space<hbm>> -> memref<2000xf32, #tpu.memory_space<hbm>>
        %dma_wait3A_350 = tpu.memref_slice %arg4[%arg0, %run_scoped3A_271, %add3A_270] : memref<2x3x100000xf32, #tpu.memory_space<hbm>> -> memref<1x1x2000xf32, #tpu.memory_space<hbm>>
        %dma_wait3A_351 = tpu.memref_squeeze %dma_wait3A_350 : memref<1x1x2000xf32, #tpu.memory_space<hbm>> -> memref<2000xf32, #tpu.memory_space<hbm>>
        tpu.wait_dma2 semaphore(%run_scoped3A_344 : memref<!tpu.dma_semaphore, #tpu.memory_space<semaphore_mem>>) src(%arg20 : memref<2000xf32, #tpu.memory_space<vmem>>) dst(%dma_wait3A_351 : memref<2000xf32, #tpu.memory_space<hbm>>)
        tpu.yield
      }) : () -> ()
      %mul3A_272 = arith.constant 0 : i32
      %mul3A_273 = vector.broadcast %mul3A_272 : i32 to vector<16xi32>
      %mul3A_274 = arith.muli %iota3A, %mul3A_273 : vector<16xi32>
      %add3A_275 = arith.constant 2 : i32
      %add3A_276 = vector.broadcast %add3A_275 : i32 to vector<16xi32>
      %add3A_277 = arith.addi %mul3A_274, %add3A_276 : vector<16xi32>
      %scan3A_278 = arith.constant 0 : i32
      %scan3A_279 = arith.constant 0 : i32
      %scan3A_280 = arith.constant 125 : i32
      %scan3A_281 = arith.addi %scan3A_279, %scan3A_280 : i32
      %scan3A_282 = arith.constant 1 : i32
      scf.for %scan3A_344 = %scan3A_279 to %scan3A_281 step %scan3A_282  : i32 {
        %mul3A_345 = arith.constant 16 : i32
        %mul3A_346 = arith.muli %scan3A_344, %mul3A_345 : i32
        %add3A_347 = vector.broadcast %mul3A_346 : i32 to vector<16xi32>
        %add3A_348 = arith.addi %add3A_347, %iota3A : vector<16xi32>
        %gather3A = tpu.vector_load_idx %arg19[%add3A_348, %add3A_277] : memref<2000x8xf32, #tpu.memory_space<vmem>>[vector<16xi32>, vector<16xi32>], vector<16xf32>,
        %mul3A_349 = arith.constant 16 : i32
        %mul3A_350 = arith.muli %scan3A_344, %mul3A_349 : i32
        %swap3A = arith.index_cast %mul3A_350 : i32 to index
        %swap3A_351 = tpu.vector_load %arg20[%swap3A] {strides = array<i32>} : memref<2000xf32, #tpu.memory_space<vmem>>, vector<16xf32>,
        tpu.vector_store %arg20[%swap3A], %gather3A {strides = array<i32>} : memref<2000xf32, #tpu.memory_space<vmem>>, vector<16xf32>,
      }
      %scan3A_283 = arith.constant 125 : i32
      %mul3A_284 = arith.constant 10000 : i32
      %mul3A_285 = arith.muli %arg1, %mul3A_284 : i32
      %add3A_286 = arith.constant 6000 : i32
      %add3A_287 = arith.addi %mul3A_285, %add3A_286 : i32
      %run_scoped3A_288 = arith.constant 2 : i32
      "tpu.region"() ({
        %run_scoped3A_344 = tpu.sem_alloc : memref<!tpu.dma_semaphore, #tpu.memory_space<semaphore_mem>>
        %dma_start3A_345 = tpu.memref_slice %arg4[%arg0, %run_scoped3A_288, %add3A_287] : memref<2x3x100000xf32, #tpu.memory_space<hbm>> -> memref<1x1x2000xf32, #tpu.memory_space<hbm>>
        %dma_start3A_346 = tpu.memref_squeeze %dma_start3A_345 : memref<1x1x2000xf32, #tpu.memory_space<hbm>> -> memref<2000xf32, #tpu.memory_space<hbm>>
        %dma_start3A_347 = tpu.memref_slice %arg4[%arg0, %run_scoped3A_288, %add3A_287] : memref<2x3x100000xf32, #tpu.memory_space<hbm>> -> memref<1x1x2000xf32, #tpu.memory_space<hbm>>
        %dma_start3A_348 = tpu.memref_squeeze %dma_start3A_347 : memref<1x1x2000xf32, #tpu.memory_space<hbm>> -> memref<2000xf32, #tpu.memory_space<hbm>>
        tpu.enqueue_dma source(%arg20 : memref<2000xf32, #tpu.memory_space<vmem>>) target(%dma_start3A_348 : memref<2000xf32, #tpu.memory_space<hbm>>) target_semaphore(%run_scoped3A_344 : memref<!tpu.dma_semaphore, #tpu.memory_space<semaphore_mem>>)
        %dma_wait3A = tpu.memref_slice %arg4[%arg0, %run_scoped3A_288, %add3A_287] : memref<2x3x100000xf32, #tpu.memory_space<hbm>> -> memref<1x1x2000xf32, #tpu.memory_space<hbm>>
        %dma_wait3A_349 = tpu.memref_squeeze %dma_wait3A : memref<1x1x2000xf32, #tpu.memory_space<hbm>> -> memref<2000xf32, #tpu.memory_space<hbm>>
        %dma_wait3A_350 = tpu.memref_slice %arg4[%arg0, %run_scoped3A_288, %add3A_287] : memref<2x3x100000xf32, #tpu.memory_space<hbm>> -> memref<1x1x2000xf32, #tpu.memory_space<hbm>>
        %dma_wait3A_351 = tpu.memref_squeeze %dma_wait3A_350 : memref<1x1x2000xf32, #tpu.memory_space<hbm>> -> memref<2000xf32, #tpu.memory_space<hbm>>
        tpu.wait_dma2 semaphore(%run_scoped3A_344 : memref<!tpu.dma_semaphore, #tpu.memory_space<semaphore_mem>>) src(%arg20 : memref<2000xf32, #tpu.memory_space<vmem>>) dst(%dma_wait3A_351 : memref<2000xf32, #tpu.memory_space<hbm>>)
        tpu.yield
      }) : () -> ()
      %mul3A_289 = arith.constant 10000 : i32
      %mul3A_290 = arith.muli %arg1, %mul3A_289 : i32
      %add3A_291 = arith.constant 8000 : i32
      %add3A_292 = arith.addi %mul3A_290, %add3A_291 : i32
      "tpu.region"() ({
        %run_scoped3A_344 = tpu.sem_alloc : memref<!tpu.dma_semaphore, #tpu.memory_space<semaphore_mem>>
        %dma_start3A_345 = arith.constant 0 : i32
        %dma_start3A_346 = tpu.memref_slice %arg21[%add3A_292, %dma_start3A_345] : memref<100000x8xf32, #tpu.memory_space<vmem_shared>> -> memref<2000x8xf32, #tpu.memory_space<vmem_shared>>
        %dma_start3A_347 = arith.constant 0 : i32
        %dma_start3A_348 = tpu.memref_slice %arg21[%add3A_292, %dma_start3A_347] : memref<100000x8xf32, #tpu.memory_space<vmem_shared>> -> memref<2000x8xf32, #tpu.memory_space<vmem_shared>>
        tpu.enqueue_dma source(%dma_start3A_348 : memref<2000x8xf32, #tpu.memory_space<vmem_shared>>) target(%arg19 : memref<2000x8xf32, #tpu.memory_space<vmem>>) target_semaphore(%run_scoped3A_344 : memref<!tpu.dma_semaphore, #tpu.memory_space<semaphore_mem>>)
        %dma_wait3A = arith.constant 0 : i32
        %dma_wait3A_349 = tpu.memref_slice %arg21[%add3A_292, %dma_wait3A] : memref<100000x8xf32, #tpu.memory_space<vmem_shared>> -> memref<2000x8xf32, #tpu.memory_space<vmem_shared>>
        %dma_wait3A_350 = arith.constant 0 : i32
        %dma_wait3A_351 = tpu.memref_slice %arg21[%add3A_292, %dma_wait3A_350] : memref<100000x8xf32, #tpu.memory_space<vmem_shared>> -> memref<2000x8xf32, #tpu.memory_space<vmem_shared>>
        tpu.wait_dma2 semaphore(%run_scoped3A_344 : memref<!tpu.dma_semaphore, #tpu.memory_space<semaphore_mem>>) src(%dma_wait3A_351 : memref<2000x8xf32, #tpu.memory_space<vmem_shared>>) dst(%arg19 : memref<2000x8xf32, #tpu.memory_space<vmem>>)
        tpu.yield
      }) : () -> ()
      %mul3A_293 = arith.constant 0 : i32
      %mul3A_294 = vector.broadcast %mul3A_293 : i32 to vector<16xi32>
      %mul3A_295 = arith.muli %iota3A, %mul3A_294 : vector<16xi32>
      %add3A_296 = arith.constant 0 : i32
      %add3A_297 = vector.broadcast %add3A_296 : i32 to vector<16xi32>
      %add3A_298 = arith.addi %mul3A_295, %add3A_297 : vector<16xi32>
      %scan3A_299 = arith.constant 0 : i32
      %scan3A_300 = arith.constant 0 : i32
      %scan3A_301 = arith.constant 125 : i32
      %scan3A_302 = arith.addi %scan3A_300, %scan3A_301 : i32
      %scan3A_303 = arith.constant 1 : i32
      scf.for %scan3A_344 = %scan3A_300 to %scan3A_302 step %scan3A_303  : i32 {
        %mul3A_345 = arith.constant 16 : i32
        %mul3A_346 = arith.muli %scan3A_344, %mul3A_345 : i32
        %add3A_347 = vector.broadcast %mul3A_346 : i32 to vector<16xi32>
        %add3A_348 = arith.addi %add3A_347, %iota3A : vector<16xi32>
        %gather3A = tpu.vector_load_idx %arg19[%add3A_348, %add3A_298] : memref<2000x8xf32, #tpu.memory_space<vmem>>[vector<16xi32>, vector<16xi32>], vector<16xf32>,
        %mul3A_349 = arith.constant 16 : i32
        %mul3A_350 = arith.muli %scan3A_344, %mul3A_349 : i32
        %swap3A = arith.index_cast %mul3A_350 : i32 to index
        %swap3A_351 = tpu.vector_load %arg20[%swap3A] {strides = array<i32>} : memref<2000xf32, #tpu.memory_space<vmem>>, vector<16xf32>,
        tpu.vector_store %arg20[%swap3A], %gather3A {strides = array<i32>} : memref<2000xf32, #tpu.memory_space<vmem>>, vector<16xf32>,
      }
      %scan3A_304 = arith.constant 125 : i32
      %mul3A_305 = arith.constant 10000 : i32
      %mul3A_306 = arith.muli %arg1, %mul3A_305 : i32
      %add3A_307 = arith.constant 8000 : i32
      %add3A_308 = arith.addi %mul3A_306, %add3A_307 : i32
      %run_scoped3A_309 = arith.constant 0 : i32
      "tpu.region"() ({
        %run_scoped3A_344 = tpu.sem_alloc : memref<!tpu.dma_semaphore, #tpu.memory_space<semaphore_mem>>
        %dma_start3A_345 = tpu.memref_slice %arg4[%arg0, %run_scoped3A_309, %add3A_308] : memref<2x3x100000xf32, #tpu.memory_space<hbm>> -> memref<1x1x2000xf32, #tpu.memory_space<hbm>>
        %dma_start3A_346 = tpu.memref_squeeze %dma_start3A_345 : memref<1x1x2000xf32, #tpu.memory_space<hbm>> -> memref<2000xf32, #tpu.memory_space<hbm>>
        %dma_start3A_347 = tpu.memref_slice %arg4[%arg0, %run_scoped3A_309, %add3A_308] : memref<2x3x100000xf32, #tpu.memory_space<hbm>> -> memref<1x1x2000xf32, #tpu.memory_space<hbm>>
        %dma_start3A_348 = tpu.memref_squeeze %dma_start3A_347 : memref<1x1x2000xf32, #tpu.memory_space<hbm>> -> memref<2000xf32, #tpu.memory_space<hbm>>
        tpu.enqueue_dma source(%arg20 : memref<2000xf32, #tpu.memory_space<vmem>>) target(%dma_start3A_348 : memref<2000xf32, #tpu.memory_space<hbm>>) target_semaphore(%run_scoped3A_344 : memref<!tpu.dma_semaphore, #tpu.memory_space<semaphore_mem>>)
        %dma_wait3A = tpu.memref_slice %arg4[%arg0, %run_scoped3A_309, %add3A_308] : memref<2x3x100000xf32, #tpu.memory_space<hbm>> -> memref<1x1x2000xf32, #tpu.memory_space<hbm>>
        %dma_wait3A_349 = tpu.memref_squeeze %dma_wait3A : memref<1x1x2000xf32, #tpu.memory_space<hbm>> -> memref<2000xf32, #tpu.memory_space<hbm>>
        %dma_wait3A_350 = tpu.memref_slice %arg4[%arg0, %run_scoped3A_309, %add3A_308] : memref<2x3x100000xf32, #tpu.memory_space<hbm>> -> memref<1x1x2000xf32, #tpu.memory_space<hbm>>
        %dma_wait3A_351 = tpu.memref_squeeze %dma_wait3A_350 : memref<1x1x2000xf32, #tpu.memory_space<hbm>> -> memref<2000xf32, #tpu.memory_space<hbm>>
        tpu.wait_dma2 semaphore(%run_scoped3A_344 : memref<!tpu.dma_semaphore, #tpu.memory_space<semaphore_mem>>) src(%arg20 : memref<2000xf32, #tpu.memory_space<vmem>>) dst(%dma_wait3A_351 : memref<2000xf32, #tpu.memory_space<hbm>>)
        tpu.yield
      }) : () -> ()
      %mul3A_310 = arith.constant 0 : i32
      %mul3A_311 = vector.broadcast %mul3A_310 : i32 to vector<16xi32>
      %mul3A_312 = arith.muli %iota3A, %mul3A_311 : vector<16xi32>
      %add3A_313 = arith.constant 1 : i32
      %add3A_314 = vector.broadcast %add3A_313 : i32 to vector<16xi32>
      %add3A_315 = arith.addi %mul3A_312, %add3A_314 : vector<16xi32>
      %scan3A_316 = arith.constant 0 : i32
      %scan3A_317 = arith.constant 0 : i32
      %scan3A_318 = arith.constant 125 : i32
      %scan3A_319 = arith.addi %scan3A_317, %scan3A_318 : i32
      %scan3A_320 = arith.constant 1 : i32
      scf.for %scan3A_344 = %scan3A_317 to %scan3A_319 step %scan3A_320  : i32 {
        %mul3A_345 = arith.constant 16 : i32
        %mul3A_346 = arith.muli %scan3A_344, %mul3A_345 : i32
        %add3A_347 = vector.broadcast %mul3A_346 : i32 to vector<16xi32>
        %add3A_348 = arith.addi %add3A_347, %iota3A : vector<16xi32>
        %gather3A = tpu.vector_load_idx %arg19[%add3A_348, %add3A_315] : memref<2000x8xf32, #tpu.memory_space<vmem>>[vector<16xi32>, vector<16xi32>], vector<16xf32>,
        %mul3A_349 = arith.constant 16 : i32
        %mul3A_350 = arith.muli %scan3A_344, %mul3A_349 : i32
        %swap3A = arith.index_cast %mul3A_350 : i32 to index
        %swap3A_351 = tpu.vector_load %arg20[%swap3A] {strides = array<i32>} : memref<2000xf32, #tpu.memory_space<vmem>>, vector<16xf32>,
        tpu.vector_store %arg20[%swap3A], %gather3A {strides = array<i32>} : memref<2000xf32, #tpu.memory_space<vmem>>, vector<16xf32>,
      }
      %scan3A_321 = arith.constant 125 : i32
      %mul3A_322 = arith.constant 10000 : i32
      %mul3A_323 = arith.muli %arg1, %mul3A_322 : i32
      %add3A_324 = arith.constant 8000 : i32
      %add3A_325 = arith.addi %mul3A_323, %add3A_324 : i32
      %run_scoped3A_326 = arith.constant 1 : i32
      "tpu.region"() ({
        %run_scoped3A_344 = tpu.sem_alloc : memref<!tpu.dma_semaphore, #tpu.memory_space<semaphore_mem>>
        %dma_start3A_345 = tpu.memref_slice %arg4[%arg0, %run_scoped3A_326, %add3A_325] : memref<2x3x100000xf32, #tpu.memory_space<hbm>> -> memref<1x1x2000xf32, #tpu.memory_space<hbm>>
        %dma_start3A_346 = tpu.memref_squeeze %dma_start3A_345 : memref<1x1x2000xf32, #tpu.memory_space<hbm>> -> memref<2000xf32, #tpu.memory_space<hbm>>
        %dma_start3A_347 = tpu.memref_slice %arg4[%arg0, %run_scoped3A_326, %add3A_325] : memref<2x3x100000xf32, #tpu.memory_space<hbm>> -> memref<1x1x2000xf32, #tpu.memory_space<hbm>>
        %dma_start3A_348 = tpu.memref_squeeze %dma_start3A_347 : memref<1x1x2000xf32, #tpu.memory_space<hbm>> -> memref<2000xf32, #tpu.memory_space<hbm>>
        tpu.enqueue_dma source(%arg20 : memref<2000xf32, #tpu.memory_space<vmem>>) target(%dma_start3A_348 : memref<2000xf32, #tpu.memory_space<hbm>>) target_semaphore(%run_scoped3A_344 : memref<!tpu.dma_semaphore, #tpu.memory_space<semaphore_mem>>)
        %dma_wait3A = tpu.memref_slice %arg4[%arg0, %run_scoped3A_326, %add3A_325] : memref<2x3x100000xf32, #tpu.memory_space<hbm>> -> memref<1x1x2000xf32, #tpu.memory_space<hbm>>
        %dma_wait3A_349 = tpu.memref_squeeze %dma_wait3A : memref<1x1x2000xf32, #tpu.memory_space<hbm>> -> memref<2000xf32, #tpu.memory_space<hbm>>
        %dma_wait3A_350 = tpu.memref_slice %arg4[%arg0, %run_scoped3A_326, %add3A_325] : memref<2x3x100000xf32, #tpu.memory_space<hbm>> -> memref<1x1x2000xf32, #tpu.memory_space<hbm>>
        %dma_wait3A_351 = tpu.memref_squeeze %dma_wait3A_350 : memref<1x1x2000xf32, #tpu.memory_space<hbm>> -> memref<2000xf32, #tpu.memory_space<hbm>>
        tpu.wait_dma2 semaphore(%run_scoped3A_344 : memref<!tpu.dma_semaphore, #tpu.memory_space<semaphore_mem>>) src(%arg20 : memref<2000xf32, #tpu.memory_space<vmem>>) dst(%dma_wait3A_351 : memref<2000xf32, #tpu.memory_space<hbm>>)
        tpu.yield
      }) : () -> ()
      %mul3A_327 = arith.constant 0 : i32
      %mul3A_328 = vector.broadcast %mul3A_327 : i32 to vector<16xi32>
      %mul3A_329 = arith.muli %iota3A, %mul3A_328 : vector<16xi32>
      %add3A_330 = arith.constant 2 : i32
      %add3A_331 = vector.broadcast %add3A_330 : i32 to vector<16xi32>
      %add3A_332 = arith.addi %mul3A_329, %add3A_331 : vector<16xi32>
      %scan3A_333 = arith.constant 0 : i32
      %scan3A_334 = arith.constant 0 : i32
      %scan3A_335 = arith.constant 125 : i32
      %scan3A_336 = arith.addi %scan3A_334, %scan3A_335 : i32
      %scan3A_337 = arith.constant 1 : i32
      scf.for %scan3A_344 = %scan3A_334 to %scan3A_336 step %scan3A_337  : i32 {
        %mul3A_345 = arith.constant 16 : i32
        %mul3A_346 = arith.muli %scan3A_344, %mul3A_345 : i32
        %add3A_347 = vector.broadcast %mul3A_346 : i32 to vector<16xi32>
        %add3A_348 = arith.addi %add3A_347, %iota3A : vector<16xi32>
        %gather3A = tpu.vector_load_idx %arg19[%add3A_348, %add3A_332] : memref<2000x8xf32, #tpu.memory_space<vmem>>[vector<16xi32>, vector<16xi32>], vector<16xf32>,
        %mul3A_349 = arith.constant 16 : i32
        %mul3A_350 = arith.muli %scan3A_344, %mul3A_349 : i32
        %swap3A = arith.index_cast %mul3A_350 : i32 to index
        %swap3A_351 = tpu.vector_load %arg20[%swap3A] {strides = array<i32>} : memref<2000xf32, #tpu.memory_space<vmem>>, vector<16xf32>,
        tpu.vector_store %arg20[%swap3A], %gather3A {strides = array<i32>} : memref<2000xf32, #tpu.memory_space<vmem>>, vector<16xf32>,
      }
      %scan3A_338 = arith.constant 125 : i32
      %mul3A_339 = arith.constant 10000 : i32
      %mul3A_340 = arith.muli %arg1, %mul3A_339 : i32
      %add3A_341 = arith.constant 8000 : i32
      %add3A_342 = arith.addi %mul3A_340, %add3A_341 : i32
      %run_scoped3A_343 = arith.constant 2 : i32
      "tpu.region"() ({
        %run_scoped3A_344 = tpu.sem_alloc : memref<!tpu.dma_semaphore, #tpu.memory_space<semaphore_mem>>
        %dma_start3A_345 = tpu.memref_slice %arg4[%arg0, %run_scoped3A_343, %add3A_342] : memref<2x3x100000xf32, #tpu.memory_space<hbm>> -> memref<1x1x2000xf32, #tpu.memory_space<hbm>>
        %dma_start3A_346 = tpu.memref_squeeze %dma_start3A_345 : memref<1x1x2000xf32, #tpu.memory_space<hbm>> -> memref<2000xf32, #tpu.memory_space<hbm>>
        %dma_start3A_347 = tpu.memref_slice %arg4[%arg0, %run_scoped3A_343, %add3A_342] : memref<2x3x100000xf32, #tpu.memory_space<hbm>> -> memref<1x1x2000xf32, #tpu.memory_space<hbm>>
        %dma_start3A_348 = tpu.memref_squeeze %dma_start3A_347 : memref<1x1x2000xf32, #tpu.memory_space<hbm>> -> memref<2000xf32, #tpu.memory_space<hbm>>
        tpu.enqueue_dma source(%arg20 : memref<2000xf32, #tpu.memory_space<vmem>>) target(%dma_start3A_348 : memref<2000xf32, #tpu.memory_space<hbm>>) target_semaphore(%run_scoped3A_344 : memref<!tpu.dma_semaphore, #tpu.memory_space<semaphore_mem>>)
        %dma_wait3A = tpu.memref_slice %arg4[%arg0, %run_scoped3A_343, %add3A_342] : memref<2x3x100000xf32, #tpu.memory_space<hbm>> -> memref<1x1x2000xf32, #tpu.memory_space<hbm>>
        %dma_wait3A_349 = tpu.memref_squeeze %dma_wait3A : memref<1x1x2000xf32, #tpu.memory_space<hbm>> -> memref<2000xf32, #tpu.memory_space<hbm>>
        %dma_wait3A_350 = tpu.memref_slice %arg4[%arg0, %run_scoped3A_343, %add3A_342] : memref<2x3x100000xf32, #tpu.memory_space<hbm>> -> memref<1x1x2000xf32, #tpu.memory_space<hbm>>
        %dma_wait3A_351 = tpu.memref_squeeze %dma_wait3A_350 : memref<1x1x2000xf32, #tpu.memory_space<hbm>> -> memref<2000xf32, #tpu.memory_space<hbm>>
        tpu.wait_dma2 semaphore(%run_scoped3A_344 : memref<!tpu.dma_semaphore, #tpu.memory_space<semaphore_mem>>) src(%arg20 : memref<2000xf32, #tpu.memory_space<vmem>>) dst(%dma_wait3A_351 : memref<2000xf32, #tpu.memory_space<hbm>>)
        tpu.yield
      }) : () -> ()
    } else {
    }
    return
  }
}

module attributes {stable_mosaic.version = 14 : i64} {
  func.func @_combine_body(%arg0: memref<2x3x100000xf32, #tpu.memory_space<vmem>>, %arg1: memref<3x100000xf32, #tpu.memory_space<vmem>>) attributes {dimension_semantics = [], scalar_prefetch = 0 : i64, scratch_operands = 0 : i64, tpu.core_type = #tpu.core_type<tc>} {
    %get3A = arith.constant 0 : index
    %get3A_0 = arith.constant 0 : index
    %get3A_1 = arith.constant 0 : index
    %get3A_2 = vector.load %arg0[%get3A, %get3A_0, %get3A_1] : memref<2x3x100000xf32, #tpu.memory_space<vmem>>, vector<1x3x100000xf32>
    %get3A_3 = vector.shape_cast %get3A_2 : vector<1x3x100000xf32> to vector<3x100000xf32>
    %get3A_4 = arith.constant 1 : index
    %get3A_5 = arith.constant 0 : index
    %get3A_6 = arith.constant 0 : index
    %get3A_7 = vector.load %arg0[%get3A_4, %get3A_5, %get3A_6] : memref<2x3x100000xf32, #tpu.memory_space<vmem>>, vector<1x3x100000xf32>
    %get3A_8 = vector.shape_cast %get3A_7 : vector<1x3x100000xf32> to vector<3x100000xf32>
    %add3A = arith.addf %get3A_3, %get3A_8 : vector<3x100000xf32>
    %swap3A = arith.constant 0 : index
    %swap3A_9 = arith.constant 0 : index
    %swap3A_10 = vector.load %arg1[%swap3A, %swap3A_9] : memref<3x100000xf32, #tpu.memory_space<vmem>>, vector<3x100000xf32>
    tpu.vector_store %arg1[%swap3A, %swap3A_9], %add3A {strides = array<i32>} : memref<3x100000xf32, #tpu.memory_space<vmem>>, vector<3x100000xf32>,
    return
  }
}

</mosaic_0001>

<sc_bundles>
// kernel: kernel.4.cloned.1.call-start
scs
__scs_entry_jumppad:
0x0: {  	(pc) =	sbr.rel $0x88, $3  }
0x1: {  	(tag) =	ssettag $0x0;
	lr =	simm.s32 $0x1  }
0x2: {  	[smem:$0x3F9F] =	sst lr;
	_ =	strace $0xD0000000  }
0x3: {  	_ = 	snop  }
0x4: {  	_ = 	snop  }
0x5: {  	_ = 	snop  }
0x6: {  	_ = 	snop  }
0x7: {  	_ = 	snop  }
__scs_overlays_trampoline_lowered:
0x8: {  	[smem:$0x3FAE] =	sst s0  }
0x9: {  	[smem:$0x3FAF] =	sst s1  }
0xa: {  	[smem:$0x3FB0] =	sst s2  }
0xb: {  	[smem:$0x3FB1] =	sst s3  }
0xc: {  	[smem:$0x3FB2] =	sst s4  }
0xd: {  	[smem:$0x3FB3] =	sst s5  }
0xe: {  	[smem:$0x3FB4] =	sst s6  }
0xf: {  	[smem:$0x3FB5] =	sst s7  }
0x10: {  	[smem:$0x3FB6] =	sst s8  }
0x11: {  	[smem:$0x3FB7] =	sst s9;
	s0 =	simm.s32 @!p0 $0x0  }
0x12: {  	s1 =	sld [smem:$0x3F9D];
	s0 =	simm.s32 @p0 $0x1  }
0x13: {  	[smem:$0x3FB8] =	sst s0;
	s0 =	simm.s32 @!p1 $0x0  }
0x14: {  	s2 =	sld [smem:$0x3F9C];
	s0 =	simm.s32 @p1 $0x1  }
0x15: {  	[smem:$0x3FB9] =	sst s0;
	s0 =	simm.s32 @!p2 $0x0  }
0x16: {  	s3 =	sld [smem:$0x3FDB];
	s0 =	simm.s32 @p2 $0x1  }
0x17: {  	s4 =	simm.s32 $0x1BF5;
	[smem:$0x3FBB] =	sst s0  }
0x18: {  	s0 =	sld [smem:$0x3F9E];
	_ =	swait.ge [sflag:s4], $0x0  }
0x19: {  	s7 =	sld [smem:$0x3F9F]  }
0x1a: {  	s8 =	sadd.s32 $0xFFFFE003, lr  }
0x1b: {  	s9 =	sadd.s32 $0xFFFFFEF7, lr;
	s5 =	simm.s32 $0xFFFFFFFF;
	p2 =	slt.u32 s8, $0xFFFFF086  }
0x1c: {  	p1 =	slt.u32 s9, $0xF7A;
	s5 =	simm.s32 @!p2 $0x0  }
0x1d: {  	s5 =	simm.s32 @p1 $0x1;
	p0 =	seq.s32 s7, s2  }
0x1e: {  	s7 =	smul.u32 @!p0 $0xF7A, s2;
	p2 =	seq.s32 @!p0 s5, $0x0  }
0x1f: {  	s9 =	smul.u32 $0xF7A, s1;
	s8 =	simm.s32 @!p0 $0x1BF5;
	p2 =	por !p2, p0  }
0x20: {  	[sflag:s8] =	ssyncset.s32 @!p0 $0xFFFFF086;
	s6 =	sadd.s32 @!p0 s3, s7;
	s7 =	simm.s32 @!p0 $0x108  }
0x21: {  	s3 =	sadd.s32 s3, s9;
	s6 =	sadd.s32 @!p0 $0x88, s6;
	s7 =	simm.s32 @p2 $0x1082  }
0x22: {  	[simem:s7], [sflag:s8] =	dma.local @!p0 [hbm:s6], $0xF7A  }
0x23: {  	s9 =	sor.u32 $0xD0000000, s2;
	s6 =	simm.s32 $0x108;
	_ =	swait.ge @!p0 [sflag:s8], $0x0  }
0x24: {  	s3 =	sadd.s32 $0x88, s3;
	s6 =	simm.s32 @!p1 $0x1082;
	[sflag:s4] =	ssyncset.s32 $0xFFFFF086  }
0x25: {  	[simem:s6], [sflag:s4] =	dma.local [hbm:s3], $0xF7A  }
0x26: {  	[smem:$0x3F9F] =	sst s1;
	(tag) =	ssettag s2;
	_ =	strace s9  }
0x27: {  	s1 =	sld [smem:$0x3FAF]  }
0x28: {  	s2 =	sld [smem:$0x3FB0]  }
0x29: {  	s4 =	sld [smem:$0x3FB2]  }
0x2a: {  	p0 =	seq.s32 s5, $0x0;
	s5 =	sld [smem:$0x3FB3]  }
0x2b: {  	s6 =	sld [smem:$0x3FB4]  }
0x2c: {  	s7 =	sld [smem:$0x3FB5]  }
0x2d: {  	s3 =	simm.s32 $0x108;
	s8 =	sld [smem:$0x3FB6]  }
0x2e: {  	s3 =	simm.s32 @!p0 $0x1082;
	s9 =	sld [smem:$0x3FB7]  }
0x2f: {  	lr =	sadd.s32 s0, s3;
	s0 =	sld [smem:$0x3FAE]  }
0x30: {  	s3 =	sld [smem:$0x3FB1]  }
0x31: {  	[smem:$0x3FBA] =	sst s10  }
0x32: {  	s10 =	sld [smem:$0x3FB8];
	_ =	sdelay $0x3  }
0x33: {  	p0 =	seq.s32 s10, $0x1;
	s10 =	sld [smem:$0x3FBA];
	_ =	sdelay $0x3  }
0x34: {  	[smem:$0x3FBA] =	sst s10  }
0x35: {  	s10 =	sld [smem:$0x3FB9];
	_ =	sdelay $0x3  }
0x36: {  	p1 =	seq.s32 s10, $0x1;
	s10 =	sld [smem:$0x3FBA];
	_ =	sdelay $0x3  }
0x37: {  	[smem:$0x3FBA] =	sst s10  }
0x38: {  	s10 =	sld [smem:$0x3FBB]  }
0x39: {  	_ = 	snop;
	(pc) =	sbr.ind lr, $3  }
0x3a: {  	_ = 	snop  }
0x3b: {  	_ = 	snop  }
0x3c: {  	p2 =	seq.s32 s10, $0x1;
	s10 =	sld [smem:$0x3FBA]  }
0x3d: {  	_ =	shalt  }
0x3e: {  	_ =	shalt  }
0x3f: {  	_ =	shalt  }
0x40: {  	_ =	shalt  }
0x41: {  	_ =	shalt  }
0x42: {  	_ =	shalt  }
0x43: {  	_ =	shalt  }
0x44: {  	_ =	shalt  }
0x45: {  	_ =	shalt  }
0x46: {  	_ =	shalt  }
0x47: {  	_ =	shalt  }
0x48: {  	_ =	shalt  }
0x49: {  	_ =	shalt  }
0x4a: {  	_ =	shalt  }
0x4b: {  	_ =	shalt  }
0x4c: {  	_ =	shalt  }
0x4d: {  	_ =	shalt  }
0x4e: {  	_ =	shalt  }
0x4f: {  	_ =	shalt  }
0x50: {  	_ =	shalt  }
0x51: {  	_ =	shalt  }
0x52: {  	_ =	shalt  }
0x53: {  	_ =	shalt  }
0x54: {  	_ =	shalt  }
0x55: {  	_ =	shalt  }
0x56: {  	_ =	shalt  }
0x57: {  	_ =	shalt  }
0x58: {  	_ =	shalt  }
0x59: {  	_ =	shalt  }
0x5a: {  	_ =	shalt  }
0x5b: {  	_ =	shalt  }
0x5c: {  	_ =	shalt  }
0x5d: {  	_ =	shalt  }
0x5e: {  	_ =	shalt  }
0x5f: {  	_ =	shalt  }
0x60: {  	_ =	shalt  }
0x61: {  	_ =	shalt  }
0x62: {  	_ =	shalt  }
0x63: {  	_ =	shalt  }
0x64: {  	_ =	shalt  }
0x65: {  	_ =	shalt  }
0x66: {  	_ =	shalt  }
0x67: {  	_ =	shalt  }
0x68: {  	_ =	shalt  }
0x69: {  	_ =	shalt  }
0x6a: {  	_ =	shalt  }
0x6b: {  	_ =	shalt  }
0x6c: {  	_ =	shalt  }
0x6d: {  	_ =	shalt  }
0x6e: {  	_ =	shalt  }
0x6f: {  	_ =	shalt  }
0x70: {  	_ =	shalt  }
0x71: {  	_ =	shalt  }
0x72: {  	_ =	shalt  }
0x73: {  	_ =	shalt  }
0x74: {  	_ =	shalt  }
0x75: {  	_ =	shalt  }
0x76: {  	_ =	shalt  }
0x77: {  	_ =	shalt  }
0x78: {  	_ =	shalt  }
0x79: {  	_ =	shalt  }
0x7a: {  	_ =	shalt  }
0x7b: {  	_ =	shalt  }
0x7c: {  	_ =	shalt  }
0x7d: {  	_ =	shalt  }
0x7e: {  	_ =	shalt  }
0x7f: {  	_ =	shalt  }
0x80: {  	_ =	shalt  }
0x81: {  	_ =	shalt  }
0x82: {  	_ =	shalt  }
0x83: {  	_ =	shalt  }
0x84: {  	_ =	shalt  }
0x85: {  	_ =	shalt  }
0x86: {  	_ =	shalt  }
0x87: {  	_ =	shalt  }
.Lfunc_end0:
.L_simem_size_0:
called_computation.1_lowered:
.L_overlay_start_0:
0x88: {  	s2 =	sld [smem:$0x3FD9]  }
0x89: {  	s3 =	sld [smem:$0x3FFE];
	_ =	sdelay $0x1  }
0x8a: {  	s1 =	srdreg.scid  }
0x8b: {  	s0 =	sand.u32 $0x1, s1  }
0x8c: {  	s16 =	sshll.u32 s0, $0xA;
	s2 =	sadd.s32 s3, s2  }
0x8d: {  	s2 =	sadd.s32 s2, s16  }
0x8e: {  	[smem:$0x3FC6] =	sst s2  }
0x8f: {  	_ = 	snop  }
0x90: {  	(tm) =	ssettm $0x1  }
0x91: {  	s17 =	sld [smem:$0x3FFB];
	_ =	sdelay $0x3  }
0x92: {  	_ =	strace s17  }
0x93: {  	s2 =	sld [smem:$0x3FFC];
	_ =	sdelay $0x3  }
0x94: {  	_ =	strace s2  }
0x95: {  	s2 =	sld [smem:$0x3FFD];
	_ =	sdelay $0x3  }
0x96: {  	_ =	strace s2  }
0x97: {  	_ =	strace $0x8FFFFFFF  }
0x98: {  	s18 =	sld [smem:$0x3FDB];
	_ =	sdelay $0x1  }
0x99: {  	s19 =	simm.s32 $_scs_section_size  }
0x9a: {  	s4 =	simm.s32 $_size__tile_overlayer_lowered;
	s5 =	simm.s32 $_tile_overlayer_lowered  }
0x9b: {  	s22 =	simm.s32 $0x1BFF;
	s21 =	sshll.u32 s5, $0x1;
	s2 =	sadd.s32 s19, s18  }
0x9c: {  	s6 =	simm.s32 $0x0;
	s20 =	sshll.u32 s4, $0x1;
	s4 =	sadd.s32 s21, s2  }
0x9d: {  	[timem:s6], [sflag:s22] =	dma.local [hbm:s4], s20  }
0x9e: {  	_ =	swait.ge [sflag:s22], s20  }
0x9f: {  	s3 =	ssub.s32 $0x0, s20;
	[sflag:s22] =	ssyncset.done $0x0  }
0xa0: {  	[sflag:s22] =	ssyncadd.s32 s3;
	_ =	sdelay $0x1  }
0xa1: {  	s23 =	simm.s32 $0x1B8B  }
0xa2: {  	_ =	swait.ge [sflag:s23], $0x1  }
0xa3: {  	[sflag:s23] =	ssyncset.done $0x0  }
0xa4: {  	s25 =	simm.s32 $0x1B8E;
	s24 =	sld [smem:$0x3FFE];
	[sflag:s23] =	ssyncadd.s32 $0xFFFFFFFF  }
0xa5: {  	s26 =	simm.s32 $execute0_lowered;
	[smem:$0x3FD2] =	sst s25  }
0xa6: {  	s4 =	sshll.u32 s26, $0x1;
	_ =	strace $0x80000049;
	[dreg:$0x1] =	wrdreg $0xFFFFFFFF  }
0xa7: {  	s28 =	simm.s32 $_size_execute0_lowered;
	s2 =	sadd.s32 s2, s4;
	[dreg:$0x0] =	wrdreg $0x0  }
0xa8: {  	s4 =	sshll.u32 s28, $0x1;
	[dreg:$0x2] =	wrdreg s2  }
0xa9: {  	[dreg:$0x3] =	wrdreg s4  }
0xaa: {  	[dreg:$0x4] =	wrdreg $0xC0  }
0xab: {  	_ =	task [dreg:s6], $0x5FFFF  }
0xac: {  	[dreg:$0x1] =	wrdreg $0xFFFFFFFF  }
0xad: {  	[dreg:$0x0] =	wrdreg $0x60  }
0xae: {  	[dreg:$0x2] =	wrdreg s24  }
0xaf: {  	[dreg:$0x3] =	wrdreg $0x135900  }
0xb0: {  	[dreg:$0x4] =	wrdreg $0x9  }
0xb1: {  	_ =	task.clear_ibuf [dreg:s6], $0x5FFFF;
	_ =	strace $0x90000049  }
0xb2: {  	s29 =	simm.s32 $0x9;
	_ =	strace $0x8000004B  }
0xb3: {  	_ =	swait.ge [sflag:s29], $0x1  }
0xb4: {  	[sflag:s29] =	ssyncadd.s32 $0xFFFFFFFF  }
0xb5: {  	_ =	strace $0x9000004B  }
0xb6: {  	_ =	sfence  }
0xb7: {  	s30 =	sld [smem:$0x0];
	_ =	sdelay $0x2  }
0xb8: {  	s31 =	sshll.u32 s1, $0xD;
	s1 =	sshrl.u32 s1, $0x2  }
0xb9: {  	s3 =	sand.u32 $0x4000, s31;
	s1 =	sadd.s32 s1, s30  }
0xba: {  	s0 =	sor.u32 s3, s0;
	s1 =	sshll.u32 s1, $0x11  }
0xbb: {  	s0 =	sor.u32 s1, s0  }
0xbc: {  	s0 =	sadd.s32 $0x8F2B, s0  }
0xbd: {  	[sflag:s0] =	ssyncadd.remote.s32 $0x1  }
0xbe: {  	_ =	sfence.sel $0xFFFF  }
0xbf: {  	[dreg:$0x0] =	wrdreg $0xFFFFFFFF;
	(pc) =	sbr.abs _section_cstart, $3  }
0xc0: {  	[dreg:$0x1] =	wrdreg $0xFFFFFFFF  }
0xc1: {  	_ =	task.clear_ibuf [dreg:s6], $0x2FFFF;
	_ =	strace $0x9FFFFFFF  }
0xc2: {  	(tm) =	ssettm $0x7FFFFFFF  }
0xc3: {  	_ =	shalt  }
tec
execute0_lowered:
.L_overlay_start_1:
0x0: {  	(tag) =	ssettag $0x1  }
0x1: {  	s0 =	rddreg [dreg:$0x0]  }
0x2: {  	s1 =	rddreg [dreg:$0x1];
	s3 =	simm.s32 $0x0;
	s20 =	stileid.u32  }
0x3: {  	s2 =	srdreg.scid;
	[smem:$0x7FF] =	sst s3;
	s4 =	sadd.s32 $0x187600, s0  }
0x4: {  	s7 =	smul.u32 $0x4E200, s20;
	s5 =	sadd.s32 $0xC00, s0;
	s8 =	sadd.s32 $0x3D1800, s0  }
0x5: {  	s2 =	sand.u32 $0x1, s2;
	s6 =	sadd.s32 $0x3E3E00, s0;
	s10 =	sshll.u32 s20, $0x1  }
0x6: {  	s11 =	smul.u32 $0x2710, s20;
	_ =	strace $0x8000004A;
	s26 =	ssub.s32 $0x2, s2  }
0x7: {  	s10 =	sor.u32 s2, s10;
	s2 =	smul.u32 $0x493E0, s2;
	s7 =	sshrl.u32 s7, $0x2  }
0x8: {  	s9 =	sshrl.u32 s26, $0x1;
	p0 =	slt.u32 s10, $0x15;
	s12 =	sshll.u32 s10, $0x8  }
0x9: {  	s10 =	sshll.u32 s10, $0xB;
	s29 =	sadd.s32 $0x7D0, s11;
	s30 =	sadd.s32 $0xFA0, s11  }
0xa: {  	s31 =	sadd.s32 $0x1770, s11;
	s7 =	sadd.s32 s7, s1;
	s0 =	ssub.s32 s26, s9  }
0xb: {  	s13 =	sadd.s32 s4, s12;
	s14 =	sshrl.u32 s10, $0x3;
	s15 =	sadd.s32 s11, s2  }
0xc: {  	s16 =	sadd.s32 s2, s29;
	s11 =	sadd.s32 $0x1F40, s11;
	s18 =	sadd.s32 s2, s30  }
0xd: {  	s19 =	sadd.s32 s2, s31;
	s25 =	sadd.s32 s5, s12;
	[dreg:$0x4] =	wrdreg s13  }
0xe: {  	s24 =	sshll.u32 s29, $0x3;
	s28 =	sadd.s32 $0x1F40, s7;
	[dreg:$0xc] =	wrdreg s25  }
0xf: {  	s29 =	sshll.u32 s31, $0x3;
	s0 =	smax.u32 s0, $0x1;
	[dreg:$0x3] =	wrdreg s28  }
0x10: {  	s17 =	sadd.s32 $0xC3500, s14;
	s12 =	sadd.s32 $0x9C40, s7;
	[dreg:$0x12] =	wrdreg s0  }
0x11: {  	s14 =	sadd.s32 s4, s14;
	s13 =	sadd.s32 $0xBB80, s7;
	[dreg:$0x16] =	wrdreg s12  }
0x12: {  	s2 =	sadd.s32 s2, s11;
	s14 =	sadd.s32 $0x186A00, s14;
	[dreg:$0x17] =	wrdreg s13  }
0x13: {  	s11 =	sshll.u32 s11, $0x3;
	s26 =	sadd.s32 s5, s17;
	[dreg:$0xb] =	wrdreg s14  }
0x14: {  	s28 =	sshll.u32 s30, $0x3;
	s30 =	sadd.s32 s29, s1;
	[dreg:$0xd] =	wrdreg s26  }
0x15: {  	s15 =	sshrl.u32 s15, $0x3;
	s31 =	sadd.s32 s11, s1;
	[dreg:$0x10] =	wrdreg s30  }
0x16: {  	s16 =	sshrl.u32 s16, $0x3;
	s11 =	sadd.s32 $0x7D00, s7;
	[dreg:$0x11] =	wrdreg s31  }
0x17: {  	s21 =	sadd.s32 s8, s15;
	s15 =	sadd.s32 $0xFA00, s7;
	[dreg:$0x15] =	wrdreg s11  }
0x18: {  	s22 =	sadd.s32 s8, s16;
	s16 =	sadd.s32 $0x11940, s7;
	[dreg:$0x19] =	wrdreg s15  }
0x19: {  	[dreg:$0x1a] =	wrdreg s16  }
0x1a: {  	s18 =	sshrl.u32 s18, $0x3;
	[dreg:$0x5] =	wrdreg s21  }
0x1b: {  	s19 =	sshrl.u32 s19, $0x3;
	s18 =	sadd.s32 s8, s18;
	[dreg:$0x6] =	wrdreg s22  }
0x1c: {  	s2 =	sshrl.u32 s2, $0x3;
	s19 =	sadd.s32 s8, s19;
	[dreg:$0x7] =	wrdreg s18  }
0x1d: {  	s23 =	sadd.s32 s8, s2;
	s8 =	sadd.s32 s4, s17;
	[dreg:$0x8] =	wrdreg s19  }
0x1e: {  	s9 =	simm.s32 $0x62;
	s2 =	sadd.s32 s24, s1;
	[dreg:$0xa] =	wrdreg s8  }
0x1f: {  	s9 =	simm.s32 @!p0 $0x61;
	s14 =	sadd.s32 $0xDAC0, s7;
	[dreg:$0xe] =	wrdreg s2  }
0x20: {  	p0 =	sgt.u32 s20, $0x9;
	s17 =	sadd.s32 $0x30D4, s21;
	[dreg:$0x18] =	wrdreg s14  }
0x21: {  	s12 =	simm.s32 $0x800;
	s20 =	sadd.s32 $0x61A8, s21;
	[dreg:$0x1b] =	wrdreg s17  }
0x22: {  	s13 =	simm.s32 $0x1;
	s21 =	sadd.s32 $0x30D4, s22;
	[dreg:$0x1c] =	wrdreg s20  }
0x23: {  	s24 =	sadd.s32 $0x61A8, s22;
	s25 =	sadd.s32 $0x30D4, s18;
	[dreg:$0x1d] =	wrdreg s21  }
0x24: {  	s26 =	sadd.s32 $0x61A8, s18;
	s29 =	sadd.s32 $0x61A8, s19;
	[dreg:$0x1e] =	wrdreg s24  }
0x25: {  	s22 =	simm.s32 $0x8000;
	s15 =	simm.s32 $0xC800;
	[dreg:$0x1f] =	wrdreg s25  }
0x26: {  	s16 =	simm.s32 $0x2800;
	s11 =	simm.s32 $0x3800;
	[smem:$0x7F9] =	sst s26  }
0x27: {  	s18 =	simm.s32 $0x3;
	s2 =	sadd.s32 s28, s1;
	[smem:$0x7FB] =	sst s29  }
0x28: {  	s8 =	sadd.s32 $0x5DC0, s7;
	s28 =	sadd.s32 $0x30D4, s19;
	[dreg:$0x9] =	wrdreg s23  }
0x29: {  	s30 =	sadd.s32 $0x30D4, s23;
	s31 =	sadd.s32 $0x61A8, s23;
	[dreg:$0xf] =	wrdreg s2  }
.Ltmp0:
0x2a: {  	s23 =	simm.s32 $0xD000;
	[dreg:$0x14] =	wrdreg s8;
	(pc) =	sbr.rel .LBB2_1-.Ltmp0, $4  }
0x2b: {  	s24 =	simm.s32 $0x4000;
	s14 =	simm.s32 $0xC000;
	[smem:$0x7FA] =	sst s28  }
0x2c: {  	vm0 =	vcmask $0x3F24;
	vm1 =	vcmask $0x1F04;
	s17 =	simm.s32 $0x2;
	s19 =	simm.s32 $0xEF40;
	[smem:$0x7FC] =	sst s30  }
0x2d: {  	v0 =	vlaneseq.u32;
	v1 =	vimm.s32 $0x0;
	v3 =	vimm.f32 $0.0e+00;
	s20 =	simm.s32 $0x4;
	s2 =	sadd.s32 $0x3E80, s7;
	[smem:$0x7FD] =	sst s31  }
0x2e: {  	vm0 =	vmor vm1, vm0;
	v2 =	vand.u32 $0x7, v0;
	v4 =	vmul.u32 $0x8, v0;
	s25 =	simm.s32 $0x0;
	s8 =	simm.s32 $0x3000;
	[dreg:$0x13] =	wrdreg s2  }
.LBB2_41:
0x2f: {  	s25 =	sadd.s32 $0x1, s25;
	s0 =	rddreg [dreg:$0x12]  }
0x30: {  	p1 =	sne.s32 s25, s0  }
.Ltmp1:
0x31: {  	_ = 	snop;
	(pc) =	sbr.rel @!p1 .LBB2_42-.Ltmp1, $1  }
0x32: {  	_ =	sdelay $0x3  }
.LBB2_1:
0x33: {  	v5 =	vmov s3  }
0x34: {  	vm1 =	veq.s32 v5, v0  }
0x35: {  	vm1 =	vmand vm1, vm0  }
0x36: {  	v5 =	vsel vm1, $0xFFFFFFFF, v1  }
0x37: {  	v5 =	vshll.u32 v5, $0x3  }
0x38: {  	s26 =	simm.s32 $0x10;
	v5 =	vadd.s32 s3, v5  }
0x39: {  	v6 =	vmov s26;
	v5 =	vadd.s32 v0, v5  }
0x3a: {  	vm1 =	veq.s32 v6, v0;
	v5 =	vand.u32 $0xFFFFFFF8, v5  }
0x3b: {  	vm1 =	vmand vm1, vm0;
	v5 =	vor.u32 v2, v5  }
0x3c: {  	v6 =	vsel vm1, $0xFFFFFFFF, v1  }
0x3d: {  	v6 =	vshll.u32 v6, $0x3  }
0x3e: {  	s0 =	simm.s32 $0x20;
	v6 =	vadd.s32 s26, v6  }
.LBB2_2:
0x3f: {  	v7 =	vmov s0;
	p1 =	sne.s32 s0, $0x1F30;
	v6 =	vadd.s32 v0, v6;
	s26 =	smov.u32 s0;
	s0 =	sadd.s32 $0x10, s0  }
.Ltmp2:
0x40: {  	vm1 =	veq.s32 v7, v0;
	v6 =	vand.u32 $0xFFFFFFF8, v6;
	[tilespmem:v5+s23+$0x0] =	vst.idx.msk $0xffff, v3;
	(pc) =	sbr.rel @p1 .LBB2_2-.Ltmp2, $4  }
0x41: {  	vm1 =	vmand vm1, vm0;
	v5 =	vor.u32 v2, v6  }
0x42: {  	v6 =	vsel vm1, $0xFFFFFFFF, v1  }
0x43: {  	v6 =	vshll.u32 v6, $0x3  }
0x44: {  	v6 =	vadd.s32 s26, v6  }
0x45: {  	s0 =	simm.s32 $0x0  }
0x46: {  	v7 =	vmov s0  }
0x47: {  	vm1 =	veq.s32 v7, v0  }
0x48: {  	vm1 =	vmand vm1, vm0  }
0x49: {  	v7 =	vsel vm1, $0xFFFFFFFF, v1  }
0x4a: {  	v6 =	vadd.s32 v0, v6;
	v7 =	vshll.u32 v7, $0x3  }
0x4b: {  	s26 =	simm.s32 $0x10;
	v6 =	vand.u32 $0xFFFFFFF8, v6;
	v7 =	vadd.s32 s0, v7  }
0x4c: {  	v8 =	vmov s26;
	v6 =	vor.u32 v2, v6;
	v7 =	vadd.s32 v0, v7  }
0x4d: {  	[tilespmem:v5+s23+$0x0] =	vst.idx.msk $0xffff, v3;
	vm1 =	veq.s32 v8, v0;
	v5 =	vand.u32 $0xFFFFFFF8, v7  }
0x4e: {  	vm1 =	vmand vm1, vm0;
	v5 =	vor.u32 v2, v5  }
0x4f: {  	v8 =	vsel vm1, $0xFFFFFFFF, v1  }
0x50: {  	v7 =	vshll.u32 v8, $0x3  }
0x51: {  	s0 =	simm.s32 $0x20;
	[tilespmem:v6+s23+$0x0] =	vst.idx.msk $0xffff, v3;
	v6 =	vadd.s32 s26, v7  }
.LBB2_4:
0x52: {  	v7 =	vmov s0;
	v6 =	vadd.s32 v0, v6;
	s26 =	smov.u32 s0;
	p1 =	sne.s32 s0, $0x3FF0  }
.Ltmp3:
0x53: {  	s0 =	sadd.s32 $0x10, s0;
	vm1 =	veq.s32 v7, v0;
	v6 =	vand.u32 $0xFFFFFFF8, v6;
	[tilespmem:v5+s24+$0x0] =	vst.idx.msk $0xffff, v3;
	(pc) =	sbr.rel @p1 .LBB2_4-.Ltmp3, $4  }
0x54: {  	vm1 =	vmand vm1, vm0;
	[tilespmem:v5+s22+$0x0] =	vst.idx.msk $0xffff, v3;
	v5 =	vor.u32 v2, v6  }
0x55: {  	v6 =	vsel vm1, $0xFFFFFFFF, v1  }
0x56: {  	v6 =	vshll.u32 v6, $0x3  }
0x57: {  	v6 =	vadd.s32 s26, v6  }
0x58: {  	v6 =	vadd.s32 v0, v6  }
0x59: {  	v6 =	vand.u32 $0xFFFFFFF8, v6  }
0x5a: {  	v6 =	vor.u32 v2, v6;
	_ =	sdelay $0x2  }
0x5b: {  	[tilespmem:v5+s24+$0x0] =	vst.idx.msk $0xffff, v3  }
0x5c: {  	[tilespmem:v5+s22+$0x0] =	vst.idx.msk $0xffff, v3  }
0x5d: {  	[tilespmem:v6+s24+$0x0] =	vst.idx.msk $0xffff, v3  }
0x5e: {  	s0 =	simm.s32 @!p0 $0xD000;
	s26 =	simm.s32 @!p0 $0x4;
	[tilespmem:v6+s22+$0x0] =	vst.idx.msk $0xffff, v3  }
0x5f: {  	[spmem:s7] =	stream.linear.scatter @!p0 [tilespmem:s0], [sflag:$0x4], $0x1F40, $0x38;
	[tilespmem:$0x1F8E0] =	vst v63  }
0x60: {  	_ =	swait.ge @!p0 [sflag:s26], $0x1F40  }
0x61: {  	[sflag:s26] =	ssyncset.done @!p0 $0x0  }
0x62: {  	s2 =	rddreg [dreg:$0x3];
	[sflag:s26] =	ssyncadd.s32 @!p0 $0xFFFFE0C0  }
0x63: {  	[spmem:s2] =	stream.linear.scatter @!p0 [tilespmem:s0], [sflag:$0x4], $0x1F40, $0x38;
	[tilespmem:$0x1F8E0] =	vst v63  }
0x64: {  	_ =	swait.ge @!p0 [sflag:s26], $0x1F40  }
0x65: {  	[sflag:s26] =	ssyncset.done @!p0 $0x0  }
0x66: {  	s2 =	rddreg [dreg:$0x13];
	[sflag:s26] =	ssyncadd.s32 @!p0 $0xFFFFE0C0  }
0x67: {  	[spmem:s2] =	stream.linear.scatter @!p0 [tilespmem:s0], [sflag:$0x4], $0x1F40, $0x38;
	[tilespmem:$0x1F8E0] =	vst v63  }
0x68: {  	_ =	swait.ge @!p0 [sflag:s26], $0x1F40  }
0x69: {  	[sflag:s26] =	ssyncset.done @!p0 $0x0  }
0x6a: {  	s2 =	rddreg [dreg:$0x14];
	[sflag:s26] =	ssyncadd.s32 @!p0 $0xFFFFE0C0  }
0x6b: {  	[spmem:s2] =	stream.linear.scatter @!p0 [tilespmem:s0], [sflag:$0x4], $0x1F40, $0x38;
	[tilespmem:$0x1F8E0] =	vst v63  }
0x6c: {  	_ =	swait.ge @!p0 [sflag:s26], $0x1F40  }
0x6d: {  	[sflag:s26] =	ssyncset.done @!p0 $0x0  }
0x6e: {  	s2 =	rddreg [dreg:$0x15];
	[sflag:s26] =	ssyncadd.s32 @!p0 $0xFFFFE0C0  }
0x6f: {  	[spmem:s2] =	stream.linear.scatter @!p0 [tilespmem:s0], [sflag:$0x4], $0x1F40, $0x38;
	[tilespmem:$0x1F8E0] =	vst v63  }
0x70: {  	_ =	swait.ge @!p0 [sflag:s26], $0x1F40  }
0x71: {  	[sflag:s26] =	ssyncset.done @!p0 $0x0  }
0x72: {  	s2 =	rddreg [dreg:$0x16];
	[sflag:s26] =	ssyncadd.s32 @!p0 $0xFFFFE0C0  }
0x73: {  	[spmem:s2] =	stream.linear.scatter @!p0 [tilespmem:s0], [sflag:$0x4], $0x1F40, $0x38;
	[tilespmem:$0x1F8E0] =	vst v63  }
0x74: {  	_ =	swait.ge @!p0 [sflag:s26], $0x1F40  }
0x75: {  	[sflag:s26] =	ssyncset.done @!p0 $0x0  }
0x76: {  	s2 =	rddreg [dreg:$0x17];
	[sflag:s26] =	ssyncadd.s32 @!p0 $0xFFFFE0C0  }
0x77: {  	[spmem:s2] =	stream.linear.scatter @!p0 [tilespmem:s0], [sflag:$0x4], $0x1F40, $0x38;
	[tilespmem:$0x1F8E0] =	vst v63  }
0x78: {  	_ =	swait.ge @!p0 [sflag:s26], $0x1F40  }
0x79: {  	[sflag:s26] =	ssyncset.done @!p0 $0x0  }
0x7a: {  	s2 =	rddreg [dreg:$0x18];
	[sflag:s26] =	ssyncadd.s32 @!p0 $0xFFFFE0C0  }
0x7b: {  	[spmem:s2] =	stream.linear.scatter @!p0 [tilespmem:s0], [sflag:$0x4], $0x1F40, $0x38;
	[tilespmem:$0x1F8E0] =	vst v63  }
0x7c: {  	_ =	swait.ge @!p0 [sflag:s26], $0x1F40  }
0x7d: {  	[sflag:s26] =	ssyncset.done @!p0 $0x0  }
0x7e: {  	s2 =	rddreg [dreg:$0x19];
	[sflag:s26] =	ssyncadd.s32 @!p0 $0xFFFFE0C0  }
0x7f: {  	[spmem:s2] =	stream.linear.scatter @!p0 [tilespmem:s0], [sflag:$0x4], $0x1F40, $0x38;
	[tilespmem:$0x1F8E0] =	vst v63  }
0x80: {  	_ =	swait.ge @!p0 [sflag:s26], $0x1F40  }
0x81: {  	[sflag:s26] =	ssyncset.done @!p0 $0x0  }
0x82: {  	s2 =	rddreg [dreg:$0x1a];
	[sflag:s26] =	ssyncadd.s32 @!p0 $0xFFFFE0C0  }
0x83: {  	[spmem:s2] =	stream.linear.scatter @!p0 [tilespmem:s0], [sflag:$0x4], $0x1F40, $0x38;
	[tilespmem:$0x1F8E0] =	vst v63  }
0x84: {  	_ =	swait.ge @!p0 [sflag:s26], $0x1F40  }
0x85: {  	[sflag:s26] =	ssyncset.done @!p0 $0x0  }
0x86: {  	[sflag:s26] =	ssyncadd.s32 @!p0 $0xFFFFE0C0  }
0x87: {  	[bflag:$0x0] =	sbarrier.arrive $0xFFFF  }
0x88: {  	s26 =	simm.s32 $0x0;
	s21 =	rddreg [dreg:$0x4]  }
0x89: {  	[tilespmem:s26], [sflag:$0x1] =	stream.linear.gather [hbm4b:s21+s26], $0x800, $0x38;
	[tilespmem:$0x1F8E0] =	vst v63  }
0x8a: {  	s29 =	rddreg [dreg:$0xa]  }
0x8b: {  	[tilespmem:s12], [sflag:$0x1] =	stream.linear.gather [hbm4b:s29+s26], $0x800, $0x38;
	[tilespmem:$0x1F8E0] =	vst v63  }
0x8c: {  	s31 =	simm.s32 $0x1000;
	s30 =	rddreg [dreg:$0xb]  }
0x8d: {  	[tilespmem:s31], [sflag:$0x1] =	stream.linear.gather [hbm4b:s30+s26], $0x800, $0x38;
	[tilespmem:$0x1F8E0] =	vst v63  }
0x8e: {  	s21 =	rddreg [dreg:$0xc];
	s29 =	simm.s32 $0x1800  }
0x8f: {  	[tilespmem:s29], [sflag:$0x1] =	stream.linear.gather [hbm4b:s21+s26], $0x800, $0x38;
	[tilespmem:$0x1F8E0] =	vst v63  }
0x90: {  	s28 =	simm.s32 $0x0;
	s30 =	rddreg [dreg:$0xd];
	s31 =	simm.s32 $0x2000  }
0x91: {  	[tilespmem:s31], [sflag:$0x1] =	stream.linear.gather [hbm4b:s30+s26], $0x800, $0x38;
	[tilespmem:$0x1F8E0] =	vst v63  }
.LBB2_6:
0x92: {  	_ =	swait.ge [sflag:s13], $0x800  }
0x93: {  	[sflag:s13] =	ssyncset.done $0x0  }
0x94: {  	[sflag:s13] =	ssyncadd.s32 $0xFFFFF800  }
0x95: {  	_ =	swait.ge [sflag:s13], $0x800  }
0x96: {  	[sflag:s13] =	ssyncset.done $0x0  }
0x97: {  	[sflag:s13] =	ssyncadd.s32 $0xFFFFF800  }
0x98: {  	_ =	swait.ge [sflag:s13], $0x800  }
0x99: {  	[sflag:s13] =	ssyncset.done $0x0  }
0x9a: {  	[sflag:s13] =	ssyncadd.s32 $0xFFFFF800  }
0x9b: {  	_ =	swait.ge [sflag:s13], $0x800  }
0x9c: {  	[sflag:s13] =	ssyncset.done $0x0  }
0x9d: {  	[sflag:s13] =	ssyncadd.s32 $0xFFFFF800  }
0x9e: {  	_ =	swait.ge [sflag:s13], $0x800  }
0x9f: {  	[sflag:s13] =	ssyncset.done $0x0  }
0xa0: {  	s30 =	simm.s32 $0x0;
	[sflag:s13] =	ssyncadd.s32 $0xFFFFF800  }
0xa1: {  	v5 =	vld [tilespmem:s30+$0x1000]  }
0xa2: {  	v7 =	vld [tilespmem:s30+$0x800]  }
0xa3: {  	v9 =	vld [tilespmem:s30+$0x0]  }
0xa4: {  	v6 =	vmov s26  }
0xa5: {  	v6 =	vshll.u32 v6, $0x3  }
0xa6: {  	v6 =	vor.u32 v4, v6;
	v5 =	vadd.f32 v5, v5  }
0xa7: {  	v8 =	vadd.f32 v7, v7;
	v7 =	vor.u32 $0x1, v6  }
0xa8: {  	s0 =	simm.s32 $0x80;
	s29 =	simm.s32 $0x10;
	s31 =	simm.s32 $0x10;
	v10 =	vadd.f32 v9, v9;
	v9 =	vor.u32 $0x2, v6;
	[tilespmem:s30+$0x3800] =	vst v5  }
.LBB2_7:
0xa9: {  	p1 =	sne.s32 s0, $0x1FC0;
	[tilespmem:s30+$0x3000] =	vst v8;
	s2 =	smov.u32 s0;
	s0 =	sadd.s32 $0x40, s0  }
0xaa: {  	[tilespmem:s30+$0x2800] =	vst v10  }
0xab: {  	[tilespmem:v6+s24+$0x0] =	vst.idx.msk $0xffff, v10  }
0xac: {  	v10 =	vsub.f32 $0.0e+00, v10;
	[tilespmem:v7+s24+$0x0] =	vst.idx.msk $0xffff, v8  }
0xad: {  	v8 =	vsub.f32 $0.0e+00, v8;
	[tilespmem:v9+s24+$0x0] =	vst.idx.msk $0xffff, v5  }
0xae: {  	v5 =	vsub.f32 $0.0e+00, v5;
	[tilespmem:v6+s22+$0x0] =	vst.idx.msk $0xffff, v10  }
0xaf: {  	[tilespmem:v7+s22+$0x0] =	vst.idx.msk $0xffff, v8  }
0xb0: {  	[tilespmem:v9+s22+$0x0] =	vst.idx.msk $0xffff, v5  }
0xb1: {  	v5 =	vld [tilespmem:s30+$0x1800]  }
0xb2: {  	v6 =	vld [tilespmem:s30+$0x2000]  }
0xb3: {  	v7 =	vld [tilespmem:s29+$0x1000]  }
0xb4: {  	v8 =	vld [tilespmem:s29+$0x800]  }
0xb5: {  	v9 =	vld [tilespmem:s29+$0x0]  }
.Ltmp4:
0xb6: {  	v10 =	vmov s31;
	[tilespmem:s30+$0xC000] =	vst v5;
	(pc) =	sbr.rel @p1 .LBB2_7-.Ltmp4, $4  }
0xb7: {  	v10 =	vshll.u32 v10, $0x3;
	[tilespmem:s30+$0xC800] =	vst v6;
	s30 =	smov.u32 s29  }
0xb8: {  	v6 =	vor.u32 v4, v10;
	v5 =	vadd.f32 v7, v7  }
0xb9: {  	s29 =	sshra.s32 s2, $0x2;
	v7 =	vor.u32 $0x1, v6;
	v8 =	vadd.f32 v8, v8  }
0xba: {  	s31 =	sadd.s32 $0x10, s31;
	v10 =	vadd.f32 v9, v9;
	[tilespmem:s30+$0x3800] =	vst v5;
	v9 =	vor.u32 $0x2, v6  }
0xbb: {  	_ =	sdelay $0x1  }
0xbc: {  	[tilespmem:s30+$0x3000] =	vst v8  }
0xbd: {  	[tilespmem:s30+$0x2800] =	vst v10  }
0xbe: {  	[tilespmem:v6+s24+$0x0] =	vst.idx.msk $0xffff, v10  }
0xbf: {  	v60 =	vsub.f32 $0.0e+00, v10;
	[tilespmem:v7+s24+$0x0] =	vst.idx.msk $0xffff, v8  }
0xc0: {  	v61 =	vsub.f32 $0.0e+00, v8;
	[tilespmem:v9+s24+$0x0] =	vst.idx.msk $0xffff, v5  }
0xc1: {  	v5 =	vsub.f32 $0.0e+00, v5;
	[tilespmem:v6+s22+$0x0] =	vst.idx.msk $0xffff, v60  }
0xc2: {  	[tilespmem:v7+s22+$0x0] =	vst.idx.msk $0xffff, v61  }
0xc3: {  	[tilespmem:v9+s22+$0x0] =	vst.idx.msk $0xffff, v5  }
0xc4: {  	v5 =	vld [tilespmem:s30+$0x1800]  }
0xc5: {  	v6 =	vld [tilespmem:s30+$0x2000]  }
0xc6: {  	v7 =	vld [tilespmem:s29+$0x1000]  }
0xc7: {  	v8 =	vld [tilespmem:s29+$0x800]  }
0xc8: {  	v9 =	vld [tilespmem:s29+$0x0]  }
0xc9: {  	v62 =	vmov s31  }
0xca: {  	v10 =	vshll.u32 v62, $0x3  }
0xcb: {  	[tilespmem:s30+$0xC000] =	vst v5;
	v5 =	vadd.f32 v7, v7;
	v7 =	vor.u32 v4, v10  }
0xcc: {  	[tilespmem:s30+$0xC800] =	vst v6;
	v6 =	vadd.f32 v8, v8;
	v63 =	vor.u32 $0x1, v7  }
0xcd: {  	v9 =	vadd.f32 v9, v9;
	v10 =	vor.u32 $0x2, v7;
	[tilespmem:s29+$0x3800] =	vst v5  }
0xce: {  	[tilespmem:s29+$0x3000] =	vst v6  }
0xcf: {  	[tilespmem:s29+$0x2800] =	vst v9  }
0xd0: {  	[tilespmem:v7+s24+$0x0] =	vst.idx.msk $0xffff, v9  }
0xd1: {  	v9 =	vsub.f32 $0.0e+00, v9;
	[tilespmem:v63+s24+$0x0] =	vst.idx.msk $0xffff, v6  }
0xd2: {  	v6 =	vsub.f32 $0.0e+00, v6;
	[tilespmem:v10+s24+$0x0] =	vst.idx.msk $0xffff, v5  }
0xd3: {  	v5 =	vsub.f32 $0.0e+00, v5;
	[tilespmem:v7+s22+$0x0] =	vst.idx.msk $0xffff, v9  }
0xd4: {  	[tilespmem:v63+s22+$0x0] =	vst.idx.msk $0xffff, v6  }
0xd5: {  	[tilespmem:v10+s22+$0x0] =	vst.idx.msk $0xffff, v5  }
0xd6: {  	v5 =	vld [tilespmem:s29+$0x1800]  }
0xd7: {  	v6 =	vld [tilespmem:s29+$0x2000];
	_ =	sdelay $0x3  }
0xd8: {  	s0 =	sshll.u32 s28, $0x10;
	[tilespmem:s29+$0xC000] =	vst v5  }
0xd9: {  	s0 =	sor.u32 s10, s0;
	[tilespmem:s29+$0xC800] =	vst v6  }
0xda: {  	[spmem:s1] =	stream.indirect.scatter.add.f32 [tilespmem:s24], [sflag:$0x2], $0x8, s14, s12, $0xb8;
	[tilespmem:$0x1F8E0] =	vst v63  }
0xdb: {  	s0 =	sshrl.u32 s0, $0x3  }
0xdc: {  	[spmem:s1] =	stream.indirect.scatter.add.f32 [tilespmem:s22], [sflag:$0x2], $0x8, s15, s12, $0xb8;
	[tilespmem:$0x1F8E0] =	vst v63  }
0xdd: {  	s0 =	sadd.s32 s6, s0  }
0xde: {  	[hbm4b:s0+s3] =	stream.linear.scatter [tilespmem:s16], [sflag:$0x3], $0x800, $0x38;
	[tilespmem:$0x1F8E0] =	vst v63  }
0xdf: {  	s28 =	sadd.s32 $0x1, s28;
	s2 =	sadd.s32 $0xC3500, s0  }
0xe0: {  	[hbm4b:s2+s3] =	stream.linear.scatter [tilespmem:s8], [sflag:$0x3], $0x800, $0x38;
	[tilespmem:$0x1F8E0] =	vst v63  }
0xe1: {  	p1 =	sge.u32 s28, s9;
	s0 =	sadd.s32 $0x186A00, s0  }
0xe2: {  	[hbm4b:s0+s3] =	stream.linear.scatter [tilespmem:s11], [sflag:$0x3], $0x800, $0x38;
	[tilespmem:$0x1F8E0] =	vst v63  }
0xe3: {  	s0 =	sshll.u32 @!p1 s28, $0x10  }
0xe4: {  	s0 =	sor.u32 @!p1 s10, s0  }
0xe5: {  	s0 =	sshrl.u32 @!p1 s0, $0x3  }
0xe6: {  	s29 =	simm.s32 @!p1 $0x0;
	s2 =	sadd.s32 @!p1 s4, s0;
	s30 =	sadd.s32 @!p1 $0xC3500, s0  }
0xe7: {  	[tilespmem:s29], [sflag:$0x1] =	stream.linear.gather @!p1 [hbm4b:s2+s29], $0x800, $0x38;
	[tilespmem:$0x1F8E0] =	vst v63  }
0xe8: {  	s21 =	simm.s32 @!p1 $0x800;
	s31 =	sadd.s32 @!p1 s4, s30  }
0xe9: {  	[tilespmem:s21], [sflag:$0x1] =	stream.linear.gather @!p1 [hbm4b:s31+s29], $0x800, $0x38;
	[tilespmem:$0x1F8E0] =	vst v63  }
0xea: {  	s2 =	sadd.s32 @!p1 $0x186A00, s2;
	s21 =	simm.s32 @!p1 $0x1000  }
0xeb: {  	[tilespmem:s21], [sflag:$0x1] =	stream.linear.gather @!p1 [hbm4b:s2+s29], $0x800, $0x38;
	[tilespmem:$0x1F8E0] =	vst v63  }
0xec: {  	s0 =	sadd.s32 @!p1 s5, s0;
	s2 =	simm.s32 @!p1 $0x1800  }
0xed: {  	[tilespmem:s2], [sflag:$0x1] =	stream.linear.gather @!p1 [hbm4b:s0+s29], $0x800, $0x38;
	[tilespmem:$0x1F8E0] =	vst v63  }
0xee: {  	s0 =	sadd.s32 @!p1 s5, s30;
	s2 =	simm.s32 @!p1 $0x2000  }
0xef: {  	[tilespmem:s2], [sflag:$0x1] =	stream.linear.gather @!p1 [hbm4b:s0+s29], $0x800, $0x38;
	[tilespmem:$0x1F8E0] =	vst v63  }
0xf0: {  	_ =	swait.ge [sflag:s17], $0x4000  }
0xf1: {  	[sflag:s17] =	ssyncset.done $0x0  }
0xf2: {  	[sflag:s17] =	ssyncadd.s32 $0xFFFFC000  }
0xf3: {  	_ =	swait.ge [sflag:s17], $0x4000  }
0xf4: {  	[sflag:s17] =	ssyncset.done $0x0  }
0xf5: {  	[sflag:s17] =	ssyncadd.s32 $0xFFFFC000  }
0xf6: {  	_ =	swait.ge [sflag:s18], $0x800  }
0xf7: {  	[sflag:s18] =	ssyncset.done $0x0  }
0xf8: {  	[sflag:s18] =	ssyncadd.s32 $0xFFFFF800  }
0xf9: {  	p1 =	sne.s32 s28, s9;
	_ =	swait.ge [sflag:s18], $0x800  }
.Ltmp5:
0xfa: {  	[sflag:s18] =	ssyncset.done $0x0;
	(pc) =	sbr.rel @p1 .LBB2_6-.Ltmp5, $4  }
0xfb: {  	[sflag:s18] =	ssyncadd.s32 $0xFFFFF800  }
0xfc: {  	_ =	swait.ge [sflag:s18], $0x800  }
0xfd: {  	[sflag:s18] =	ssyncset.done $0x0  }
0xfe: {  	[sflag:s18] =	ssyncadd.s32 $0xFFFFF800  }
.Ltmp6:
0xff: {  	(pc) =	sbr.rel @p0 .LBB2_41-.Ltmp6, $2  }
0x100: {  	_ =	sdelay $0x1  }
0x101: {  	[bflag:$0x0] =	sbarrier.arrive $0xFFFF;
	_ =	sdelay $0x1  }
0x102: {  	s0 =	simm.s32 $0x0  }
0x103: {  	v5 =	vmov s0  }
0x104: {  	v5 =	vshll.u32 v5, $0x3  }
0x105: {  	v5 =	vor.u32 v4, v5  }
0x106: {  	[tilespmem:s19], [sflag:$0x4] =	stream.linear.gather [spmem:s7], $0x3E80, $0x38;
	[tilespmem:$0x1F8E0] =	vst v63  }
0x107: {  	_ =	swait.ge [sflag:s20], $0x3E80  }
0x108: {  	s31 =	simm.s32 $0x10;
	[sflag:s20] =	ssyncset.done $0x0  }
0x109: {  	v6 =	vmov s31;
	[sflag:s20] =	ssyncadd.s32 $0xFFFFC180  }
0x10a: {  	v6 =	vshll.u32 v6, $0x3;
	v5 =	vld.idx.msk [tilespmem:v5+s19+$0x0], $0xffff  }
0x10b: {  	v7 =	vor.u32 v4, v6;
	_ =	sdelay $0x2  }
0x10c: {  	s0 =	simm.s32 $0x12DC0  }
0x10d: {  	s2 =	simm.s32 $0x20;
	[tilespmem:s0+$0x0] =	vst v5  }
0x10e: {  	s26 =	simm.s32 $0x30;
	v6 =	vmov s2;
	v5 =	vld.idx.msk [tilespmem:v7+s19+$0x0], $0xffff  }
.LBB2_11:
0x10f: {  	p1 =	sne.s32 s26, $0x7C0;
	v6 =	vshll.u32 v6, $0x3  }
0x110: {  	v7 =	vor.u32 v4, v6  }
.Ltmp7:
0x111: {  	(pc) =	sbr.rel @p1 .LBB2_11-.Ltmp7, $4  }
0x112: {  	_ = 	snop  }
0x113: {  	s0 =	sadd.s32 $0x10, s0  }
0x114: {  	[tilespmem:s0+$0x0] =	vst v5  }
0x115: {  	v6 =	vmov s26;
	s26 =	sadd.s32 $0x10, s26;
	v5 =	vld.idx.msk [tilespmem:v7+s19+$0x0], $0xffff  }
0x116: {  	v6 =	vshll.u32 v6, $0x3  }
0x117: {  	v6 =	vor.u32 v4, v6;
	_ =	sdelay $0x2  }
0x118: {  	s0 =	sadd.s32 $0x10, s0  }
0x119: {  	[tilespmem:s0+$0x0] =	vst v5  }
0x11a: {  	v5 =	vld.idx.msk [tilespmem:v6+s19+$0x0], $0xffff  }
0x11b: {  	s2 =	simm.s32 $0x0  }
0x11c: {  	v6 =	vmov s2  }
0x11d: {  	v6 =	vshll.u32 v6, $0x3  }
0x11e: {  	s0 =	sadd.s32 $0x10, s0;
	v6 =	vor.u32 v4, v6  }
0x11f: {  	s21 =	rddreg [dreg:$0x5];
	[tilespmem:s0+$0x0] =	vst v5;
	s0 =	simm.s32 $0x12DC0;
	v5 =	vor.u32 $0x1, v6  }
0x120: {  	[hbm4b:s21+s2] =	stream.linear.scatter [tilespmem:s0], [sflag:$0x4], $0x7D0, $0x38;
	[tilespmem:$0x1F8E0] =	vst v63  }
0x121: {  	_ =	swait.ge [sflag:s20], $0x7D0  }
0x122: {  	[sflag:s20] =	ssyncset.done $0x0  }
0x123: {  	s30 =	simm.s32 $0x10;
	[sflag:s20] =	ssyncadd.s32 $0xFFFFF830  }
0x124: {  	v7 =	vld.idx.msk [tilespmem:v5+s19+$0x0], $0xffff;
	v5 =	vmov s30  }
0x125: {  	v5 =	vshll.u32 v5, $0x3  }
0x126: {  	v5 =	vor.u32 v4, v5  }
0x127: {  	v5 =	vor.u32 $0x1, v5;
	_ =	sdelay $0x2  }
0x128: {  	s31 =	simm.s32 $0x20  }
0x129: {  	s26 =	simm.s32 $0x30;
	v6 =	vmov s31;
	[tilespmem:s0+$0x0] =	vst v7  }
.LBB2_13:
0x12a: {  	p1 =	sne.s32 s26, $0x7C0;
	v6 =	vshll.u32 v6, $0x3;
	v7 =	vld.idx.msk [tilespmem:v5+s19+$0x0], $0xffff  }
0x12b: {  	v5 =	vor.u32 v4, v6  }
.Ltmp8:
0x12c: {  	v5 =	vor.u32 $0x1, v5;
	(pc) =	sbr.rel @p1 .LBB2_13-.Ltmp8, $3  }
0x12d: {  	_ =	sdelay $0x1  }
0x12e: {  	s0 =	sadd.s32 $0x10, s0  }
0x12f: {  	v6 =	vmov s26;
	s26 =	sadd.s32 $0x10, s26;
	[tilespmem:s0+$0x0] =	vst v7  }
0x130: {  	_ =	sdelay $0x2  }
0x131: {  	v6 =	vshll.u32 v6, $0x3  }
0x132: {  	v5 =	vld.idx.msk [tilespmem:v5+s19+$0x0], $0xffff;
	v6 =	vor.u32 v4, v6  }
0x133: {  	v6 =	vor.u32 $0x1, v6;
	_ =	sdelay $0x2  }
0x134: {  	s0 =	sadd.s32 $0x10, s0  }
0x135: {  	[tilespmem:s0+$0x0] =	vst v5  }
0x136: {  	v5 =	vld.idx.msk [tilespmem:v6+s19+$0x0], $0xffff  }
0x137: {  	s2 =	simm.s32 $0x0  }
0x138: {  	v6 =	vmov s2  }
0x139: {  	v6 =	vshll.u32 v6, $0x3  }
0x13a: {  	s0 =	sadd.s32 $0x10, s0;
	v6 =	vor.u32 v4, v6  }
0x13b: {  	s21 =	rddreg [dreg:$0x1b];
	[tilespmem:s0+$0x0] =	vst v5;
	s0 =	simm.s32 $0x12DC0;
	v5 =	vor.u32 $0x2, v6  }
0x13c: {  	[hbm4b:s21+s2] =	stream.linear.scatter [tilespmem:s0], [sflag:$0x4], $0x7D0, $0x38;
	[tilespmem:$0x1F8E0] =	vst v63  }
0x13d: {  	_ =	swait.ge [sflag:s20], $0x7D0  }
0x13e: {  	[sflag:s20] =	ssyncset.done $0x0  }
0x13f: {  	s30 =	simm.s32 $0x10;
	[sflag:s20] =	ssyncadd.s32 $0xFFFFF830  }
0x140: {  	v7 =	vld.idx.msk [tilespmem:v5+s19+$0x0], $0xffff;
	v5 =	vmov s30  }
0x141: {  	v5 =	vshll.u32 v5, $0x3  }
0x142: {  	v5 =	vor.u32 v4, v5  }
0x143: {  	v5 =	vor.u32 $0x2, v5;
	_ =	sdelay $0x2  }
0x144: {  	s31 =	simm.s32 $0x20  }
0x145: {  	s26 =	simm.s32 $0x30;
	v6 =	vmov s31;
	[tilespmem:s0+$0x0] =	vst v7  }
.LBB2_15:
0x146: {  	p1 =	sne.s32 s26, $0x7C0;
	v6 =	vshll.u32 v6, $0x3;
	v7 =	vld.idx.msk [tilespmem:v5+s19+$0x0], $0xffff  }
0x147: {  	v5 =	vor.u32 v4, v6  }
.Ltmp9:
0x148: {  	v5 =	vor.u32 $0x2, v5;
	(pc) =	sbr.rel @p1 .LBB2_15-.Ltmp9, $3  }
0x149: {  	_ =	sdelay $0x1  }
0x14a: {  	s0 =	sadd.s32 $0x10, s0  }
0x14b: {  	v6 =	vmov s26;
	s26 =	sadd.s32 $0x10, s26;
	[tilespmem:s0+$0x0] =	vst v7  }
0x14c: {  	_ =	sdelay $0x2  }
0x14d: {  	v6 =	vshll.u32 v6, $0x3  }
0x14e: {  	v5 =	vld.idx.msk [tilespmem:v5+s19+$0x0], $0xffff;
	v6 =	vor.u32 v4, v6  }
0x14f: {  	v6 =	vor.u32 $0x2, v6;
	_ =	sdelay $0x2  }
0x150: {  	s0 =	sadd.s32 $0x10, s0  }
0x151: {  	[tilespmem:s0+$0x0] =	vst v5  }
0x152: {  	v5 =	vld.idx.msk [tilespmem:v6+s19+$0x0], $0xffff;
	_ =	sdelay $0x3  }
0x153: {  	s0 =	sadd.s32 $0x10, s0  }
0x154: {  	s2 =	simm.s32 $0x0;
	s21 =	rddreg [dreg:$0x1c];
	[tilespmem:s0+$0x0] =	vst v5;
	s0 =	simm.s32 $0x12DC0  }
0x155: {  	[hbm4b:s21+s2] =	stream.linear.scatter [tilespmem:s0], [sflag:$0x4], $0x7D0, $0x38;
	[tilespmem:$0x1F8E0] =	vst v63  }
0x156: {  	v5 =	vmov s2;
	_ =	swait.ge [sflag:s20], $0x7D0  }
0x157: {  	v5 =	vshll.u32 v5, $0x3;
	[sflag:s20] =	ssyncset.done $0x0  }
0x158: {  	v5 =	vor.u32 v4, v5;
	s29 =	rddreg [dreg:$0xe];
	[sflag:s20] =	ssyncadd.s32 $0xFFFFF830  }
0x159: {  	[tilespmem:s19], [sflag:$0x4] =	stream.linear.gather [spmem:s29], $0x3E80, $0x38;
	[tilespmem:$0x1F8E0] =	vst v63  }
0x15a: {  	_ =	swait.ge [sflag:s20], $0x3E80  }
0x15b: {  	s30 =	simm.s32 $0x10;
	[sflag:s20] =	ssyncset.done $0x0  }
0x15c: {  	v6 =	vmov s30;
	[sflag:s20] =	ssyncadd.s32 $0xFFFFC180  }
0x15d: {  	v6 =	vshll.u32 v6, $0x3;
	v5 =	vld.idx.msk [tilespmem:v5+s19+$0x0], $0xffff  }
0x15e: {  	v7 =	vor.u32 v4, v6;
	_ =	sdelay $0x3  }
0x15f: {  	s31 =	simm.s32 $0x20;
	[tilespmem:s0+$0x0] =	vst v5  }
0x160: {  	s26 =	simm.s32 $0x30;
	v6 =	vmov s31;
	v5 =	vld.idx.msk [tilespmem:v7+s19+$0x0], $0xffff  }
.LBB2_17:
0x161: {  	p1 =	sne.s32 s26, $0x7C0;
	v6 =	vshll.u32 v6, $0x3  }
0x162: {  	v7 =	vor.u32 v4, v6  }
.Ltmp10:
0x163: {  	(pc) =	sbr.rel @p1 .LBB2_17-.Ltmp10, $4  }
0x164: {  	_ = 	snop  }
0x165: {  	s0 =	sadd.s32 $0x10, s0  }
0x166: {  	[tilespmem:s0+$0x0] =	vst v5  }
0x167: {  	v6 =	vmov s26;
	s26 =	sadd.s32 $0x10, s26;
	v5 =	vld.idx.msk [tilespmem:v7+s19+$0x0], $0xffff  }
0x168: {  	v6 =	vshll.u32 v6, $0x3  }
0x169: {  	v6 =	vor.u32 v4, v6;
	_ =	sdelay $0x2  }
0x16a: {  	s0 =	sadd.s32 $0x10, s0  }
0x16b: {  	[tilespmem:s0+$0x0] =	vst v5  }
0x16c: {  	v5 =	vld.idx.msk [tilespmem:v6+s19+$0x0], $0xffff  }
0x16d: {  	s2 =	simm.s32 $0x0  }
0x16e: {  	v6 =	vmov s2  }
0x16f: {  	v6 =	vshll.u32 v6, $0x3  }
0x170: {  	s0 =	sadd.s32 $0x10, s0;
	v6 =	vor.u32 v4, v6  }
0x171: {  	s21 =	rddreg [dreg:$0x6];
	[tilespmem:s0+$0x0] =	vst v5;
	s0 =	simm.s32 $0x12DC0;
	v5 =	vor.u32 $0x1, v6  }
0x172: {  	[hbm4b:s21+s2] =	stream.linear.scatter [tilespmem:s0], [sflag:$0x4], $0x7D0, $0x38;
	[tilespmem:$0x1F8E0] =	vst v63  }
0x173: {  	_ =	swait.ge [sflag:s20], $0x7D0  }
0x174: {  	[sflag:s20] =	ssyncset.done $0x0  }
0x175: {  	s30 =	simm.s32 $0x10;
	[sflag:s20] =	ssyncadd.s32 $0xFFFFF830  }
0x176: {  	v7 =	vld.idx.msk [tilespmem:v5+s19+$0x0], $0xffff;
	v5 =	vmov s30  }
0x177: {  	v5 =	vshll.u32 v5, $0x3  }
0x178: {  	v5 =	vor.u32 v4, v5  }
0x179: {  	v5 =	vor.u32 $0x1, v5;
	_ =	sdelay $0x2  }
0x17a: {  	s31 =	simm.s32 $0x20  }
0x17b: {  	s26 =	simm.s32 $0x30;
	v6 =	vmov s31;
	[tilespmem:s0+$0x0] =	vst v7  }
.LBB2_19:
0x17c: {  	p1 =	sne.s32 s26, $0x7C0;
	v6 =	vshll.u32 v6, $0x3;
	v7 =	vld.idx.msk [tilespmem:v5+s19+$0x0], $0xffff  }
0x17d: {  	v5 =	vor.u32 v4, v6  }
.Ltmp11:
0x17e: {  	v5 =	vor.u32 $0x1, v5;
	(pc) =	sbr.rel @p1 .LBB2_19-.Ltmp11, $3  }
0x17f: {  	_ =	sdelay $0x1  }
0x180: {  	s0 =	sadd.s32 $0x10, s0  }
0x181: {  	v6 =	vmov s26;
	s26 =	sadd.s32 $0x10, s26;
	[tilespmem:s0+$0x0] =	vst v7  }
0x182: {  	_ =	sdelay $0x2  }
0x183: {  	v6 =	vshll.u32 v6, $0x3  }
0x184: {  	v5 =	vld.idx.msk [tilespmem:v5+s19+$0x0], $0xffff;
	v6 =	vor.u32 v4, v6  }
0x185: {  	v6 =	vor.u32 $0x1, v6;
	_ =	sdelay $0x2  }
0x186: {  	s0 =	sadd.s32 $0x10, s0  }
0x187: {  	[tilespmem:s0+$0x0] =	vst v5  }
0x188: {  	v5 =	vld.idx.msk [tilespmem:v6+s19+$0x0], $0xffff  }
0x189: {  	s2 =	simm.s32 $0x0  }
0x18a: {  	v6 =	vmov s2  }
0x18b: {  	v6 =	vshll.u32 v6, $0x3  }
0x18c: {  	s0 =	sadd.s32 $0x10, s0;
	v6 =	vor.u32 v4, v6  }
0x18d: {  	s21 =	rddreg [dreg:$0x1d];
	[tilespmem:s0+$0x0] =	vst v5;
	s0 =	simm.s32 $0x12DC0;
	v5 =	vor.u32 $0x2, v6  }
0x18e: {  	[hbm4b:s21+s2] =	stream.linear.scatter [tilespmem:s0], [sflag:$0x4], $0x7D0, $0x38;
	[tilespmem:$0x1F8E0] =	vst v63  }
0x18f: {  	_ =	swait.ge [sflag:s20], $0x7D0  }
0x190: {  	[sflag:s20] =	ssyncset.done $0x0  }
0x191: {  	s30 =	simm.s32 $0x10;
	[sflag:s20] =	ssyncadd.s32 $0xFFFFF830  }
0x192: {  	v7 =	vld.idx.msk [tilespmem:v5+s19+$0x0], $0xffff;
	v5 =	vmov s30  }
0x193: {  	v5 =	vshll.u32 v5, $0x3  }
0x194: {  	v5 =	vor.u32 v4, v5  }
0x195: {  	v5 =	vor.u32 $0x2, v5;
	_ =	sdelay $0x2  }
0x196: {  	s31 =	simm.s32 $0x20  }
0x197: {  	s26 =	simm.s32 $0x30;
	v6 =	vmov s31;
	[tilespmem:s0+$0x0] =	vst v7  }
.LBB2_21:
0x198: {  	p1 =	sne.s32 s26, $0x7C0;
	v6 =	vshll.u32 v6, $0x3;
	v7 =	vld.idx.msk [tilespmem:v5+s19+$0x0], $0xffff  }
0x199: {  	v5 =	vor.u32 v4, v6  }
.Ltmp12:
0x19a: {  	v5 =	vor.u32 $0x2, v5;
	(pc) =	sbr.rel @p1 .LBB2_21-.Ltmp12, $3  }
0x19b: {  	_ =	sdelay $0x1  }
0x19c: {  	s0 =	sadd.s32 $0x10, s0  }
0x19d: {  	v6 =	vmov s26;
	s26 =	sadd.s32 $0x10, s26;
	[tilespmem:s0+$0x0] =	vst v7  }
0x19e: {  	_ =	sdelay $0x2  }
0x19f: {  	v6 =	vshll.u32 v6, $0x3  }
0x1a0: {  	v5 =	vld.idx.msk [tilespmem:v5+s19+$0x0], $0xffff;
	v6 =	vor.u32 v4, v6  }
0x1a1: {  	v6 =	vor.u32 $0x2, v6;
	_ =	sdelay $0x2  }
0x1a2: {  	s0 =	sadd.s32 $0x10, s0  }
0x1a3: {  	[tilespmem:s0+$0x0] =	vst v5  }
0x1a4: {  	v5 =	vld.idx.msk [tilespmem:v6+s19+$0x0], $0xffff;
	_ =	sdelay $0x3  }
0x1a5: {  	s0 =	sadd.s32 $0x10, s0  }
0x1a6: {  	s2 =	simm.s32 $0x0;
	s21 =	rddreg [dreg:$0x1e];
	[tilespmem:s0+$0x0] =	vst v5;
	s0 =	simm.s32 $0x12DC0  }
0x1a7: {  	[hbm4b:s21+s2] =	stream.linear.scatter [tilespmem:s0], [sflag:$0x4], $0x7D0, $0x38;
	[tilespmem:$0x1F8E0] =	vst v63  }
0x1a8: {  	v5 =	vmov s2;
	_ =	swait.ge [sflag:s20], $0x7D0  }
0x1a9: {  	v5 =	vshll.u32 v5, $0x3;
	[sflag:s20] =	ssyncset.done $0x0  }
0x1aa: {  	v5 =	vor.u32 v4, v5;
	s29 =	rddreg [dreg:$0xf];
	[sflag:s20] =	ssyncadd.s32 $0xFFFFF830  }
0x1ab: {  	[tilespmem:s19], [sflag:$0x4] =	stream.linear.gather [spmem:s29], $0x3E80, $0x38;
	[tilespmem:$0x1F8E0] =	vst v63  }
0x1ac: {  	_ =	swait.ge [sflag:s20], $0x3E80  }
0x1ad: {  	s30 =	simm.s32 $0x10;
	[sflag:s20] =	ssyncset.done $0x0  }
0x1ae: {  	v6 =	vmov s30;
	[sflag:s20] =	ssyncadd.s32 $0xFFFFC180  }
0x1af: {  	v6 =	vshll.u32 v6, $0x3;
	v5 =	vld.idx.msk [tilespmem:v5+s19+$0x0], $0xffff  }
0x1b0: {  	v7 =	vor.u32 v4, v6;
	_ =	sdelay $0x3  }
0x1b1: {  	s31 =	simm.s32 $0x20;
	[tilespmem:s0+$0x0] =	vst v5  }
0x1b2: {  	s26 =	simm.s32 $0x30;
	v6 =	vmov s31;
	v5 =	vld.idx.msk [tilespmem:v7+s19+$0x0], $0xffff  }
.LBB2_23:
0x1b3: {  	p1 =	sne.s32 s26, $0x7C0;
	v6 =	vshll.u32 v6, $0x3  }
0x1b4: {  	v7 =	vor.u32 v4, v6  }
.Ltmp13:
0x1b5: {  	(pc) =	sbr.rel @p1 .LBB2_23-.Ltmp13, $4  }
0x1b6: {  	_ = 	snop  }
0x1b7: {  	s0 =	sadd.s32 $0x10, s0  }
0x1b8: {  	[tilespmem:s0+$0x0] =	vst v5  }
0x1b9: {  	v6 =	vmov s26;
	s26 =	sadd.s32 $0x10, s26;
	v5 =	vld.idx.msk [tilespmem:v7+s19+$0x0], $0xffff  }
0x1ba: {  	v6 =	vshll.u32 v6, $0x3  }
0x1bb: {  	v6 =	vor.u32 v4, v6;
	_ =	sdelay $0x2  }
0x1bc: {  	s0 =	sadd.s32 $0x10, s0  }
0x1bd: {  	[tilespmem:s0+$0x0] =	vst v5  }
0x1be: {  	v5 =	vld.idx.msk [tilespmem:v6+s19+$0x0], $0xffff  }
0x1bf: {  	s2 =	simm.s32 $0x0  }
0x1c0: {  	v6 =	vmov s2  }
0x1c1: {  	v6 =	vshll.u32 v6, $0x3  }
0x1c2: {  	s0 =	sadd.s32 $0x10, s0;
	v6 =	vor.u32 v4, v6  }
0x1c3: {  	s21 =	rddreg [dreg:$0x7];
	[tilespmem:s0+$0x0] =	vst v5;
	s0 =	simm.s32 $0x12DC0;
	v5 =	vor.u32 $0x1, v6  }
0x1c4: {  	[hbm4b:s21+s2] =	stream.linear.scatter [tilespmem:s0], [sflag:$0x4], $0x7D0, $0x38;
	[tilespmem:$0x1F8E0] =	vst v63  }
0x1c5: {  	_ =	swait.ge [sflag:s20], $0x7D0  }
0x1c6: {  	[sflag:s20] =	ssyncset.done $0x0  }
0x1c7: {  	s30 =	simm.s32 $0x10;
	[sflag:s20] =	ssyncadd.s32 $0xFFFFF830  }
0x1c8: {  	v7 =	vld.idx.msk [tilespmem:v5+s19+$0x0], $0xffff;
	v5 =	vmov s30  }
0x1c9: {  	v5 =	vshll.u32 v5, $0x3  }
0x1ca: {  	v5 =	vor.u32 v4, v5  }
0x1cb: {  	v5 =	vor.u32 $0x1, v5;
	_ =	sdelay $0x2  }
0x1cc: {  	s31 =	simm.s32 $0x20  }
0x1cd: {  	s26 =	simm.s32 $0x30;
	v6 =	vmov s31;
	[tilespmem:s0+$0x0] =	vst v7  }
.LBB2_25:
0x1ce: {  	p1 =	sne.s32 s26, $0x7C0;
	v6 =	vshll.u32 v6, $0x3;
	v7 =	vld.idx.msk [tilespmem:v5+s19+$0x0], $0xffff  }
0x1cf: {  	v5 =	vor.u32 v4, v6  }
.Ltmp14:
0x1d0: {  	v5 =	vor.u32 $0x1, v5;
	(pc) =	sbr.rel @p1 .LBB2_25-.Ltmp14, $3  }
0x1d1: {  	_ =	sdelay $0x1  }
0x1d2: {  	s0 =	sadd.s32 $0x10, s0  }
0x1d3: {  	v6 =	vmov s26;
	s26 =	sadd.s32 $0x10, s26;
	[tilespmem:s0+$0x0] =	vst v7  }
0x1d4: {  	_ =	sdelay $0x2  }
0x1d5: {  	v6 =	vshll.u32 v6, $0x3  }
0x1d6: {  	v5 =	vld.idx.msk [tilespmem:v5+s19+$0x0], $0xffff;
	v6 =	vor.u32 v4, v6  }
0x1d7: {  	v6 =	vor.u32 $0x1, v6;
	_ =	sdelay $0x2  }
0x1d8: {  	s0 =	sadd.s32 $0x10, s0  }
0x1d9: {  	[tilespmem:s0+$0x0] =	vst v5  }
0x1da: {  	v5 =	vld.idx.msk [tilespmem:v6+s19+$0x0], $0xffff  }
0x1db: {  	s2 =	simm.s32 $0x0  }
0x1dc: {  	v6 =	vmov s2  }
0x1dd: {  	v6 =	vshll.u32 v6, $0x3  }
0x1de: {  	s0 =	sadd.s32 $0x10, s0;
	v6 =	vor.u32 v4, v6  }
0x1df: {  	s21 =	rddreg [dreg:$0x1f];
	[tilespmem:s0+$0x0] =	vst v5;
	s0 =	simm.s32 $0x12DC0;
	v5 =	vor.u32 $0x2, v6  }
0x1e0: {  	[hbm4b:s21+s2] =	stream.linear.scatter [tilespmem:s0], [sflag:$0x4], $0x7D0, $0x38;
	[tilespmem:$0x1F8E0] =	vst v63  }
0x1e1: {  	_ =	swait.ge [sflag:s20], $0x7D0  }
0x1e2: {  	[sflag:s20] =	ssyncset.done $0x0  }
0x1e3: {  	s30 =	simm.s32 $0x10;
	[sflag:s20] =	ssyncadd.s32 $0xFFFFF830  }
0x1e4: {  	v7 =	vld.idx.msk [tilespmem:v5+s19+$0x0], $0xffff;
	v5 =	vmov s30  }
0x1e5: {  	v5 =	vshll.u32 v5, $0x3  }
0x1e6: {  	v5 =	vor.u32 v4, v5  }
0x1e7: {  	v5 =	vor.u32 $0x2, v5;
	_ =	sdelay $0x2  }
0x1e8: {  	s31 =	simm.s32 $0x20  }
0x1e9: {  	s26 =	simm.s32 $0x30;
	v6 =	vmov s31;
	[tilespmem:s0+$0x0] =	vst v7  }
.LBB2_27:
0x1ea: {  	p1 =	sne.s32 s26, $0x7C0;
	v6 =	vshll.u32 v6, $0x3;
	v7 =	vld.idx.msk [tilespmem:v5+s19+$0x0], $0xffff  }
0x1eb: {  	v5 =	vor.u32 v4, v6  }
.Ltmp15:
0x1ec: {  	v5 =	vor.u32 $0x2, v5;
	(pc) =	sbr.rel @p1 .LBB2_27-.Ltmp15, $3  }
0x1ed: {  	_ =	sdelay $0x1  }
0x1ee: {  	s0 =	sadd.s32 $0x10, s0  }
0x1ef: {  	v6 =	vmov s26;
	s26 =	sadd.s32 $0x10, s26;
	[tilespmem:s0+$0x0] =	vst v7  }
0x1f0: {  	_ =	sdelay $0x2  }
0x1f1: {  	v6 =	vshll.u32 v6, $0x3  }
0x1f2: {  	v5 =	vld.idx.msk [tilespmem:v5+s19+$0x0], $0xffff;
	v6 =	vor.u32 v4, v6  }
0x1f3: {  	v6 =	vor.u32 $0x2, v6;
	_ =	sdelay $0x2  }
0x1f4: {  	s0 =	sadd.s32 $0x10, s0  }
0x1f5: {  	[tilespmem:s0+$0x0] =	vst v5  }
0x1f6: {  	v5 =	vld.idx.msk [tilespmem:v6+s19+$0x0], $0xffff;
	_ =	sdelay $0x2  }
0x1f7: {  	s21 =	sld [smem:$0x7F9]  }
0x1f8: {  	s0 =	sadd.s32 $0x10, s0  }
0x1f9: {  	s2 =	simm.s32 $0x0;
	[tilespmem:s0+$0x0] =	vst v5;
	s0 =	simm.s32 $0x12DC0  }
0x1fa: {  	[hbm4b:s21+s2] =	stream.linear.scatter [tilespmem:s0], [sflag:$0x4], $0x7D0, $0x38;
	[tilespmem:$0x1F8E0] =	vst v63  }
0x1fb: {  	v5 =	vmov s2;
	_ =	swait.ge [sflag:s20], $0x7D0  }
0x1fc: {  	v5 =	vshll.u32 v5, $0x3;
	[sflag:s20] =	ssyncset.done $0x0  }
0x1fd: {  	v5 =	vor.u32 v4, v5;
	s29 =	rddreg [dreg:$0x10];
	[sflag:s20] =	ssyncadd.s32 $0xFFFFF830  }
0x1fe: {  	[tilespmem:s19], [sflag:$0x4] =	stream.linear.gather [spmem:s29], $0x3E80, $0x38;
	[tilespmem:$0x1F8E0] =	vst v63  }
0x1ff: {  	_ =	swait.ge [sflag:s20], $0x3E80  }
0x200: {  	s30 =	simm.s32 $0x10;
	[sflag:s20] =	ssyncset.done $0x0  }
0x201: {  	v6 =	vmov s30;
	[sflag:s20] =	ssyncadd.s32 $0xFFFFC180  }
0x202: {  	v6 =	vshll.u32 v6, $0x3;
	v5 =	vld.idx.msk [tilespmem:v5+s19+$0x0], $0xffff  }
0x203: {  	v7 =	vor.u32 v4, v6;
	_ =	sdelay $0x3  }
0x204: {  	s31 =	simm.s32 $0x20;
	[tilespmem:s0+$0x0] =	vst v5  }
0x205: {  	s26 =	simm.s32 $0x30;
	v6 =	vmov s31;
	v5 =	vld.idx.msk [tilespmem:v7+s19+$0x0], $0xffff  }
.LBB2_29:
0x206: {  	p1 =	sne.s32 s26, $0x7C0;
	v6 =	vshll.u32 v6, $0x3  }
0x207: {  	v7 =	vor.u32 v4, v6  }
.Ltmp16:
0x208: {  	(pc) =	sbr.rel @p1 .LBB2_29-.Ltmp16, $4  }
0x209: {  	_ = 	snop  }
0x20a: {  	s0 =	sadd.s32 $0x10, s0  }
0x20b: {  	[tilespmem:s0+$0x0] =	vst v5  }
0x20c: {  	v6 =	vmov s26;
	s26 =	sadd.s32 $0x10, s26;
	v5 =	vld.idx.msk [tilespmem:v7+s19+$0x0], $0xffff  }
0x20d: {  	v6 =	vshll.u32 v6, $0x3  }
0x20e: {  	v6 =	vor.u32 v4, v6;
	_ =	sdelay $0x2  }
0x20f: {  	s0 =	sadd.s32 $0x10, s0  }
0x210: {  	[tilespmem:s0+$0x0] =	vst v5  }
0x211: {  	v5 =	vld.idx.msk [tilespmem:v6+s19+$0x0], $0xffff  }
0x212: {  	s2 =	simm.s32 $0x0  }
0x213: {  	v6 =	vmov s2  }
0x214: {  	v6 =	vshll.u32 v6, $0x3  }
0x215: {  	s0 =	sadd.s32 $0x10, s0;
	v6 =	vor.u32 v4, v6  }
0x216: {  	s21 =	rddreg [dreg:$0x8];
	[tilespmem:s0+$0x0] =	vst v5;
	s0 =	simm.s32 $0x12DC0;
	v5 =	vor.u32 $0x1, v6  }
0x217: {  	[hbm4b:s21+s2] =	stream.linear.scatter [tilespmem:s0], [sflag:$0x4], $0x7D0, $0x38;
	[tilespmem:$0x1F8E0] =	vst v63  }
0x218: {  	_ =	swait.ge [sflag:s20], $0x7D0  }
0x219: {  	[sflag:s20] =	ssyncset.done $0x0  }
0x21a: {  	s30 =	simm.s32 $0x10;
	[sflag:s20] =	ssyncadd.s32 $0xFFFFF830  }
0x21b: {  	v7 =	vld.idx.msk [tilespmem:v5+s19+$0x0], $0xffff;
	v5 =	vmov s30  }
0x21c: {  	v5 =	vshll.u32 v5, $0x3  }
0x21d: {  	v5 =	vor.u32 v4, v5  }
0x21e: {  	v5 =	vor.u32 $0x1, v5;
	_ =	sdelay $0x2  }
0x21f: {  	s31 =	simm.s32 $0x20  }
0x220: {  	s26 =	simm.s32 $0x30;
	v6 =	vmov s31;
	[tilespmem:s0+$0x0] =	vst v7  }
.LBB2_31:
0x221: {  	p1 =	sne.s32 s26, $0x7C0;
	v6 =	vshll.u32 v6, $0x3;
	v7 =	vld.idx.msk [tilespmem:v5+s19+$0x0], $0xffff  }
0x222: {  	v5 =	vor.u32 v4, v6  }
.Ltmp17:
0x223: {  	v5 =	vor.u32 $0x1, v5;
	(pc) =	sbr.rel @p1 .LBB2_31-.Ltmp17, $3  }
0x224: {  	_ =	sdelay $0x1  }
0x225: {  	s0 =	sadd.s32 $0x10, s0  }
0x226: {  	v6 =	vmov s26;
	s26 =	sadd.s32 $0x10, s26;
	[tilespmem:s0+$0x0] =	vst v7  }
0x227: {  	_ =	sdelay $0x2  }
0x228: {  	v6 =	vshll.u32 v6, $0x3  }
0x229: {  	v5 =	vld.idx.msk [tilespmem:v5+s19+$0x0], $0xffff;
	v6 =	vor.u32 v4, v6  }
0x22a: {  	v6 =	vor.u32 $0x1, v6;
	_ =	sdelay $0x2  }
0x22b: {  	s0 =	sadd.s32 $0x10, s0  }
0x22c: {  	[tilespmem:s0+$0x0] =	vst v5  }
0x22d: {  	v5 =	vld.idx.msk [tilespmem:v6+s19+$0x0], $0xffff  }
0x22e: {  	s2 =	simm.s32 $0x0  }
0x22f: {  	v6 =	vmov s2  }
0x230: {  	s21 =	sld [smem:$0x7FA];
	v6 =	vshll.u32 v6, $0x3  }
0x231: {  	s0 =	sadd.s32 $0x10, s0;
	v6 =	vor.u32 v4, v6  }
0x232: {  	[tilespmem:s0+$0x0] =	vst v5;
	s0 =	simm.s32 $0x12DC0;
	v5 =	vor.u32 $0x2, v6  }
0x233: {  	[hbm4b:s21+s2] =	stream.linear.scatter [tilespmem:s0], [sflag:$0x4], $0x7D0, $0x38;
	[tilespmem:$0x1F8E0] =	vst v63  }
0x234: {  	_ =	swait.ge [sflag:s20], $0x7D0  }
0x235: {  	[sflag:s20] =	ssyncset.done $0x0  }
0x236: {  	s30 =	simm.s32 $0x10;
	[sflag:s20] =	ssyncadd.s32 $0xFFFFF830  }
0x237: {  	v7 =	vld.idx.msk [tilespmem:v5+s19+$0x0], $0xffff;
	v5 =	vmov s30  }
0x238: {  	v5 =	vshll.u32 v5, $0x3  }
0x239: {  	v5 =	vor.u32 v4, v5  }
0x23a: {  	v5 =	vor.u32 $0x2, v5;
	_ =	sdelay $0x2  }
0x23b: {  	s31 =	simm.s32 $0x20  }
0x23c: {  	s26 =	simm.s32 $0x30;
	v6 =	vmov s31;
	[tilespmem:s0+$0x0] =	vst v7  }
.LBB2_33:
0x23d: {  	p1 =	sne.s32 s26, $0x7C0;
	v6 =	vshll.u32 v6, $0x3;
	v7 =	vld.idx.msk [tilespmem:v5+s19+$0x0], $0xffff  }
0x23e: {  	v5 =	vor.u32 v4, v6  }
.Ltmp18:
0x23f: {  	v5 =	vor.u32 $0x2, v5;
	(pc) =	sbr.rel @p1 .LBB2_33-.Ltmp18, $3  }
0x240: {  	_ =	sdelay $0x1  }
0x241: {  	s0 =	sadd.s32 $0x10, s0  }
0x242: {  	v6 =	vmov s26;
	s26 =	sadd.s32 $0x10, s26;
	[tilespmem:s0+$0x0] =	vst v7  }
0x243: {  	_ =	sdelay $0x2  }
0x244: {  	v6 =	vshll.u32 v6, $0x3  }
0x245: {  	v5 =	vld.idx.msk [tilespmem:v5+s19+$0x0], $0xffff;
	v6 =	vor.u32 v4, v6  }
0x246: {  	v6 =	vor.u32 $0x2, v6;
	_ =	sdelay $0x2  }
0x247: {  	s0 =	sadd.s32 $0x10, s0  }
0x248: {  	[tilespmem:s0+$0x0] =	vst v5  }
0x249: {  	v5 =	vld.idx.msk [tilespmem:v6+s19+$0x0], $0xffff;
	_ =	sdelay $0x2  }
0x24a: {  	s21 =	sld [smem:$0x7FB]  }
0x24b: {  	s0 =	sadd.s32 $0x10, s0  }
0x24c: {  	s2 =	simm.s32 $0x0;
	[tilespmem:s0+$0x0] =	vst v5;
	s0 =	simm.s32 $0x12DC0  }
0x24d: {  	[hbm4b:s21+s2] =	stream.linear.scatter [tilespmem:s0], [sflag:$0x4], $0x7D0, $0x38;
	[tilespmem:$0x1F8E0] =	vst v63  }
0x24e: {  	v5 =	vmov s2;
	_ =	swait.ge [sflag:s20], $0x7D0  }
0x24f: {  	v5 =	vshll.u32 v5, $0x3;
	[sflag:s20] =	ssyncset.done $0x0  }
0x250: {  	v5 =	vor.u32 v4, v5;
	s29 =	rddreg [dreg:$0x11];
	[sflag:s20] =	ssyncadd.s32 $0xFFFFF830  }
0x251: {  	[tilespmem:s19], [sflag:$0x4] =	stream.linear.gather [spmem:s29], $0x3E80, $0x38;
	[tilespmem:$0x1F8E0] =	vst v63  }
0x252: {  	_ =	swait.ge [sflag:s20], $0x3E80  }
0x253: {  	s30 =	simm.s32 $0x10;
	[sflag:s20] =	ssyncset.done $0x0  }
0x254: {  	v6 =	vmov s30;
	[sflag:s20] =	ssyncadd.s32 $0xFFFFC180  }
0x255: {  	v6 =	vshll.u32 v6, $0x3;
	v5 =	vld.idx.msk [tilespmem:v5+s19+$0x0], $0xffff  }
0x256: {  	v7 =	vor.u32 v4, v6;
	_ =	sdelay $0x3  }
0x257: {  	s31 =	simm.s32 $0x20;
	[tilespmem:s0+$0x0] =	vst v5  }
0x258: {  	s26 =	simm.s32 $0x30;
	v6 =	vmov s31;
	v5 =	vld.idx.msk [tilespmem:v7+s19+$0x0], $0xffff  }
.LBB2_35:
0x259: {  	p1 =	sne.s32 s26, $0x7C0;
	v6 =	vshll.u32 v6, $0x3  }
0x25a: {  	v7 =	vor.u32 v4, v6  }
.Ltmp19:
0x25b: {  	(pc) =	sbr.rel @p1 .LBB2_35-.Ltmp19, $4  }
0x25c: {  	_ = 	snop  }
0x25d: {  	s0 =	sadd.s32 $0x10, s0  }
0x25e: {  	[tilespmem:s0+$0x0] =	vst v5  }
0x25f: {  	v6 =	vmov s26;
	s26 =	sadd.s32 $0x10, s26;
	v5 =	vld.idx.msk [tilespmem:v7+s19+$0x0], $0xffff  }
0x260: {  	v6 =	vshll.u32 v6, $0x3  }
0x261: {  	v6 =	vor.u32 v4, v6;
	_ =	sdelay $0x2  }
0x262: {  	s0 =	sadd.s32 $0x10, s0  }
0x263: {  	[tilespmem:s0+$0x0] =	vst v5  }
0x264: {  	v5 =	vld.idx.msk [tilespmem:v6+s19+$0x0], $0xffff  }
0x265: {  	s2 =	simm.s32 $0x0  }
0x266: {  	v6 =	vmov s2  }
0x267: {  	v6 =	vshll.u32 v6, $0x3  }
0x268: {  	s0 =	sadd.s32 $0x10, s0;
	v6 =	vor.u32 v4, v6  }
0x269: {  	s21 =	rddreg [dreg:$0x9];
	[tilespmem:s0+$0x0] =	vst v5;
	s0 =	simm.s32 $0x12DC0;
	v5 =	vor.u32 $0x1, v6  }
0x26a: {  	[hbm4b:s21+s2] =	stream.linear.scatter [tilespmem:s0], [sflag:$0x4], $0x7D0, $0x38;
	[tilespmem:$0x1F8E0] =	vst v63  }
0x26b: {  	_ =	swait.ge [sflag:s20], $0x7D0  }
0x26c: {  	[sflag:s20] =	ssyncset.done $0x0  }
0x26d: {  	s30 =	simm.s32 $0x10;
	[sflag:s20] =	ssyncadd.s32 $0xFFFFF830  }
0x26e: {  	v7 =	vld.idx.msk [tilespmem:v5+s19+$0x0], $0xffff;
	v5 =	vmov s30  }
0x26f: {  	v5 =	vshll.u32 v5, $0x3  }
0x270: {  	v5 =	vor.u32 v4, v5  }
0x271: {  	v5 =	vor.u32 $0x1, v5;
	_ =	sdelay $0x2  }
0x272: {  	s31 =	simm.s32 $0x20  }
0x273: {  	s26 =	simm.s32 $0x30;
	v6 =	vmov s31;
	[tilespmem:s0+$0x0] =	vst v7  }
.LBB2_37:
0x274: {  	p1 =	sne.s32 s26, $0x7C0;
	v6 =	vshll.u32 v6, $0x3;
	v7 =	vld.idx.msk [tilespmem:v5+s19+$0x0], $0xffff  }
0x275: {  	v5 =	vor.u32 v4, v6  }
.Ltmp20:
0x276: {  	v5 =	vor.u32 $0x1, v5;
	(pc) =	sbr.rel @p1 .LBB2_37-.Ltmp20, $3  }
0x277: {  	_ =	sdelay $0x1  }
0x278: {  	s0 =	sadd.s32 $0x10, s0  }
0x279: {  	v6 =	vmov s26;
	s26 =	sadd.s32 $0x10, s26;
	[tilespmem:s0+$0x0] =	vst v7  }
0x27a: {  	_ =	sdelay $0x2  }
0x27b: {  	v6 =	vshll.u32 v6, $0x3  }
0x27c: {  	v5 =	vld.idx.msk [tilespmem:v5+s19+$0x0], $0xffff;
	v6 =	vor.u32 v4, v6  }
0x27d: {  	v6 =	vor.u32 $0x1, v6;
	_ =	sdelay $0x2  }
0x27e: {  	s0 =	sadd.s32 $0x10, s0  }
0x27f: {  	[tilespmem:s0+$0x0] =	vst v5  }
0x280: {  	v5 =	vld.idx.msk [tilespmem:v6+s19+$0x0], $0xffff  }
0x281: {  	s2 =	simm.s32 $0x0  }
0x282: {  	v6 =	vmov s2  }
0x283: {  	s21 =	sld [smem:$0x7FC];
	v6 =	vshll.u32 v6, $0x3  }
0x284: {  	s0 =	sadd.s32 $0x10, s0;
	v6 =	vor.u32 v4, v6  }
0x285: {  	[tilespmem:s0+$0x0] =	vst v5;
	s0 =	simm.s32 $0x12DC0;
	v5 =	vor.u32 $0x2, v6  }
0x286: {  	[hbm4b:s21+s2] =	stream.linear.scatter [tilespmem:s0], [sflag:$0x4], $0x7D0, $0x38;
	[tilespmem:$0x1F8E0] =	vst v63  }
0x287: {  	_ =	swait.ge [sflag:s20], $0x7D0  }
0x288: {  	[sflag:s20] =	ssyncset.done $0x0  }
0x289: {  	s30 =	simm.s32 $0x10;
	[sflag:s20] =	ssyncadd.s32 $0xFFFFF830  }
0x28a: {  	v7 =	vld.idx.msk [tilespmem:v5+s19+$0x0], $0xffff;
	v5 =	vmov s30  }
0x28b: {  	v5 =	vshll.u32 v5, $0x3  }
0x28c: {  	v5 =	vor.u32 v4, v5  }
0x28d: {  	v5 =	vor.u32 $0x2, v5;
	_ =	sdelay $0x2  }
0x28e: {  	s31 =	simm.s32 $0x20  }
0x28f: {  	s26 =	simm.s32 $0x30;
	v6 =	vmov s31;
	[tilespmem:s0+$0x0] =	vst v7  }
.LBB2_39:
0x290: {  	p1 =	sne.s32 s26, $0x7C0;
	v6 =	vshll.u32 v6, $0x3;
	v7 =	vld.idx.msk [tilespmem:v5+s19+$0x0], $0xffff  }
0x291: {  	v5 =	vor.u32 v4, v6  }
.Ltmp21:
0x292: {  	v5 =	vor.u32 $0x2, v5;
	(pc) =	sbr.rel @p1 .LBB2_39-.Ltmp21, $3  }
0x293: {  	_ =	sdelay $0x1  }
0x294: {  	s0 =	sadd.s32 $0x10, s0  }
0x295: {  	v6 =	vmov s26;
	s26 =	sadd.s32 $0x10, s26;
	[tilespmem:s0+$0x0] =	vst v7  }
0x296: {  	_ =	sdelay $0x2  }
0x297: {  	v6 =	vshll.u32 v6, $0x3  }
0x298: {  	v5 =	vld.idx.msk [tilespmem:v5+s19+$0x0], $0xffff;
	v6 =	vor.u32 v4, v6  }
0x299: {  	v6 =	vor.u32 $0x2, v6;
	_ =	sdelay $0x2  }
0x29a: {  	s0 =	sadd.s32 $0x10, s0  }
0x29b: {  	[tilespmem:s0+$0x0] =	vst v5  }
0x29c: {  	v5 =	vld.idx.msk [tilespmem:v6+s19+$0x0], $0xffff;
	_ =	sdelay $0x2  }
0x29d: {  	s31 =	sld [smem:$0x7FD]  }
0x29e: {  	s0 =	sadd.s32 $0x10, s0  }
.Ltmp22:
0x29f: {  	s2 =	simm.s32 $0x12DC0;
	[tilespmem:s0+$0x0] =	vst v5;
	(pc) =	sbr.rel .LBB2_41-.Ltmp22, $4  }
0x2a0: {  	[hbm4b:s31+s3] =	stream.linear.scatter [tilespmem:s2], [sflag:$0x4], $0x7D0, $0x38;
	[tilespmem:$0x1F8E0] =	vst v63  }
0x2a1: {  	_ =	swait.ge [sflag:s20], $0x7D0  }
0x2a2: {  	[sflag:s20] =	ssyncset.done $0x0  }
0x2a3: {  	[sflag:s20] =	ssyncadd.s32 $0xFFFFF830  }
.LBB2_42:
0x2a4: {  	_ =	sfence.sel $0x180000  }
0x2a5: {  	[bflag:$0x0] =	sbarrier.arrive $0xFFFF  }
0x2a6: {  	_ =	strace $0x9000004A  }
0x2a7: {  	s0 =	stileid.u32;
	[bflag:$0x2] =	sbarrier.arrive $0xFFFF  }
0x2a8: {  	p0 =	sne.s32 s0, $0x0;
	s0 =	rddreg [dreg:$0x2]  }
0x2a9: {  	s0 =	sadd.s32 @!p0 $0x100000, s0  }
0x2aa: {  	[sflag:s0] =	ssyncadd.tile.s32 @!p0 $0x1;
	_ =	shalt  }
.Lfunc_end2:
_tile_overlayer_lowered:
.L_overlay_start_2:
0x2ab: {  	(tag) =	ssettag $0x2  }
0x2ac: {  	s0 =	rddreg [dreg:$0x0];
	s2 =	stileid.u32  }
0x2ad: {  	s1 =	rddreg [dreg:$0x1];
	p0 =	sne.s32 s2, $0x0  }
0x2ae: {  	s3 =	rddreg [dreg:$0x2];
	[bflag:$0x3] =	sbarrier.arrive $0xFFFF;
	s2 =	simm.s32 @!p0 $0x1C04  }
0x2af: {  	[timem:s3], [sflag:s2] =	dma.local @!p0 [hbm:s0], s1  }
0x2b0: {  	s0 =	simm.s32 @!p0 $0x4  }
0x2b1: {  	_ =	swait.ge @!p0 [sflag:s0], s1  }
0x2b2: {  	s1 =	ssub.s32 @!p0 $0x0, s1;
	[sflag:s0] =	ssyncset.done @!p0 $0x0  }
0x2b3: {  	[sflag:s0] =	ssyncadd.s32 @!p0 s1  }
0x2b4: {  	[bflag:$0x3] =	sbarrier.arrive $0xFFFF  }
0x2b5: {  	_ =	shalt  }

// kernel: sparse-core-data-format-call.cloned.1.call-start
scs
called_computation_lowered:
.L_overlay_start_0:
0x0: {  	s2 =	sld [smem:$0x3FD9]  }
0x1: {  	s3 =	sld [smem:$0x3FFE];
	_ =	sdelay $0x1  }
0x2: {  	s1 =	srdreg.scid  }
0x3: {  	s0 =	sand.u32 $0x1, s1  }
0x4: {  	s18 =	sshll.u32 s0, $0xA;
	s2 =	sadd.s32 s3, s2  }
0x5: {  	s2 =	sadd.s32 s2, s18  }
0x6: {  	[smem:$0x3FC6] =	sst s2  }
0x7: {  	_ = 	snop  }
0x8: {  	s2 =	sld [smem:$0x3FC8];
	(tm) =	ssettm $0x1  }
0x9: {  	s19 =	sld [smem:$0x3FFB];
	_ =	sdelay $0x3  }
0xa: {  	_ =	strace s19  }
0xb: {  	s3 =	sld [smem:$0x3FFC];
	_ =	sdelay $0x3  }
0xc: {  	_ =	strace s3  }
0xd: {  	s3 =	sld [smem:$0x3FFD];
	_ =	sdelay $0x3  }
0xe: {  	_ =	strace s3  }
0xf: {  	_ =	strace $0x8FFFFFFF  }
0x10: {  	s20 =	sld [smem:$0x3FDB];
	_ =	sdelay $0x1  }
0x11: {  	s4 =	simm.s32 $_scs_section_size  }
0x12: {  	s5 =	simm.s32 $_size__tile_overlayer_lowered;
	s6 =	simm.s32 $_tile_overlayer_lowered  }
0x13: {  	s23 =	simm.s32 $0x1BFF;
	s22 =	sshll.u32 s6, $0x1;
	s3 =	sadd.s32 s4, s20  }
0x14: {  	s7 =	simm.s32 $0x0;
	s21 =	sshll.u32 s5, $0x1;
	s5 =	sadd.s32 s22, s3  }
0x15: {  	[timem:s7], [sflag:s23] =	dma.local [hbm:s5], s21  }
0x16: {  	_ =	swait.ge [sflag:s23], s21  }
0x17: {  	s4 =	ssub.s32 $0x0, s21;
	[sflag:s23] =	ssyncset.done $0x0  }
0x18: {  	[sflag:s23] =	ssyncadd.s32 s4;
	_ =	sdelay $0x1  }
0x19: {  	s24 =	simm.s32 $0x1B8B  }
0x1a: {  	_ =	swait.ge [sflag:s24], $0x1  }
0x1b: {  	[sflag:s24] =	ssyncset.done $0x0  }
0x1c: {  	s26 =	simm.s32 $0x1B8E;
	s25 =	sld [smem:$0x3FFE];
	[sflag:s24] =	ssyncadd.s32 $0xFFFFFFFF  }
0x1d: {  	s27 =	simm.s32 $execute0_lowered;
	[smem:$0x3FD2] =	sst s26  }
0x1e: {  	s5 =	sshll.u32 s27, $0x1;
	_ =	strace $0x80000046;
	[dreg:$0x1] =	wrdreg $0xFFFFFFFF  }
0x1f: {  	s28 =	simm.s32 $_size_execute0_lowered;
	s3 =	sadd.s32 s3, s5;
	[dreg:$0x0] =	wrdreg $0x0  }
0x20: {  	s5 =	sshll.u32 s28, $0x1;
	[dreg:$0x2] =	wrdreg s3  }
0x21: {  	[dreg:$0x3] =	wrdreg s5  }
0x22: {  	[dreg:$0x4] =	wrdreg $0xC0  }
0x23: {  	_ =	task [dreg:s7], $0x5FFFF  }
0x24: {  	[dreg:$0x1] =	wrdreg $0xFFFFFFFF  }
0x25: {  	[dreg:$0x0] =	wrdreg $0x60  }
0x26: {  	[dreg:$0x2] =	wrdreg s2  }
0x27: {  	[dreg:$0x3] =	wrdreg s25  }
0x28: {  	[dreg:$0x4] =	wrdreg $0x9  }
0x29: {  	_ =	task.clear_ibuf [dreg:s7], $0x5FFFF;
	_ =	strace $0x90000046  }
0x2a: {  	s29 =	simm.s32 $0x9;
	_ =	strace $0x80000048  }
0x2b: {  	_ =	swait.ge [sflag:s29], $0x1  }
0x2c: {  	[sflag:s29] =	ssyncadd.s32 $0xFFFFFFFF  }
0x2d: {  	_ =	strace $0x90000048  }
0x2e: {  	_ =	sfence  }
0x2f: {  	s30 =	sld [smem:$0x0];
	_ =	sdelay $0x2  }
0x30: {  	s31 =	sshll.u32 s1, $0xD;
	s1 =	sshrl.u32 s1, $0x2  }
0x31: {  	s3 =	sand.u32 $0x4000, s31;
	s1 =	sadd.s32 s1, s30  }
0x32: {  	s0 =	sor.u32 s3, s0;
	s1 =	sshll.u32 s1, $0x11  }
0x33: {  	s0 =	sor.u32 s1, s0  }
0x34: {  	s0 =	sadd.s32 $0x8F2B, s0  }
0x35: {  	[sflag:s0] =	ssyncadd.remote.s32 $0x1  }
0x36: {  	_ =	sfence.sel $0xFFFF  }
0x37: {  	[dreg:$0x0] =	wrdreg $0xFFFFFFFF;
	(pc) =	sbr.abs _section_cstart, $3  }
0x38: {  	[dreg:$0x1] =	wrdreg $0xFFFFFFFF  }
0x39: {  	_ =	task.clear_ibuf [dreg:s7], $0x2FFFF;
	_ =	strace $0x9FFFFFFF  }
0x3a: {  	(tm) =	ssettm $0x7FFFFFFF  }
0x3b: {  	_ =	shalt  }
tec
execute0_lowered:
.L_overlay_start_1:
0x0: {  	(tag) =	ssettag $0x1  }
0x1: {  	s0 =	stileid.u32;
	s7 =	rddreg [dreg:$0x0]  }
0x2: {  	s1 =	srdreg.scid;
	s4 =	rddreg [dreg:$0x1]  }
0x3: {  	s30 =	simm.s32 $0x2;
	s10 =	simm.s32 $0x0;
	s14 =	simm.s32 $0x0  }
0x4: {  	s15 =	simm.s32 $0x0;
	s11 =	simm.s32 $0x0;
	s13 =	simm.s32 $0x0  }
0x5: {  	s2 =	sand.u32 $0x1, s1;
	s3 =	sshll.u32 s0, $0x7;
	s1 =	rddreg [dreg:$0x2]  }
0x6: {  	_ =	strace $0x80000047;
	s5 =	ssub.s32 $0xC300, s3;
	s6 =	ssub.s32 $0x2, s2  }
.Ltmp0:
0x7: {  	s5 =	sshrl.u32 s5, $0xB;
	s8 =	sshrl.u32 s6, $0x1;
	(pc) =	sbr.rel .LBB1_1-.Ltmp0, $4  }
0x8: {  	s4 =	sadd.s32 $0xC00, s4;
	s9 =	sadd.s32 $0x1, s5;
	s6 =	ssub.s32 s6, s8  }
0x9: {  	s31 =	sshll.u32 s2, $0x4;
	s5 =	simm.s32 $0x1;
	s6 =	smul.u32 s9, s6  }
0xa: {  	s12 =	smov.u32 s3;
	s7 =	sadd.s32 s7, s31;
	[sflag:s5] =	ssyncpa.u1 $0x0  }
0xb: {  	s9 =	simm.s32 $0x0;
	[sflag:s30] =	ssyncpa.u1 $0x0;
	s8 =	sadd.s32 $0x1, s6  }
.LBB1_4:
0xc: {  	s21 =	simm.s32 $0x0  }
.LBB1_8:
0xd: {  	_ =	sdelay $0x3  }
0xe: {  	v6 =	vld [tilespmem:s18+$0xFFFFFFC0];
	[tilespmem:v0+s20+$0x30 ss:$0x1] =	vst.idx.msk @p0 $0xffff, v2  }
0xf: {  	v58 =	vld [tilespmem:s18+$0xFFFFFFD0];
	[tilespmem:v0+s20+$0x40 ss:$0x1] =	vst.idx.msk @p0 $0xffff, v3;
	s21 =	sadd.s32 @p0 $0x80, s21  }
0x10: {  	v59 =	vld [tilespmem:s18+$0xFFFFFFE0];
	[tilespmem:v0+s20+$0x50 ss:$0x1] =	vst.idx.msk @p0 $0xffff, v5;
	s19 =	smov.u32 @p0 s21  }
0x11: {  	v60 =	vld [tilespmem:s18+$0xFFFFFFF0];
	[tilespmem:v0+s20+$0x60 ss:$0x1] =	vst.idx.msk @p0 $0xffff, v4;
	s19 =	sand.u32 $0x3F80, s19  }
0x12: {  	v61 =	vld [tilespmem:s18+$0x0];
	[tilespmem:v0+s19+$0x70 ss:$0x1] =	vst.idx.msk $0xffff, v1  }
0x13: {  	v62 =	vld [tilespmem:s18+$0x10];
	[tilespmem:v0+s19+$0x0 ss:$0x1] =	vst.idx.msk $0xffff, v6  }
0x14: {  	v63 =	vld [tilespmem:s18+$0x20];
	[tilespmem:v0+s19+$0x10 ss:$0x1] =	vst.idx.msk $0xffff, v58  }
0x15: {  	[tilespmem:v0+s19+$0x20 ss:$0x1] =	vst.idx.msk $0xffff, v59  }
0x16: {  	[tilespmem:v0+s19+$0x30 ss:$0x1] =	vst.idx.msk $0xffff, v60  }
0x17: {  	[tilespmem:v0+s19+$0x40 ss:$0x1] =	vst.idx.msk $0xffff, v61  }
0x18: {  	[tilespmem:v0+s19+$0x50 ss:$0x1] =	vst.idx.msk $0xffff, v62  }
0x19: {  	[tilespmem:v0+s19+$0x60 ss:$0x1] =	vst.idx.msk $0xffff, v63  }
.LBB1_9:
0x1a: {  	s18 =	sand.u32 $0x1FFFFFF, s11  }
0x1b: {  	s19 =	smulhi.u32 $0x14F8B59, s18;
	_ =	sdelay $0x1  }
0x1c: {  	s19 =	sshrl.u32 s19, $0x8  }
0x1d: {  	s19 =	smul.u32 $0xC350, s19  }
0x1e: {  	s15 =	smul.u32 $0xC3500, s15  }
0x1f: {  	s18 =	ssub.s32 s18, s19  }
0x20: {  	s15 =	sadd.s32 s4, s15;
	s18 =	sshll.u32 s18, $0x4  }
0x21: {  	s15 =	sadd.s32 s18, s15  }
0x22: {  	[hbm4b:s15+s9] =	stream.linear.scatter [tilespmem:s17], [sflag:$0x2], s16, $0x38;
	[tilespmem:$0x10000] =	vst v63  }
.LBB1_10:
0x23: {  	p0 =	slt.u32 s13, $0x2  }
0x24: {  	p1 =	sgt.s32 @!p0 s14, $0xC2D0  }
0x25: {  	s15 =	smov.u32 s14;
	s16 =	sshra.s32 @!p0 s14, $0x1F;
	p1 =	por !p1, p0  }
0x26: {  	s14 =	sand.u32 @!p0 s16, s14;
	s15 =	simm.s32 @p1 $0xC2D0  }
0x27: {  	s14 =	ssub.s32 @!p0 s15, s14  }
0x28: {  	s14 =	sadd.s32 @!p0 $0xFFFF3D30, s14  }
0x29: {  	s15 =	sshll.u32 @!p0 s14, $0x7  }
0x2a: {  	p1 =	sgt.s32 @!p0 s14, $0x7F;
	s14 =	ssub.s32 @!p0 $0x4000, s15  }
0x2b: {  	s16 =	sadd.s32 $0x800, s12;
	p1 =	por !p1, p0;
	s14 =	sand.u32 @!p0 $0x3FFFFF80, s14  }
0x2c: {  	s14 =	simm.s32 @!p1 $0x0;
	p1 =	sgt.s32 s16, $0xC34F  }
0x2d: {  	s16 =	smov.u32 @p1 s3;
	p1 =	sne.s32 s13, s8  }
.Ltmp1:
0x2e: {  	_ = 	snop;
	(pc) =	sbr.rel @!p1 .LBB1_11-.Ltmp1, $4  }
0x2f: {  	s10 =	sadd.s32 $0x4000, s10;
	s15 =	simm.s32 @!p0 $0x2  }
0x30: {  	_ =	swait.ge @!p0 [sflag:s15], s14;
	s17 =	ssub.s32 @!p0 $0x0, s14;
	s14 =	smov.u32 s11  }
0x31: {  	s13 =	sadd.s32 $0x1, s13;
	s11 =	smov.u32 s12;
	[sflag:s15] =	ssyncset.done @!p0 $0x0  }
0x32: {  	s12 =	smov.u32 s16;
	[sflag:s15] =	ssyncadd.s32 @!p0 s17;
	s15 =	smov.u32 s2  }
.LBB1_1:
0x33: {  	p0 =	sge.u32 s13, s6  }
0x34: {  	p1 =	sgt.s32 @!p0 s12, $0xC2D0  }
0x35: {  	s16 =	smov.u32 s12;
	s17 =	sshra.s32 @!p0 s12, $0x1F;
	p1 =	por !p1, p0  }
0x36: {  	s17 =	sand.u32 @!p0 s17, s12;
	s16 =	simm.s32 @p1 $0xC2D0  }
0x37: {  	s16 =	ssub.s32 @!p0 s16, s17  }
0x38: {  	s31 =	sadd.s32 $0xFFFFFFFF, s13;
	s18 =	sxor.u32 @!p0 $0xFFFFFFFF, s13;
	s16 =	sadd.s32 @!p0 $0xFFFF3D30, s16  }
0x39: {  	s19 =	simm.s32 @!p0 $0x80;
	s20 =	simm.s32 @!p0 $0x100;
	s17 =	sshll.u32 @!p0 s16, $0x7  }
0x3a: {  	p1 =	sgt.s32 @!p0 s16, $0x7F;
	s16 =	ssub.s32 @!p0 $0x4000, s17;
	s17 =	sshll.u32 @!p0 s18, $0xE  }
0x3b: {  	p1 =	por !p1, p0;
	s18 =	sshll.u32 @!p0 s12, $0x5;
	s16 =	sand.u32 @!p0 $0x3FFFFF80, s16  }
0x3c: {  	s17 =	sand.u32 @!p0 $0x4000, s17;
	s18 =	sadd.s32 @!p0 s18, s7;
	s16 =	simm.s32 @!p1 $0x0  }
0x3d: {  	[tilespmem:s17], [sflag:$0x1] =	stream.strided.gather @!p0 [hbm4b:s18+s19], s16, s20, s19, $0x38;
	[tilespmem:$0x10000] =	vst v63  }
0x3e: {  	p0 =	sge.u32 s31, s6  }
.Ltmp2:
0x3f: {  	_ = 	snop;
	(pc) =	sbr.rel @p0 .LBB1_10-.Ltmp2, $1  }
0x40: {  	_ =	sdelay $0x3  }
0x41: {  	p0 =	sgt.s32 s11, $0xC2D0;
	s16 =	smov.u32 s11;
	s17 =	sshra.s32 s11, $0x1F  }
0x42: {  	s16 =	simm.s32 @!p0 $0xC2D0;
	s17 =	sand.u32 s17, s11  }
0x43: {  	s16 =	ssub.s32 s16, s17  }
0x44: {  	s16 =	sadd.s32 $0xFFFF3D30, s16  }
0x45: {  	s30 =	sshll.u32 s16, $0x7  }
0x46: {  	s17 =	ssub.s32 $0x4000, s30  }
0x47: {  	p0 =	sgt.s32 s16, $0x7F;
	s16 =	sand.u32 $0x3FFFFF80, s17;
	s17 =	sadd.s32 $0x80, s11  }
0x48: {  	s16 =	simm.s32 @p0 $0x0;
	p0 =	slt.s32 s17, $0xC350  }
0x49: {  	s17 =	simm.s32 @!p0 $0xC350  }
0x4a: {  	s20 =	ssub.s32 s17, s11  }
0x4b: {  	p0 =	slt.s32 s20, $0x1  }
.Ltmp3:
0x4c: {  	_ = 	snop;
	(pc) =	sbr.rel @p0 .LBB1_9-.Ltmp3, $4  }
0x4d: {  	_ = 	snop  }
0x4e: {  	s19 =	sshll.u32 s13, $0xE;
	_ =	swait.ge [sflag:s5], s16  }
0x4f: {  	s31 =	sand.u32 $0x4000, s19;
	s18 =	ssub.s32 $0x0, s16;
	[sflag:s5] =	ssyncset.done $0x0  }
0x50: {  	s17 =	sor.u32 $0x8000, s31;
	[sflag:s5] =	ssyncadd.s32 s18  }
0x51: {  	p1 =	sne.s32 s20, $0x1  }
.Ltmp4:
0x52: {  	v0 =	vmov s17;
	(pc) =	sbr.rel @!p1 .LBB1_4-.Ltmp4, $4  }
0x53: {  	_ = 	snop  }
0x54: {  	s18 =	sand.u32 $0x4000, s10  }
0x55: {  	s18 =	sor.u32 $0x40, s18  }
0x56: {  	s19 =	simm.s32 $0x0;
	s21 =	sadd.s32 $0xFFFFFFFF, s20;
	p0 =	por $0x0, $0x0;
	v1 =	vld [tilespmem:s18+$0x30]  }
0x57: {  	v4 =	vld [tilespmem:s18+$0xFFFFFFC0]  }
0x58: {  	v6 =	vld [tilespmem:s18+$0xFFFFFFD0]  }
0x59: {  	v7 =	vld [tilespmem:s18+$0xFFFFFFE0];
	p1 =	sne.s32 s21, $0x1  }
.Ltmp5:
0x5a: {  	v2 =	vld [tilespmem:s18+$0xFFFFFFF0];
	s20 =	sand.u32 $0x3F80, s19;
	(pc) =	sbr.rel @!p1 .LBB1_6-.Ltmp5, $4  }
0x5b: {  	v3 =	vld [tilespmem:s18+$0x0];
	[tilespmem:v0+s20+$0x70 ss:$0x1] =	vst.idx.msk $0xffff, v1  }
0x5c: {  	v5 =	vld [tilespmem:s18+$0x10];
	[tilespmem:v0+s20+$0x0 ss:$0x1] =	vst.idx.msk $0xffff, v4  }
0x5d: {  	v4 =	vld [tilespmem:s18+$0x20];
	[tilespmem:v0+s20+$0x10 ss:$0x1] =	vst.idx.msk $0xffff, v6;
	s18 =	sadd.s32 $0x80, s18  }
0x5e: {  	s22 =	sadd.s32 $0xFFFFFFFF, s21;
	p0 =	por $0x1, $0x1;
	s21 =	simm.s32 $0x0;
	[tilespmem:v0+s20+$0x20 ss:$0x1] =	vst.idx.msk $0xffff, v7;
	v1 =	vld [tilespmem:s18+$0x30]  }
.LBB1_7:
0x5f: {  	p1 =	sne.s32 s22, $0x1;
	v6 =	vld [tilespmem:s18+$0xFFFFFFC0];
	[tilespmem:v0+s20+$0x30 ss:$0x1] =	vst.idx.msk $0xffff, v2  }
0x60: {  	v7 =	vld [tilespmem:s18+$0xFFFFFFD0];
	[tilespmem:v0+s20+$0x40 ss:$0x1] =	vst.idx.msk $0xffff, v3  }
0x61: {  	s21 =	sadd.s32 $0x80, s21;
	v8 =	vld [tilespmem:s18+$0xFFFFFFE0];
	[tilespmem:v0+s20+$0x50 ss:$0x1] =	vst.idx.msk $0xffff, v5  }
.Ltmp6:
0x62: {  	v2 =	vld [tilespmem:s18+$0xFFFFFFF0];
	[tilespmem:v0+s20+$0x60 ss:$0x1] =	vst.idx.msk $0xffff, v4;
	s20 =	sand.u32 $0x3F80, s21;
	(pc) =	sbr.rel @p1 .LBB1_7-.Ltmp6, $4  }
0x63: {  	v3 =	vld [tilespmem:s18+$0x0];
	[tilespmem:v0+s20+$0x70 ss:$0x1] =	vst.idx.msk $0xffff, v1  }
0x64: {  	[tilespmem:v0+s20+$0x0 ss:$0x1] =	vst.idx.msk $0xffff, v6;
	v5 =	vld [tilespmem:s18+$0x10]  }
0x65: {  	[tilespmem:v0+s20+$0x10 ss:$0x1] =	vst.idx.msk $0xffff, v7;
	v4 =	vld [tilespmem:s18+$0x20];
	s18 =	sadd.s32 $0x80, s18  }
0x66: {  	s22 =	sadd.s32 $0xFFFFFFFF, s22;
	v1 =	vld [tilespmem:s18+$0x30];
	[tilespmem:v0+s20+$0x20 ss:$0x1] =	vst.idx.msk $0xffff, v8  }
.Ltmp7:
0x67: {  	_ = 	snop;
	(pc) =	sbr.rel .LBB1_8-.Ltmp7, $1  }
0x68: {  	_ =	sdelay $0x3  }
.LBB1_6:
.Ltmp8:
0x69: {  	(pc) =	sbr.rel .LBB1_8-.Ltmp8, $2  }
0x6a: {  	_ =	sdelay $0x2  }
0x6b: {  	s21 =	simm.s32 $0x0  }
.LBB1_11:
0x6c: {  	_ =	sfence.sel $0x180000  }
0x6d: {  	s2 =	simm.s32 $0x1;
	[bflag:$0x0] =	sbarrier.arrive $0xFFFF  }
0x6e: {  	s31 =	simm.s32 $0x2;
	[sflag:s2] =	ssyncpa.u1 $0x1  }
0x6f: {  	[sflag:s31] =	ssyncpa.u1 $0x1  }
0x70: {  	p0 =	sne.s32 s0, $0x0;
	_ =	strace $0x90000047  }
0x71: {  	s0 =	sadd.s32 @!p0 $0x100000, s1;
	[bflag:$0x2] =	sbarrier.arrive $0xFFFF  }
0x72: {  	[sflag:s0] =	ssyncadd.tile.s32 @!p0 $0x1;
	_ =	shalt  }
.Lfunc_end1:
_tile_overlayer_lowered:
.L_overlay_start_2:
0x73: {  	(tag) =	ssettag $0x2  }
0x74: {  	s0 =	rddreg [dreg:$0x0];
	s2 =	stileid.u32  }
0x75: {  	s1 =	rddreg [dreg:$0x1];
	p0 =	sne.s32 s2, $0x0  }
0x76: {  	s3 =	rddreg [dreg:$0x2];
	[bflag:$0x3] =	sbarrier.arrive $0xFFFF;
	s2 =	simm.s32 @!p0 $0x1C01  }
0x77: {  	[timem:s3], [sflag:s2] =	dma.local @!p0 [hbm:s0], s1  }
0x78: {  	s0 =	simm.s32 @!p0 $0x1  }
0x79: {  	_ =	swait.ge @!p0 [sflag:s0], s1  }
0x7a: {  	s1 =	ssub.s32 @!p0 $0x0, s1;
	[sflag:s0] =	ssyncset.done @!p0 $0x0  }
0x7b: {  	[sflag:s0] =	ssyncadd.s32 @!p0 s1  }
0x7c: {  	[bflag:$0x3] =	sbarrier.arrive $0xFFFF  }
0x7d: {  	_ =	shalt  }

</sc_bundles>
